<compile_context>
chip_gen: v7x
topology: tpu7x:2x2x1
jax: 0.10.2.dev20260603
libtpu: 0.0.44.dev20260713+nightly
codegen_flags: <defaults>
</compile_context>

<pallas_src>
import functools

import jax
import jax.numpy as jnp
from jax import lax
from jax.experimental import pallas as pl
from jax.experimental.pallas import tpu as pltpu
from jax.experimental.pallas import tpu_sc as plsc

N = 10000
E = 320000
D = 128
OUT = 128

NC = 2
NS = 16
NW = NC * NS

CHUNK = 80
EDGES_PER_TILE = E // NW
NCHUNKS = EDGES_PER_TILE // CHUNK
ROWS_MAIN = 624
ROW0_LAST = ROWS_MAIN * (NS - 1)
ROWS_LAST = N - ROW0_LAST


def _segsum_sc(h, src, dst):
    mesh = plsc.VectorSubcoreMesh(core_axis_name="c", subcore_axis_name="s",
                                  num_cores=NC, num_subcores=NS)

    @functools.partial(
        pl.kernel,
        mesh=mesh,
        out_type=[
            jax.ShapeDtypeStruct((N, D), jnp.float32),
            jax.ShapeDtypeStruct((N, D), jnp.float32),
        ],
        scratch_types=[
            pltpu.VMEM_SHARED((N, D), jnp.float32),
            pltpu.VMEM((CHUNK,), jnp.int32),
            pltpu.VMEM((CHUNK,), jnp.int32),
            pltpu.VMEM((CHUNK,), jnp.int32),
            pltpu.VMEM((CHUNK,), jnp.int32),
            pltpu.VMEM((CHUNK,), jnp.int32),
            pltpu.VMEM((CHUNK,), jnp.int32),
            pltpu.VMEM((CHUNK, D), jnp.float32),
            pltpu.VMEM((CHUNK, D), jnp.float32),
            pltpu.VMEM((CHUNK, D), jnp.float32),
            pltpu.SemaphoreType.DMA,
            pltpu.SemaphoreType.DMA,
            pltpu.SemaphoreType.DMA,
            pltpu.SemaphoreType.DMA,
            pltpu.SemaphoreType.DMA,
            pltpu.SemaphoreType.DMA,
        ],
    )
    def k(h_hbm, src_hbm, dst_hbm, out0_hbm, out1_hbm,
          acc, sidx0, didx0, sidx1, didx1, sidx2, didx2,
          r0, r1, r2, g0, g1, g2, s0, s1, s2):
        c = lax.axis_index("c")
        s = lax.axis_index("s")
        wid = c * NS + s
        sidx = (sidx0, sidx1, sidx2)
        didx = (didx0, didx1, didx2)
        bufs = (r0, r1, r2)
        gsem = (g0, g1, g2)
        ssem = (s0, s1, s2)

        zr = CHUNK

        def zb(i, _):
            r = i // (D // 16)
            col = (i % (D // 16)) * 16
            r0[r, pl.ds(col, 16)] = jnp.zeros((16,), jnp.float32)
            return 0
        lax.fori_loop(0, zr * (D // 16), zb, 0)

        def zero_rows(row0, nrows):
            done = 0
            while done < nrows:
                nr = min(zr, nrows - done)
                pltpu.sync_copy(r0.at[pl.ds(0, nr)],
                                acc.at[pl.ds(row0 + done, nr)])
                done += nr

        @pl.when(s < NS - 1)
        def _():
            zero_rows(s * ROWS_MAIN, ROWS_MAIN)

        @pl.when(s == NS - 1)
        def _():
            zero_rows(ROW0_LAST, ROWS_LAST)

        plsc.subcore_barrier()

        base0 = wid * EDGES_PER_TILE

        def prefetch(j, b):
            base = base0 + j * CHUNK
            pltpu.sync_copy(src_hbm.at[pl.ds(base, CHUNK)], sidx[b])
            pltpu.sync_copy(dst_hbm.at[pl.ds(base, CHUNK)], didx[b])
            pltpu.async_copy(h_hbm.at[sidx[b]], bufs[b], gsem[b])

        def sdrain(b2):
            pltpu.make_async_copy(bufs[b2], acc.at[didx[b2]],
                                  ssem[b2]).wait()

        def step(j, b, do_prefetch, do_sdrain):
            if do_sdrain:
                sdrain((b + 2) % 3)
            if do_prefetch:
                prefetch(j + 2, (b + 2) % 3)
            pltpu.make_async_copy(h_hbm.at[sidx[b]], bufs[b], gsem[b]).wait()
            pltpu.async_copy(bufs[b], acc.at[didx[b]], ssem[b], add=True)

        prefetch(0, 0)
        prefetch(1, 1)
        step(0, 0, True, False)
        step(1, 1, True, True)
        step(2, 2, True, True)

        def grp(g, _):
            j0 = g * 3
            step(j0 + 0, 0, True, True)
            step(j0 + 1, 1, True, True)
            step(j0 + 2, 2, True, True)
            return 0
        lax.fori_loop(1, (NCHUNKS - 2) // 3, grp, 0)

        step(NCHUNKS - 2, (NCHUNKS - 2) % 3, False, True)
        step(NCHUNKS - 1, (NCHUNKS - 1) % 3, False, True)
        sdrain((NCHUNKS - 1) % 3)

        plsc.subcore_barrier()

        def flush(out_hbm):
            @pl.when(s < NS - 1)
            def _():
                pltpu.sync_copy(acc.at[pl.ds(s * ROWS_MAIN, ROWS_MAIN)],
                                out_hbm.at[pl.ds(s * ROWS_MAIN, ROWS_MAIN)])

            @pl.when(s == NS - 1)
            def _():
                pltpu.sync_copy(acc.at[pl.ds(ROW0_LAST, ROWS_LAST)],
                                out_hbm.at[pl.ds(ROW0_LAST, ROWS_LAST)])

        @pl.when(c == 0)
        def _():
            flush(out0_hbm)

        @pl.when(c == 1)
        def _():
            flush(out1_hbm)

    return k(h, src, dst)


_BR = 2000


def _dotT(a, w):
    return lax.dot_general(a, w, (((1,), (1,)), ((), ())),
                           preferred_element_type=jnp.float32)


def _lin1_body(p0, p1, x, wr, wt, b, o):
    agg = p0[...] + p1[...]
    o[...] = _dotT(agg, wr[...]) + _dotT(x[...], wt[...]) + b[...]


def _lin1(p0, p1, x, W_rel, W_root, b_rel):
    grid = (N // _BR,)
    row = pl.BlockSpec((_BR, D), lambda i: (i, 0))
    full = pl.BlockSpec((D, D), lambda i: (0, 0))
    bias = pl.BlockSpec((1, D), lambda i: (0, 0))
    return pl.pallas_call(
        _lin1_body,
        grid=grid,
        in_specs=[row, row, row, full, full, bias],
        out_specs=row,
        out_shape=jax.ShapeDtypeStruct((N, D), jnp.float32),
    )(p0, p1, x, W_rel, W_root, b_rel.reshape(1, D))


def _lin2_body(q0, q1, h, wfc, wr, wt, b1, bfc, o):
    g1 = jnp.dot(wfc[...], wr[...], preferred_element_type=jnp.float32)
    g2 = jnp.dot(wfc[...], wt[...], preferred_element_type=jnp.float32)
    agg = q0[...] + q1[...]
    cvec = _dotT(b1[...], wfc[...]) + bfc[...]
    o[...] = _dotT(agg, g1) + _dotT(h[...], g2) + cvec


def _lin2(q0, q1, h, W_fc, W_rel, W_root, b_rel, b_fc):
    grid = (N // _BR,)
    row = pl.BlockSpec((_BR, D), lambda i: (i, 0))
    full = pl.BlockSpec((D, D), lambda i: (0, 0))
    fc = pl.BlockSpec((OUT, D), lambda i: (0, 0))
    bias = pl.BlockSpec((1, D), lambda i: (0, 0))
    bias_o = pl.BlockSpec((1, OUT), lambda i: (0, 0))
    out_row = pl.BlockSpec((_BR, OUT), lambda i: (i, 0))
    return pl.pallas_call(
        _lin2_body,
        grid=grid,
        in_specs=[row, row, row, fc, full, full, bias, bias_o],
        out_specs=out_row,
        out_shape=jax.ShapeDtypeStruct((N, OUT), jnp.float32),
    )(q0, q1, h, W_fc, W_rel, W_root, b_rel.reshape(1, D), b_fc.reshape(1, OUT))


def kernel(x, edge_index, batch, W_rel0, b_rel0, W_root0,
           W_rel1, b_rel1, W_root1, W_fc, b_fc):
    src = edge_index[0]
    dst = edge_index[1]
    p0, p1 = _segsum_sc(x, src, dst)
    h1 = _lin1(p0, p1, x, W_rel0, W_root0, b_rel0)
    q0, q1 = _segsum_sc(h1, src, dst)
    return _lin2(q0, q1, h1, W_fc, W_rel1, W_root1, b_rel1, b_fc)

# --- scband reference (transcript-rebuilt; emitter-appended) ---
"""Pipeline reference for scband-graph-neural-network-54056458388016 (READ-ONLY COPY).

The authoritative reference and input builder live on the scoring server;
editing this copy changes nothing except your own understanding.
"""

import jax, jax.numpy as jnp
import numpy as np

N = 10000
E = 320000
D = 128
OUT = 128


def setup_inputs(seed: int = 0) -> dict:
    key = jax.random.key(seed)
    ks = jax.random.split(key, 12)
    x = jax.random.normal(ks[0], (N, D), dtype=jnp.float32)
    edge_index = jax.random.randint(ks[1], (2, E), 0, N, dtype=jnp.int32)
    batch = jnp.zeros((N,), dtype=jnp.int32)
    s = 1.0 / np.sqrt(D)
    W_rel0 = jax.random.uniform(ks[2], (D, D), dtype=jnp.float32, minval=-s, maxval=s)
    b_rel0 = jax.random.uniform(ks[3], (D,), dtype=jnp.float32, minval=-s, maxval=s)
    W_root0 = jax.random.uniform(ks[4], (D, D), dtype=jnp.float32, minval=-s, maxval=s)
    W_rel1 = jax.random.uniform(ks[5], (D, D), dtype=jnp.float32, minval=-s, maxval=s)
    b_rel1 = jax.random.uniform(ks[6], (D,), dtype=jnp.float32, minval=-s, maxval=s)
    W_root1 = jax.random.uniform(ks[7], (D, D), dtype=jnp.float32, minval=-s, maxval=s)
    W_fc = jax.random.uniform(ks[8], (OUT, D), dtype=jnp.float32, minval=-s, maxval=s)
    b_fc = jax.random.uniform(ks[9], (OUT,), dtype=jnp.float32, minval=-s, maxval=s)
    return {"x": x, "edge_index": edge_index, "batch": batch,
            "W_rel0": W_rel0, "b_rel0": b_rel0, "W_root0": W_root0,
            "W_rel1": W_rel1, "b_rel1": b_rel1, "W_root1": W_root1,
            "W_fc": W_fc, "b_fc": b_fc}


def _graph_conv(h, src, dst, W_rel, b_rel, W_root):
    # PyG GraphConv (aggr='add'): out = lin_rel(sum_{j->i} x_j) + lin_root(x_i)
    msgs = jnp.take(h, src, axis=0)
    agg = jax.ops.segment_sum(msgs, dst, num_segments=N)
    return agg @ W_rel.T + b_rel + h @ W_root.T


def reference(x, edge_index, batch, W_rel0, b_rel0, W_root0, W_rel1, b_rel1, W_root1, W_fc, b_fc):
    src = edge_index[0]
    dst = edge_index[1]
    h = _graph_conv(x, src, dst, W_rel0, b_rel0, W_root0)
    h = _graph_conv(h, src, dst, W_rel1, b_rel1, W_root1)
    out = h @ W_fc.T + b_fc
    return out

if __name__ == "__main__":
    import jax
    _d = setup_inputs()
    print(jax.jit(kernel)(*tuple(_d.values())))

</pallas_src>

<mosaic_0001>
#map = affine_map<(d0, d1) -> (0, 0)>
#map1 = affine_map<(d0, d1) -> (0)>
module attributes {stable_mosaic.version = 14 : i64} {
  func.func @k(%arg0: i32, %arg1: i32, %arg2: memref<10000x128xf32, #tpu.memory_space<hbm>>, %arg3: memref<320000xi32, #tpu.memory_space<hbm>>, %arg4: memref<320000xi32, #tpu.memory_space<hbm>>, %arg5: memref<10000x128xf32, #tpu.memory_space<hbm>>, %arg6: memref<10000x128xf32, #tpu.memory_space<hbm>>, %arg7: memref<10000x128xf32, #tpu.memory_space<vmem_shared>>, %arg8: memref<80xi32, #tpu.memory_space<vmem>>, %arg9: memref<80xi32, #tpu.memory_space<vmem>>, %arg10: memref<80xi32, #tpu.memory_space<vmem>>, %arg11: memref<80xi32, #tpu.memory_space<vmem>>, %arg12: memref<80xi32, #tpu.memory_space<vmem>>, %arg13: memref<80xi32, #tpu.memory_space<vmem>>, %arg14: memref<80x128xf32, #tpu.memory_space<vmem>>, %arg15: memref<80x128xf32, #tpu.memory_space<vmem>>, %arg16: memref<80x128xf32, #tpu.memory_space<vmem>>, %arg17: memref<!tpu.dma_semaphore, #tpu.memory_space<semaphore_mem>>, %arg18: memref<!tpu.dma_semaphore, #tpu.memory_space<semaphore_mem>>, %arg19: memref<!tpu.dma_semaphore, #tpu.memory_space<semaphore_mem>>, %arg20: memref<!tpu.dma_semaphore, #tpu.memory_space<semaphore_mem>>, %arg21: memref<!tpu.dma_semaphore, #tpu.memory_space<semaphore_mem>>, %arg22: memref<!tpu.dma_semaphore, #tpu.memory_space<semaphore_mem>>) attributes {dimension_semantics = [#tpu.dimension_semantics<core_parallel>, #tpu.dimension_semantics<subcore_parallel>], iteration_bounds = array<i64: 2, 16>, scalar_prefetch = 0 : i64, scratch_operands = 16 : i64, tpu.core_type = #tpu.core_type<sc_vector_subcore>, window_params = [{transform_indices = #map}, {transform_indices = #map1}, {transform_indices = #map1}, {transform_indices = #map}, {transform_indices = #map}]} {
    %mul3A = arith.constant 16 : i32
    %mul3A_0 = arith.muli %arg0, %mul3A : i32
    %add3A = arith.addi %mul3A_0, %arg1 : i32
    %scan3A = arith.constant 0 : i32
    %scan3A_1 = arith.constant 0 : i32
    %scan3A_2 = arith.constant 640 : i32
    %scan3A_3 = arith.addi %scan3A_1, %scan3A_2 : i32
    %scan3A_4 = arith.constant 1 : i32
    %scan3A_5 = scf.for %scan3A_101 = %scan3A_1 to %scan3A_3 step %scan3A_4 iter_args(%scan3A_102 = %scan3A) -> (i32)  : i32 {
      %jit3A = arith.constant 8 : i32
      %div3A = arith.divsi %scan3A_101, %jit3A : i32
      %sign3A = arith.constant 0 : i32
      %sign3A_103 = arith.cmpi sgt, %scan3A_101, %sign3A : i32
      %sign3A_104 = arith.extui %sign3A_103 : i1 to i32
      %sign3A_105 = arith.constant 0 : i32
      %sign3A_106 = arith.cmpi slt, %scan3A_101, %sign3A_105 : i32
      %sign3A_107 = arith.extui %sign3A_106 : i1 to i32
      %sign3A_108 = arith.subi %sign3A_104, %sign3A_107 : i32
      %sign3A_109 = arith.constant 0 : i32
      %sign3A_110 = arith.cmpi sgt, %jit3A, %sign3A_109 : i32
      %sign3A_111 = arith.extui %sign3A_110 : i1 to i32
      %sign3A_112 = arith.constant 0 : i32
      %sign3A_113 = arith.cmpi slt, %jit3A, %sign3A_112 : i32
      %sign3A_114 = arith.extui %sign3A_113 : i1 to i32
      %sign3A_115 = arith.subi %sign3A_111, %sign3A_114 : i32
      %ne3A = arith.cmpi ne, %sign3A_108, %sign3A_115 : i32
      %rem3A = arith.remsi %scan3A_101, %jit3A : i32
      %ne3A_116 = arith.constant 0 : i32
      %ne3A_117 = arith.cmpi ne, %rem3A, %ne3A_116 : i32
      %and3A = arith.andi %ne3A, %ne3A_117 : i1
      %sub3A = arith.constant 1 : i32
      %sub3A_118 = arith.subi %div3A, %sub3A : i32
      %select_n3A = arith.select %and3A, %sub3A_118, %div3A : i32
      %jit3A_119 = arith.constant 8 : i32
      %eq3A_120 = arith.constant 0 : i32
      %eq3A_121 = arith.cmpi eq, %jit3A_119, %eq3A_120 : i32
      %jit3A_122 = arith.constant 1 : i32
      %select_n3A_123 = arith.select %eq3A_121, %jit3A_122, %jit3A_119 : i32
      %rem3A_124 = arith.remsi %scan3A_101, %select_n3A_123 : i32
      %ne3A_125 = arith.constant 0 : i32
      %ne3A_126 = arith.cmpi ne, %rem3A_124, %ne3A_125 : i32
      %lt3A_127 = arith.constant 0 : i32
      %lt3A_128 = arith.cmpi slt, %rem3A_124, %lt3A_127 : i32
      %lt3A_129 = arith.constant 0 : i32
      %lt3A_130 = arith.cmpi slt, %select_n3A_123, %lt3A_129 : i32
      %ne3A_131 = arith.xori %lt3A_128, %lt3A_130 : i1
      %and3A_132 = arith.andi %ne3A_131, %ne3A_126 : i1
      %add3A_133 = arith.addi %rem3A_124, %select_n3A_123 : i32
      %select_n3A_134 = arith.select %and3A_132, %add3A_133, %rem3A_124 : i32
      %mul3A_135 = arith.constant 16 : i32
      %mul3A_136 = arith.muli %select_n3A_134, %mul3A_135 : i32
      %broadcast_in_dim3A = arith.constant 0.000000e+00 : f32
      %broadcast_in_dim3A_137 = vector.broadcast %broadcast_in_dim3A : f32 to vector<16xf32>
      %swap3A = arith.index_cast %select_n3A : i32 to index
      %swap3A_138 = arith.index_cast %mul3A_136 : i32 to index
      %swap3A_139 = tpu.vector_load %arg14[%swap3A, %swap3A_138] {strides = array<i32>} : memref<80x128xf32, #tpu.memory_space<vmem>>, vector<1x16xf32>,
      %swap3A_140 = vector.shape_cast %swap3A_139 : vector<1x16xf32> to vector<16xf32>
      %swap3A_141 = vector.shape_cast %broadcast_in_dim3A_137 : vector<16xf32> to vector<1x16xf32>
      tpu.vector_store %arg14[%swap3A, %swap3A_138], %swap3A_141 {strides = array<i32>} : memref<80x128xf32, #tpu.memory_space<vmem>>, vector<1x16xf32>,
      %scan3A_142 = arith.constant 0 : i32
      scf.yield %scan3A_142 : i32
    }
    %scan3A_6 = arith.constant 640 : i32
    %lt3A = arith.constant 15 : i32
    %lt3A_7 = arith.cmpi slt, %arg1, %lt3A : i32
    %convert_element_type3A = arith.extui %lt3A_7 : i1 to i32
    %cond3A = arith.constant 0 : i32
    %cond3A_8 = arith.cmpi ne, %convert_element_type3A, %cond3A : i32
    scf.if %cond3A_8 {
      %mul3A_101 = arith.constant 624 : i32
      %mul3A_102 = arith.muli %arg1, %mul3A_101 : i32
      %add3A_103 = arith.constant 0 : i32
      %add3A_104 = arith.addi %mul3A_102, %add3A_103 : i32
      "tpu.region"() ({
        %run_scoped3A = tpu.sem_alloc : memref<!tpu.dma_semaphore, #tpu.memory_space<semaphore_mem>>
        %dma_start3A_119 = arith.constant 0 : i32
        %dma_start3A_120 = arith.constant 0 : i32
        %dma_start3A_121 = tpu.memref_slice %arg14[%dma_start3A_119, %dma_start3A_120] : memref<80x128xf32, #tpu.memory_space<vmem>> -> memref<80x128xf32, #tpu.memory_space<vmem>>
        %dma_start3A_122 = arith.constant 0 : i32
        %dma_start3A_123 = tpu.memref_slice %arg7[%add3A_104, %dma_start3A_122] : memref<10000x128xf32, #tpu.memory_space<vmem_shared>> -> memref<80x128xf32, #tpu.memory_space<vmem_shared>>
        %dma_start3A_124 = arith.constant 0 : i32
        %dma_start3A_125 = tpu.memref_slice %arg7[%add3A_104, %dma_start3A_124] : memref<10000x128xf32, #tpu.memory_space<vmem_shared>> -> memref<80x128xf32, #tpu.memory_space<vmem_shared>>
        %dma_start3A_126 = arith.constant 0 : i32
        %dma_start3A_127 = arith.constant 0 : i32
        %dma_start3A_128 = tpu.memref_slice %arg14[%dma_start3A_126, %dma_start3A_127] : memref<80x128xf32, #tpu.memory_space<vmem>> -> memref<80x128xf32, #tpu.memory_space<vmem>>
        tpu.enqueue_dma source(%dma_start3A_128 : memref<80x128xf32, #tpu.memory_space<vmem>>) target(%dma_start3A_125 : memref<80x128xf32, #tpu.memory_space<vmem_shared>>) target_semaphore(%run_scoped3A : memref<!tpu.dma_semaphore, #tpu.memory_space<semaphore_mem>>)
        %dma_wait3A_129 = arith.constant 0 : i32
        %dma_wait3A_130 = arith.constant 0 : i32
        %dma_wait3A_131 = tpu.memref_slice %arg14[%dma_wait3A_129, %dma_wait3A_130] : memref<80x128xf32, #tpu.memory_space<vmem>> -> memref<80x128xf32, #tpu.memory_space<vmem>>
        %dma_wait3A_132 = arith.constant 0 : i32
        %dma_wait3A_133 = tpu.memref_slice %arg7[%add3A_104, %dma_wait3A_132] : memref<10000x128xf32, #tpu.memory_space<vmem_shared>> -> memref<80x128xf32, #tpu.memory_space<vmem_shared>>
        %dma_wait3A_134 = arith.constant 0 : i32
        %dma_wait3A_135 = tpu.memref_slice %arg7[%add3A_104, %dma_wait3A_134] : memref<10000x128xf32, #tpu.memory_space<vmem_shared>> -> memref<80x128xf32, #tpu.memory_space<vmem_shared>>
        %dma_wait3A_136 = arith.constant 0 : i32
        %dma_wait3A_137 = arith.constant 0 : i32
        %dma_wait3A_138 = tpu.memref_slice %arg14[%dma_wait3A_136, %dma_wait3A_137] : memref<80x128xf32, #tpu.memory_space<vmem>> -> memref<80x128xf32, #tpu.memory_space<vmem>>
        tpu.wait_dma2 semaphore(%run_scoped3A : memref<!tpu.dma_semaphore, #tpu.memory_space<semaphore_mem>>) src(%dma_wait3A_138 : memref<80x128xf32, #tpu.memory_space<vmem>>) dst(%dma_wait3A_135 : memref<80x128xf32, #tpu.memory_space<vmem_shared>>)
        tpu.yield
      }) : () -> ()
      %add3A_105 = arith.constant 80 : i32
      %add3A_106 = arith.addi %mul3A_102, %add3A_105 : i32
      "tpu.region"() ({
        %run_scoped3A = tpu.sem_alloc : memref<!tpu.dma_semaphore, #tpu.memory_space<semaphore_mem>>
        %dma_start3A_119 = arith.constant 0 : i32
        %dma_start3A_120 = arith.constant 0 : i32
        %dma_start3A_121 = tpu.memref_slice %arg14[%dma_start3A_119, %dma_start3A_120] : memref<80x128xf32, #tpu.memory_space<vmem>> -> memref<80x128xf32, #tpu.memory_space<vmem>>
        %dma_start3A_122 = arith.constant 0 : i32
        %dma_start3A_123 = tpu.memref_slice %arg7[%add3A_106, %dma_start3A_122] : memref<10000x128xf32, #tpu.memory_space<vmem_shared>> -> memref<80x128xf32, #tpu.memory_space<vmem_shared>>
        %dma_start3A_124 = arith.constant 0 : i32
        %dma_start3A_125 = tpu.memref_slice %arg7[%add3A_106, %dma_start3A_124] : memref<10000x128xf32, #tpu.memory_space<vmem_shared>> -> memref<80x128xf32, #tpu.memory_space<vmem_shared>>
        %dma_start3A_126 = arith.constant 0 : i32
        %dma_start3A_127 = arith.constant 0 : i32
        %dma_start3A_128 = tpu.memref_slice %arg14[%dma_start3A_126, %dma_start3A_127] : memref<80x128xf32, #tpu.memory_space<vmem>> -> memref<80x128xf32, #tpu.memory_space<vmem>>
        tpu.enqueue_dma source(%dma_start3A_128 : memref<80x128xf32, #tpu.memory_space<vmem>>) target(%dma_start3A_125 : memref<80x128xf32, #tpu.memory_space<vmem_shared>>) target_semaphore(%run_scoped3A : memref<!tpu.dma_semaphore, #tpu.memory_space<semaphore_mem>>)
        %dma_wait3A_129 = arith.constant 0 : i32
        %dma_wait3A_130 = arith.constant 0 : i32
        %dma_wait3A_131 = tpu.memref_slice %arg14[%dma_wait3A_129, %dma_wait3A_130] : memref<80x128xf32, #tpu.memory_space<vmem>> -> memref<80x128xf32, #tpu.memory_space<vmem>>
        %dma_wait3A_132 = arith.constant 0 : i32
        %dma_wait3A_133 = tpu.memref_slice %arg7[%add3A_106, %dma_wait3A_132] : memref<10000x128xf32, #tpu.memory_space<vmem_shared>> -> memref<80x128xf32, #tpu.memory_space<vmem_shared>>
        %dma_wait3A_134 = arith.constant 0 : i32
        %dma_wait3A_135 = tpu.memref_slice %arg7[%add3A_106, %dma_wait3A_134] : memref<10000x128xf32, #tpu.memory_space<vmem_shared>> -> memref<80x128xf32, #tpu.memory_space<vmem_shared>>
        %dma_wait3A_136 = arith.constant 0 : i32
        %dma_wait3A_137 = arith.constant 0 : i32
        %dma_wait3A_138 = tpu.memref_slice %arg14[%dma_wait3A_136, %dma_wait3A_137] : memref<80x128xf32, #tpu.memory_space<vmem>> -> memref<80x128xf32, #tpu.memory_space<vmem>>
        tpu.wait_dma2 semaphore(%run_scoped3A : memref<!tpu.dma_semaphore, #tpu.memory_space<semaphore_mem>>) src(%dma_wait3A_138 : memref<80x128xf32, #tpu.memory_space<vmem>>) dst(%dma_wait3A_135 : memref<80x128xf32, #tpu.memory_space<vmem_shared>>)
        tpu.yield
      }) : () -> ()
      %add3A_107 = arith.constant 160 : i32
      %add3A_108 = arith.addi %mul3A_102, %add3A_107 : i32
      "tpu.region"() ({
        %run_scoped3A = tpu.sem_alloc : memref<!tpu.dma_semaphore, #tpu.memory_space<semaphore_mem>>
        %dma_start3A_119 = arith.constant 0 : i32
        %dma_start3A_120 = arith.constant 0 : i32
        %dma_start3A_121 = tpu.memref_slice %arg14[%dma_start3A_119, %dma_start3A_120] : memref<80x128xf32, #tpu.memory_space<vmem>> -> memref<80x128xf32, #tpu.memory_space<vmem>>
        %dma_start3A_122 = arith.constant 0 : i32
        %dma_start3A_123 = tpu.memref_slice %arg7[%add3A_108, %dma_start3A_122] : memref<10000x128xf32, #tpu.memory_space<vmem_shared>> -> memref<80x128xf32, #tpu.memory_space<vmem_shared>>
        %dma_start3A_124 = arith.constant 0 : i32
        %dma_start3A_125 = tpu.memref_slice %arg7[%add3A_108, %dma_start3A_124] : memref<10000x128xf32, #tpu.memory_space<vmem_shared>> -> memref<80x128xf32, #tpu.memory_space<vmem_shared>>
        %dma_start3A_126 = arith.constant 0 : i32
        %dma_start3A_127 = arith.constant 0 : i32
        %dma_start3A_128 = tpu.memref_slice %arg14[%dma_start3A_126, %dma_start3A_127] : memref<80x128xf32, #tpu.memory_space<vmem>> -> memref<80x128xf32, #tpu.memory_space<vmem>>
        tpu.enqueue_dma source(%dma_start3A_128 : memref<80x128xf32, #tpu.memory_space<vmem>>) target(%dma_start3A_125 : memref<80x128xf32, #tpu.memory_space<vmem_shared>>) target_semaphore(%run_scoped3A : memref<!tpu.dma_semaphore, #tpu.memory_space<semaphore_mem>>)
        %dma_wait3A_129 = arith.constant 0 : i32
        %dma_wait3A_130 = arith.constant 0 : i32
        %dma_wait3A_131 = tpu.memref_slice %arg14[%dma_wait3A_129, %dma_wait3A_130] : memref<80x128xf32, #tpu.memory_space<vmem>> -> memref<80x128xf32, #tpu.memory_space<vmem>>
        %dma_wait3A_132 = arith.constant 0 : i32
        %dma_wait3A_133 = tpu.memref_slice %arg7[%add3A_108, %dma_wait3A_132] : memref<10000x128xf32, #tpu.memory_space<vmem_shared>> -> memref<80x128xf32, #tpu.memory_space<vmem_shared>>
        %dma_wait3A_134 = arith.constant 0 : i32
        %dma_wait3A_135 = tpu.memref_slice %arg7[%add3A_108, %dma_wait3A_134] : memref<10000x128xf32, #tpu.memory_space<vmem_shared>> -> memref<80x128xf32, #tpu.memory_space<vmem_shared>>
        %dma_wait3A_136 = arith.constant 0 : i32
        %dma_wait3A_137 = arith.constant 0 : i32
        %dma_wait3A_138 = tpu.memref_slice %arg14[%dma_wait3A_136, %dma_wait3A_137] : memref<80x128xf32, #tpu.memory_space<vmem>> -> memref<80x128xf32, #tpu.memory_space<vmem>>
        tpu.wait_dma2 semaphore(%run_scoped3A : memref<!tpu.dma_semaphore, #tpu.memory_space<semaphore_mem>>) src(%dma_wait3A_138 : memref<80x128xf32, #tpu.memory_space<vmem>>) dst(%dma_wait3A_135 : memref<80x128xf32, #tpu.memory_space<vmem_shared>>)
        tpu.yield
      }) : () -> ()
      %add3A_109 = arith.constant 240 : i32
      %add3A_110 = arith.addi %mul3A_102, %add3A_109 : i32
      "tpu.region"() ({
        %run_scoped3A = tpu.sem_alloc : memref<!tpu.dma_semaphore, #tpu.memory_space<semaphore_mem>>
        %dma_start3A_119 = arith.constant 0 : i32
        %dma_start3A_120 = arith.constant 0 : i32
        %dma_start3A_121 = tpu.memref_slice %arg14[%dma_start3A_119, %dma_start3A_120] : memref<80x128xf32, #tpu.memory_space<vmem>> -> memref<80x128xf32, #tpu.memory_space<vmem>>
        %dma_start3A_122 = arith.constant 0 : i32
        %dma_start3A_123 = tpu.memref_slice %arg7[%add3A_110, %dma_start3A_122] : memref<10000x128xf32, #tpu.memory_space<vmem_shared>> -> memref<80x128xf32, #tpu.memory_space<vmem_shared>>
        %dma_start3A_124 = arith.constant 0 : i32
        %dma_start3A_125 = tpu.memref_slice %arg7[%add3A_110, %dma_start3A_124] : memref<10000x128xf32, #tpu.memory_space<vmem_shared>> -> memref<80x128xf32, #tpu.memory_space<vmem_shared>>
        %dma_start3A_126 = arith.constant 0 : i32
        %dma_start3A_127 = arith.constant 0 : i32
        %dma_start3A_128 = tpu.memref_slice %arg14[%dma_start3A_126, %dma_start3A_127] : memref<80x128xf32, #tpu.memory_space<vmem>> -> memref<80x128xf32, #tpu.memory_space<vmem>>
        tpu.enqueue_dma source(%dma_start3A_128 : memref<80x128xf32, #tpu.memory_space<vmem>>) target(%dma_start3A_125 : memref<80x128xf32, #tpu.memory_space<vmem_shared>>) target_semaphore(%run_scoped3A : memref<!tpu.dma_semaphore, #tpu.memory_space<semaphore_mem>>)
        %dma_wait3A_129 = arith.constant 0 : i32
        %dma_wait3A_130 = arith.constant 0 : i32
        %dma_wait3A_131 = tpu.memref_slice %arg14[%dma_wait3A_129, %dma_wait3A_130] : memref<80x128xf32, #tpu.memory_space<vmem>> -> memref<80x128xf32, #tpu.memory_space<vmem>>
        %dma_wait3A_132 = arith.constant 0 : i32
        %dma_wait3A_133 = tpu.memref_slice %arg7[%add3A_110, %dma_wait3A_132] : memref<10000x128xf32, #tpu.memory_space<vmem_shared>> -> memref<80x128xf32, #tpu.memory_space<vmem_shared>>
        %dma_wait3A_134 = arith.constant 0 : i32
        %dma_wait3A_135 = tpu.memref_slice %arg7[%add3A_110, %dma_wait3A_134] : memref<10000x128xf32, #tpu.memory_space<vmem_shared>> -> memref<80x128xf32, #tpu.memory_space<vmem_shared>>
        %dma_wait3A_136 = arith.constant 0 : i32
        %dma_wait3A_137 = arith.constant 0 : i32
        %dma_wait3A_138 = tpu.memref_slice %arg14[%dma_wait3A_136, %dma_wait3A_137] : memref<80x128xf32, #tpu.memory_space<vmem>> -> memref<80x128xf32, #tpu.memory_space<vmem>>
        tpu.wait_dma2 semaphore(%run_scoped3A : memref<!tpu.dma_semaphore, #tpu.memory_space<semaphore_mem>>) src(%dma_wait3A_138 : memref<80x128xf32, #tpu.memory_space<vmem>>) dst(%dma_wait3A_135 : memref<80x128xf32, #tpu.memory_space<vmem_shared>>)
        tpu.yield
      }) : () -> ()
      %add3A_111 = arith.constant 320 : i32
      %add3A_112 = arith.addi %mul3A_102, %add3A_111 : i32
      "tpu.region"() ({
        %run_scoped3A = tpu.sem_alloc : memref<!tpu.dma_semaphore, #tpu.memory_space<semaphore_mem>>
        %dma_start3A_119 = arith.constant 0 : i32
        %dma_start3A_120 = arith.constant 0 : i32
        %dma_start3A_121 = tpu.memref_slice %arg14[%dma_start3A_119, %dma_start3A_120] : memref<80x128xf32, #tpu.memory_space<vmem>> -> memref<80x128xf32, #tpu.memory_space<vmem>>
        %dma_start3A_122 = arith.constant 0 : i32
        %dma_start3A_123 = tpu.memref_slice %arg7[%add3A_112, %dma_start3A_122] : memref<10000x128xf32, #tpu.memory_space<vmem_shared>> -> memref<80x128xf32, #tpu.memory_space<vmem_shared>>
        %dma_start3A_124 = arith.constant 0 : i32
        %dma_start3A_125 = tpu.memref_slice %arg7[%add3A_112, %dma_start3A_124] : memref<10000x128xf32, #tpu.memory_space<vmem_shared>> -> memref<80x128xf32, #tpu.memory_space<vmem_shared>>
        %dma_start3A_126 = arith.constant 0 : i32
        %dma_start3A_127 = arith.constant 0 : i32
        %dma_start3A_128 = tpu.memref_slice %arg14[%dma_start3A_126, %dma_start3A_127] : memref<80x128xf32, #tpu.memory_space<vmem>> -> memref<80x128xf32, #tpu.memory_space<vmem>>
        tpu.enqueue_dma source(%dma_start3A_128 : memref<80x128xf32, #tpu.memory_space<vmem>>) target(%dma_start3A_125 : memref<80x128xf32, #tpu.memory_space<vmem_shared>>) target_semaphore(%run_scoped3A : memref<!tpu.dma_semaphore, #tpu.memory_space<semaphore_mem>>)
        %dma_wait3A_129 = arith.constant 0 : i32
        %dma_wait3A_130 = arith.constant 0 : i32
        %dma_wait3A_131 = tpu.memref_slice %arg14[%dma_wait3A_129, %dma_wait3A_130] : memref<80x128xf32, #tpu.memory_space<vmem>> -> memref<80x128xf32, #tpu.memory_space<vmem>>
        %dma_wait3A_132 = arith.constant 0 : i32
        %dma_wait3A_133 = tpu.memref_slice %arg7[%add3A_112, %dma_wait3A_132] : memref<10000x128xf32, #tpu.memory_space<vmem_shared>> -> memref<80x128xf32, #tpu.memory_space<vmem_shared>>
        %dma_wait3A_134 = arith.constant 0 : i32
        %dma_wait3A_135 = tpu.memref_slice %arg7[%add3A_112, %dma_wait3A_134] : memref<10000x128xf32, #tpu.memory_space<vmem_shared>> -> memref<80x128xf32, #tpu.memory_space<vmem_shared>>
        %dma_wait3A_136 = arith.constant 0 : i32
        %dma_wait3A_137 = arith.constant 0 : i32
        %dma_wait3A_138 = tpu.memref_slice %arg14[%dma_wait3A_136, %dma_wait3A_137] : memref<80x128xf32, #tpu.memory_space<vmem>> -> memref<80x128xf32, #tpu.memory_space<vmem>>
        tpu.wait_dma2 semaphore(%run_scoped3A : memref<!tpu.dma_semaphore, #tpu.memory_space<semaphore_mem>>) src(%dma_wait3A_138 : memref<80x128xf32, #tpu.memory_space<vmem>>) dst(%dma_wait3A_135 : memref<80x128xf32, #tpu.memory_space<vmem_shared>>)
        tpu.yield
      }) : () -> ()
      %add3A_113 = arith.constant 400 : i32
      %add3A_114 = arith.addi %mul3A_102, %add3A_113 : i32
      "tpu.region"() ({
        %run_scoped3A = tpu.sem_alloc : memref<!tpu.dma_semaphore, #tpu.memory_space<semaphore_mem>>
        %dma_start3A_119 = arith.constant 0 : i32
        %dma_start3A_120 = arith.constant 0 : i32
        %dma_start3A_121 = tpu.memref_slice %arg14[%dma_start3A_119, %dma_start3A_120] : memref<80x128xf32, #tpu.memory_space<vmem>> -> memref<80x128xf32, #tpu.memory_space<vmem>>
        %dma_start3A_122 = arith.constant 0 : i32
        %dma_start3A_123 = tpu.memref_slice %arg7[%add3A_114, %dma_start3A_122] : memref<10000x128xf32, #tpu.memory_space<vmem_shared>> -> memref<80x128xf32, #tpu.memory_space<vmem_shared>>
        %dma_start3A_124 = arith.constant 0 : i32
        %dma_start3A_125 = tpu.memref_slice %arg7[%add3A_114, %dma_start3A_124] : memref<10000x128xf32, #tpu.memory_space<vmem_shared>> -> memref<80x128xf32, #tpu.memory_space<vmem_shared>>
        %dma_start3A_126 = arith.constant 0 : i32
        %dma_start3A_127 = arith.constant 0 : i32
        %dma_start3A_128 = tpu.memref_slice %arg14[%dma_start3A_126, %dma_start3A_127] : memref<80x128xf32, #tpu.memory_space<vmem>> -> memref<80x128xf32, #tpu.memory_space<vmem>>
        tpu.enqueue_dma source(%dma_start3A_128 : memref<80x128xf32, #tpu.memory_space<vmem>>) target(%dma_start3A_125 : memref<80x128xf32, #tpu.memory_space<vmem_shared>>) target_semaphore(%run_scoped3A : memref<!tpu.dma_semaphore, #tpu.memory_space<semaphore_mem>>)
        %dma_wait3A_129 = arith.constant 0 : i32
        %dma_wait3A_130 = arith.constant 0 : i32
        %dma_wait3A_131 = tpu.memref_slice %arg14[%dma_wait3A_129, %dma_wait3A_130] : memref<80x128xf32, #tpu.memory_space<vmem>> -> memref<80x128xf32, #tpu.memory_space<vmem>>
        %dma_wait3A_132 = arith.constant 0 : i32
        %dma_wait3A_133 = tpu.memref_slice %arg7[%add3A_114, %dma_wait3A_132] : memref<10000x128xf32, #tpu.memory_space<vmem_shared>> -> memref<80x128xf32, #tpu.memory_space<vmem_shared>>
        %dma_wait3A_134 = arith.constant 0 : i32
        %dma_wait3A_135 = tpu.memref_slice %arg7[%add3A_114, %dma_wait3A_134] : memref<10000x128xf32, #tpu.memory_space<vmem_shared>> -> memref<80x128xf32, #tpu.memory_space<vmem_shared>>
        %dma_wait3A_136 = arith.constant 0 : i32
        %dma_wait3A_137 = arith.constant 0 : i32
        %dma_wait3A_138 = tpu.memref_slice %arg14[%dma_wait3A_136, %dma_wait3A_137] : memref<80x128xf32, #tpu.memory_space<vmem>> -> memref<80x128xf32, #tpu.memory_space<vmem>>
        tpu.wait_dma2 semaphore(%run_scoped3A : memref<!tpu.dma_semaphore, #tpu.memory_space<semaphore_mem>>) src(%dma_wait3A_138 : memref<80x128xf32, #tpu.memory_space<vmem>>) dst(%dma_wait3A_135 : memref<80x128xf32, #tpu.memory_space<vmem_shared>>)
        tpu.yield
      }) : () -> ()
      %add3A_115 = arith.constant 480 : i32
      %add3A_116 = arith.addi %mul3A_102, %add3A_115 : i32
      "tpu.region"() ({
        %run_scoped3A = tpu.sem_alloc : memref<!tpu.dma_semaphore, #tpu.memory_space<semaphore_mem>>
        %dma_start3A_119 = arith.constant 0 : i32
        %dma_start3A_120 = arith.constant 0 : i32
        %dma_start3A_121 = tpu.memref_slice %arg14[%dma_start3A_119, %dma_start3A_120] : memref<80x128xf32, #tpu.memory_space<vmem>> -> memref<80x128xf32, #tpu.memory_space<vmem>>
        %dma_start3A_122 = arith.constant 0 : i32
        %dma_start3A_123 = tpu.memref_slice %arg7[%add3A_116, %dma_start3A_122] : memref<10000x128xf32, #tpu.memory_space<vmem_shared>> -> memref<80x128xf32, #tpu.memory_space<vmem_shared>>
        %dma_start3A_124 = arith.constant 0 : i32
        %dma_start3A_125 = tpu.memref_slice %arg7[%add3A_116, %dma_start3A_124] : memref<10000x128xf32, #tpu.memory_space<vmem_shared>> -> memref<80x128xf32, #tpu.memory_space<vmem_shared>>
        %dma_start3A_126 = arith.constant 0 : i32
        %dma_start3A_127 = arith.constant 0 : i32
        %dma_start3A_128 = tpu.memref_slice %arg14[%dma_start3A_126, %dma_start3A_127] : memref<80x128xf32, #tpu.memory_space<vmem>> -> memref<80x128xf32, #tpu.memory_space<vmem>>
        tpu.enqueue_dma source(%dma_start3A_128 : memref<80x128xf32, #tpu.memory_space<vmem>>) target(%dma_start3A_125 : memref<80x128xf32, #tpu.memory_space<vmem_shared>>) target_semaphore(%run_scoped3A : memref<!tpu.dma_semaphore, #tpu.memory_space<semaphore_mem>>)
        %dma_wait3A_129 = arith.constant 0 : i32
        %dma_wait3A_130 = arith.constant 0 : i32
        %dma_wait3A_131 = tpu.memref_slice %arg14[%dma_wait3A_129, %dma_wait3A_130] : memref<80x128xf32, #tpu.memory_space<vmem>> -> memref<80x128xf32, #tpu.memory_space<vmem>>
        %dma_wait3A_132 = arith.constant 0 : i32
        %dma_wait3A_133 = tpu.memref_slice %arg7[%add3A_116, %dma_wait3A_132] : memref<10000x128xf32, #tpu.memory_space<vmem_shared>> -> memref<80x128xf32, #tpu.memory_space<vmem_shared>>
        %dma_wait3A_134 = arith.constant 0 : i32
        %dma_wait3A_135 = tpu.memref_slice %arg7[%add3A_116, %dma_wait3A_134] : memref<10000x128xf32, #tpu.memory_space<vmem_shared>> -> memref<80x128xf32, #tpu.memory_space<vmem_shared>>
        %dma_wait3A_136 = arith.constant 0 : i32
        %dma_wait3A_137 = arith.constant 0 : i32
        %dma_wait3A_138 = tpu.memref_slice %arg14[%dma_wait3A_136, %dma_wait3A_137] : memref<80x128xf32, #tpu.memory_space<vmem>> -> memref<80x128xf32, #tpu.memory_space<vmem>>
        tpu.wait_dma2 semaphore(%run_scoped3A : memref<!tpu.dma_semaphore, #tpu.memory_space<semaphore_mem>>) src(%dma_wait3A_138 : memref<80x128xf32, #tpu.memory_space<vmem>>) dst(%dma_wait3A_135 : memref<80x128xf32, #tpu.memory_space<vmem_shared>>)
        tpu.yield
      }) : () -> ()
      %add3A_117 = arith.constant 560 : i32
      %add3A_118 = arith.addi %mul3A_102, %add3A_117 : i32
      "tpu.region"() ({
        %run_scoped3A = tpu.sem_alloc : memref<!tpu.dma_semaphore, #tpu.memory_space<semaphore_mem>>
        %dma_start3A_119 = arith.constant 0 : i32
        %dma_start3A_120 = arith.constant 0 : i32
        %dma_start3A_121 = tpu.memref_slice %arg14[%dma_start3A_119, %dma_start3A_120] : memref<80x128xf32, #tpu.memory_space<vmem>> -> memref<64x128xf32, #tpu.memory_space<vmem>>
        %dma_start3A_122 = arith.constant 0 : i32
        %dma_start3A_123 = tpu.memref_slice %arg7[%add3A_118, %dma_start3A_122] : memref<10000x128xf32, #tpu.memory_space<vmem_shared>> -> memref<64x128xf32, #tpu.memory_space<vmem_shared>>
        %dma_start3A_124 = arith.constant 0 : i32
        %dma_start3A_125 = tpu.memref_slice %arg7[%add3A_118, %dma_start3A_124] : memref<10000x128xf32, #tpu.memory_space<vmem_shared>> -> memref<64x128xf32, #tpu.memory_space<vmem_shared>>
        %dma_start3A_126 = arith.constant 0 : i32
        %dma_start3A_127 = arith.constant 0 : i32
        %dma_start3A_128 = tpu.memref_slice %arg14[%dma_start3A_126, %dma_start3A_127] : memref<80x128xf32, #tpu.memory_space<vmem>> -> memref<64x128xf32, #tpu.memory_space<vmem>>
        tpu.enqueue_dma source(%dma_start3A_128 : memref<64x128xf32, #tpu.memory_space<vmem>>) target(%dma_start3A_125 : memref<64x128xf32, #tpu.memory_space<vmem_shared>>) target_semaphore(%run_scoped3A : memref<!tpu.dma_semaphore, #tpu.memory_space<semaphore_mem>>)
        %dma_wait3A_129 = arith.constant 0 : i32
        %dma_wait3A_130 = arith.constant 0 : i32
        %dma_wait3A_131 = tpu.memref_slice %arg14[%dma_wait3A_129, %dma_wait3A_130] : memref<80x128xf32, #tpu.memory_space<vmem>> -> memref<64x128xf32, #tpu.memory_space<vmem>>
        %dma_wait3A_132 = arith.constant 0 : i32
        %dma_wait3A_133 = tpu.memref_slice %arg7[%add3A_118, %dma_wait3A_132] : memref<10000x128xf32, #tpu.memory_space<vmem_shared>> -> memref<64x128xf32, #tpu.memory_space<vmem_shared>>
        %dma_wait3A_134 = arith.constant 0 : i32
        %dma_wait3A_135 = tpu.memref_slice %arg7[%add3A_118, %dma_wait3A_134] : memref<10000x128xf32, #tpu.memory_space<vmem_shared>> -> memref<64x128xf32, #tpu.memory_space<vmem_shared>>
        %dma_wait3A_136 = arith.constant 0 : i32
        %dma_wait3A_137 = arith.constant 0 : i32
        %dma_wait3A_138 = tpu.memref_slice %arg14[%dma_wait3A_136, %dma_wait3A_137] : memref<80x128xf32, #tpu.memory_space<vmem>> -> memref<64x128xf32, #tpu.memory_space<vmem>>
        tpu.wait_dma2 semaphore(%run_scoped3A : memref<!tpu.dma_semaphore, #tpu.memory_space<semaphore_mem>>) src(%dma_wait3A_138 : memref<64x128xf32, #tpu.memory_space<vmem>>) dst(%dma_wait3A_135 : memref<64x128xf32, #tpu.memory_space<vmem_shared>>)
        tpu.yield
      }) : () -> ()
    } else {
    }
    %eq3A = arith.constant 15 : i32
    %eq3A_9 = arith.cmpi eq, %arg1, %eq3A : i32
    %convert_element_type3A_10 = arith.extui %eq3A_9 : i1 to i32
    %cond3A_11 = arith.constant 0 : i32
    %cond3A_12 = arith.cmpi ne, %convert_element_type3A_10, %cond3A_11 : i32
    scf.if %cond3A_12 {
      "tpu.region"() ({
        %run_scoped3A = tpu.sem_alloc : memref<!tpu.dma_semaphore, #tpu.memory_space<semaphore_mem>>
        %dma_start3A_101 = arith.constant 0 : i32
        %dma_start3A_102 = arith.constant 0 : i32
        %dma_start3A_103 = tpu.memref_slice %arg14[%dma_start3A_101, %dma_start3A_102] : memref<80x128xf32, #tpu.memory_space<vmem>> -> memref<80x128xf32, #tpu.memory_space<vmem>>
        %dma_start3A_104 = arith.constant 9360 : i32
        %dma_start3A_105 = arith.constant 0 : i32
        %dma_start3A_106 = tpu.memref_slice %arg7[%dma_start3A_104, %dma_start3A_105] : memref<10000x128xf32, #tpu.memory_space<vmem_shared>> -> memref<80x128xf32, #tpu.memory_space<vmem_shared>>
        %dma_start3A_107 = arith.constant 9360 : i32
        %dma_start3A_108 = arith.constant 0 : i32
        %dma_start3A_109 = tpu.memref_slice %arg7[%dma_start3A_107, %dma_start3A_108] : memref<10000x128xf32, #tpu.memory_space<vmem_shared>> -> memref<80x128xf32, #tpu.memory_space<vmem_shared>>
        %dma_start3A_110 = arith.constant 0 : i32
        %dma_start3A_111 = arith.constant 0 : i32
        %dma_start3A_112 = tpu.memref_slice %arg14[%dma_start3A_110, %dma_start3A_111] : memref<80x128xf32, #tpu.memory_space<vmem>> -> memref<80x128xf32, #tpu.memory_space<vmem>>
        tpu.enqueue_dma source(%dma_start3A_112 : memref<80x128xf32, #tpu.memory_space<vmem>>) target(%dma_start3A_109 : memref<80x128xf32, #tpu.memory_space<vmem_shared>>) target_semaphore(%run_scoped3A : memref<!tpu.dma_semaphore, #tpu.memory_space<semaphore_mem>>)
        %dma_wait3A_113 = arith.constant 0 : i32
        %dma_wait3A_114 = arith.constant 0 : i32
        %dma_wait3A_115 = tpu.memref_slice %arg14[%dma_wait3A_113, %dma_wait3A_114] : memref<80x128xf32, #tpu.memory_space<vmem>> -> memref<80x128xf32, #tpu.memory_space<vmem>>
        %dma_wait3A_116 = arith.constant 9360 : i32
        %dma_wait3A_117 = arith.constant 0 : i32
        %dma_wait3A_118 = tpu.memref_slice %arg7[%dma_wait3A_116, %dma_wait3A_117] : memref<10000x128xf32, #tpu.memory_space<vmem_shared>> -> memref<80x128xf32, #tpu.memory_space<vmem_shared>>
        %dma_wait3A_119 = arith.constant 9360 : i32
        %dma_wait3A_120 = arith.constant 0 : i32
        %dma_wait3A_121 = tpu.memref_slice %arg7[%dma_wait3A_119, %dma_wait3A_120] : memref<10000x128xf32, #tpu.memory_space<vmem_shared>> -> memref<80x128xf32, #tpu.memory_space<vmem_shared>>
        %dma_wait3A_122 = arith.constant 0 : i32
        %dma_wait3A_123 = arith.constant 0 : i32
        %dma_wait3A_124 = tpu.memref_slice %arg14[%dma_wait3A_122, %dma_wait3A_123] : memref<80x128xf32, #tpu.memory_space<vmem>> -> memref<80x128xf32, #tpu.memory_space<vmem>>
        tpu.wait_dma2 semaphore(%run_scoped3A : memref<!tpu.dma_semaphore, #tpu.memory_space<semaphore_mem>>) src(%dma_wait3A_124 : memref<80x128xf32, #tpu.memory_space<vmem>>) dst(%dma_wait3A_121 : memref<80x128xf32, #tpu.memory_space<vmem_shared>>)
        tpu.yield
      }) : () -> ()
      "tpu.region"() ({
        %run_scoped3A = tpu.sem_alloc : memref<!tpu.dma_semaphore, #tpu.memory_space<semaphore_mem>>
        %dma_start3A_101 = arith.constant 0 : i32
        %dma_start3A_102 = arith.constant 0 : i32
        %dma_start3A_103 = tpu.memref_slice %arg14[%dma_start3A_101, %dma_start3A_102] : memref<80x128xf32, #tpu.memory_space<vmem>> -> memref<80x128xf32, #tpu.memory_space<vmem>>
        %dma_start3A_104 = arith.constant 9440 : i32
        %dma_start3A_105 = arith.constant 0 : i32
        %dma_start3A_106 = tpu.memref_slice %arg7[%dma_start3A_104, %dma_start3A_105] : memref<10000x128xf32, #tpu.memory_space<vmem_shared>> -> memref<80x128xf32, #tpu.memory_space<vmem_shared>>
        %dma_start3A_107 = arith.constant 9440 : i32
        %dma_start3A_108 = arith.constant 0 : i32
        %dma_start3A_109 = tpu.memref_slice %arg7[%dma_start3A_107, %dma_start3A_108] : memref<10000x128xf32, #tpu.memory_space<vmem_shared>> -> memref<80x128xf32, #tpu.memory_space<vmem_shared>>
        %dma_start3A_110 = arith.constant 0 : i32
        %dma_start3A_111 = arith.constant 0 : i32
        %dma_start3A_112 = tpu.memref_slice %arg14[%dma_start3A_110, %dma_start3A_111] : memref<80x128xf32, #tpu.memory_space<vmem>> -> memref<80x128xf32, #tpu.memory_space<vmem>>
        tpu.enqueue_dma source(%dma_start3A_112 : memref<80x128xf32, #tpu.memory_space<vmem>>) target(%dma_start3A_109 : memref<80x128xf32, #tpu.memory_space<vmem_shared>>) target_semaphore(%run_scoped3A : memref<!tpu.dma_semaphore, #tpu.memory_space<semaphore_mem>>)
        %dma_wait3A_113 = arith.constant 0 : i32
        %dma_wait3A_114 = arith.constant 0 : i32
        %dma_wait3A_115 = tpu.memref_slice %arg14[%dma_wait3A_113, %dma_wait3A_114] : memref<80x128xf32, #tpu.memory_space<vmem>> -> memref<80x128xf32, #tpu.memory_space<vmem>>
        %dma_wait3A_116 = arith.constant 9440 : i32
        %dma_wait3A_117 = arith.constant 0 : i32
        %dma_wait3A_118 = tpu.memref_slice %arg7[%dma_wait3A_116, %dma_wait3A_117] : memref<10000x128xf32, #tpu.memory_space<vmem_shared>> -> memref<80x128xf32, #tpu.memory_space<vmem_shared>>
        %dma_wait3A_119 = arith.constant 9440 : i32
        %dma_wait3A_120 = arith.constant 0 : i32
        %dma_wait3A_121 = tpu.memref_slice %arg7[%dma_wait3A_119, %dma_wait3A_120] : memref<10000x128xf32, #tpu.memory_space<vmem_shared>> -> memref<80x128xf32, #tpu.memory_space<vmem_shared>>
        %dma_wait3A_122 = arith.constant 0 : i32
        %dma_wait3A_123 = arith.constant 0 : i32
        %dma_wait3A_124 = tpu.memref_slice %arg14[%dma_wait3A_122, %dma_wait3A_123] : memref<80x128xf32, #tpu.memory_space<vmem>> -> memref<80x128xf32, #tpu.memory_space<vmem>>
        tpu.wait_dma2 semaphore(%run_scoped3A : memref<!tpu.dma_semaphore, #tpu.memory_space<semaphore_mem>>) src(%dma_wait3A_124 : memref<80x128xf32, #tpu.memory_space<vmem>>) dst(%dma_wait3A_121 : memref<80x128xf32, #tpu.memory_space<vmem_shared>>)
        tpu.yield
      }) : () -> ()
      "tpu.region"() ({
        %run_scoped3A = tpu.sem_alloc : memref<!tpu.dma_semaphore, #tpu.memory_space<semaphore_mem>>
        %dma_start3A_101 = arith.constant 0 : i32
        %dma_start3A_102 = arith.constant 0 : i32
        %dma_start3A_103 = tpu.memref_slice %arg14[%dma_start3A_101, %dma_start3A_102] : memref<80x128xf32, #tpu.memory_space<vmem>> -> memref<80x128xf32, #tpu.memory_space<vmem>>
        %dma_start3A_104 = arith.constant 9520 : i32
        %dma_start3A_105 = arith.constant 0 : i32
        %dma_start3A_106 = tpu.memref_slice %arg7[%dma_start3A_104, %dma_start3A_105] : memref<10000x128xf32, #tpu.memory_space<vmem_shared>> -> memref<80x128xf32, #tpu.memory_space<vmem_shared>>
        %dma_start3A_107 = arith.constant 9520 : i32
        %dma_start3A_108 = arith.constant 0 : i32
        %dma_start3A_109 = tpu.memref_slice %arg7[%dma_start3A_107, %dma_start3A_108] : memref<10000x128xf32, #tpu.memory_space<vmem_shared>> -> memref<80x128xf32, #tpu.memory_space<vmem_shared>>
        %dma_start3A_110 = arith.constant 0 : i32
        %dma_start3A_111 = arith.constant 0 : i32
        %dma_start3A_112 = tpu.memref_slice %arg14[%dma_start3A_110, %dma_start3A_111] : memref<80x128xf32, #tpu.memory_space<vmem>> -> memref<80x128xf32, #tpu.memory_space<vmem>>
        tpu.enqueue_dma source(%dma_start3A_112 : memref<80x128xf32, #tpu.memory_space<vmem>>) target(%dma_start3A_109 : memref<80x128xf32, #tpu.memory_space<vmem_shared>>) target_semaphore(%run_scoped3A : memref<!tpu.dma_semaphore, #tpu.memory_space<semaphore_mem>>)
        %dma_wait3A_113 = arith.constant 0 : i32
        %dma_wait3A_114 = arith.constant 0 : i32
        %dma_wait3A_115 = tpu.memref_slice %arg14[%dma_wait3A_113, %dma_wait3A_114] : memref<80x128xf32, #tpu.memory_space<vmem>> -> memref<80x128xf32, #tpu.memory_space<vmem>>
        %dma_wait3A_116 = arith.constant 9520 : i32
        %dma_wait3A_117 = arith.constant 0 : i32
        %dma_wait3A_118 = tpu.memref_slice %arg7[%dma_wait3A_116, %dma_wait3A_117] : memref<10000x128xf32, #tpu.memory_space<vmem_shared>> -> memref<80x128xf32, #tpu.memory_space<vmem_shared>>
        %dma_wait3A_119 = arith.constant 9520 : i32
        %dma_wait3A_120 = arith.constant 0 : i32
        %dma_wait3A_121 = tpu.memref_slice %arg7[%dma_wait3A_119, %dma_wait3A_120] : memref<10000x128xf32, #tpu.memory_space<vmem_shared>> -> memref<80x128xf32, #tpu.memory_space<vmem_shared>>
        %dma_wait3A_122 = arith.constant 0 : i32
        %dma_wait3A_123 = arith.constant 0 : i32
        %dma_wait3A_124 = tpu.memref_slice %arg14[%dma_wait3A_122, %dma_wait3A_123] : memref<80x128xf32, #tpu.memory_space<vmem>> -> memref<80x128xf32, #tpu.memory_space<vmem>>
        tpu.wait_dma2 semaphore(%run_scoped3A : memref<!tpu.dma_semaphore, #tpu.memory_space<semaphore_mem>>) src(%dma_wait3A_124 : memref<80x128xf32, #tpu.memory_space<vmem>>) dst(%dma_wait3A_121 : memref<80x128xf32, #tpu.memory_space<vmem_shared>>)
        tpu.yield
      }) : () -> ()
      "tpu.region"() ({
        %run_scoped3A = tpu.sem_alloc : memref<!tpu.dma_semaphore, #tpu.memory_space<semaphore_mem>>
        %dma_start3A_101 = arith.constant 0 : i32
        %dma_start3A_102 = arith.constant 0 : i32
        %dma_start3A_103 = tpu.memref_slice %arg14[%dma_start3A_101, %dma_start3A_102] : memref<80x128xf32, #tpu.memory_space<vmem>> -> memref<80x128xf32, #tpu.memory_space<vmem>>
        %dma_start3A_104 = arith.constant 9600 : i32
        %dma_start3A_105 = arith.constant 0 : i32
        %dma_start3A_106 = tpu.memref_slice %arg7[%dma_start3A_104, %dma_start3A_105] : memref<10000x128xf32, #tpu.memory_space<vmem_shared>> -> memref<80x128xf32, #tpu.memory_space<vmem_shared>>
        %dma_start3A_107 = arith.constant 9600 : i32
        %dma_start3A_108 = arith.constant 0 : i32
        %dma_start3A_109 = tpu.memref_slice %arg7[%dma_start3A_107, %dma_start3A_108] : memref<10000x128xf32, #tpu.memory_space<vmem_shared>> -> memref<80x128xf32, #tpu.memory_space<vmem_shared>>
        %dma_start3A_110 = arith.constant 0 : i32
        %dma_start3A_111 = arith.constant 0 : i32
        %dma_start3A_112 = tpu.memref_slice %arg14[%dma_start3A_110, %dma_start3A_111] : memref<80x128xf32, #tpu.memory_space<vmem>> -> memref<80x128xf32, #tpu.memory_space<vmem>>
        tpu.enqueue_dma source(%dma_start3A_112 : memref<80x128xf32, #tpu.memory_space<vmem>>) target(%dma_start3A_109 : memref<80x128xf32, #tpu.memory_space<vmem_shared>>) target_semaphore(%run_scoped3A : memref<!tpu.dma_semaphore, #tpu.memory_space<semaphore_mem>>)
        %dma_wait3A_113 = arith.constant 0 : i32
        %dma_wait3A_114 = arith.constant 0 : i32
        %dma_wait3A_115 = tpu.memref_slice %arg14[%dma_wait3A_113, %dma_wait3A_114] : memref<80x128xf32, #tpu.memory_space<vmem>> -> memref<80x128xf32, #tpu.memory_space<vmem>>
        %dma_wait3A_116 = arith.constant 9600 : i32
        %dma_wait3A_117 = arith.constant 0 : i32
        %dma_wait3A_118 = tpu.memref_slice %arg7[%dma_wait3A_116, %dma_wait3A_117] : memref<10000x128xf32, #tpu.memory_space<vmem_shared>> -> memref<80x128xf32, #tpu.memory_space<vmem_shared>>
        %dma_wait3A_119 = arith.constant 9600 : i32
        %dma_wait3A_120 = arith.constant 0 : i32
        %dma_wait3A_121 = tpu.memref_slice %arg7[%dma_wait3A_119, %dma_wait3A_120] : memref<10000x128xf32, #tpu.memory_space<vmem_shared>> -> memref<80x128xf32, #tpu.memory_space<vmem_shared>>
        %dma_wait3A_122 = arith.constant 0 : i32
        %dma_wait3A_123 = arith.constant 0 : i32
        %dma_wait3A_124 = tpu.memref_slice %arg14[%dma_wait3A_122, %dma_wait3A_123] : memref<80x128xf32, #tpu.memory_space<vmem>> -> memref<80x128xf32, #tpu.memory_space<vmem>>
        tpu.wait_dma2 semaphore(%run_scoped3A : memref<!tpu.dma_semaphore, #tpu.memory_space<semaphore_mem>>) src(%dma_wait3A_124 : memref<80x128xf32, #tpu.memory_space<vmem>>) dst(%dma_wait3A_121 : memref<80x128xf32, #tpu.memory_space<vmem_shared>>)
        tpu.yield
      }) : () -> ()
      "tpu.region"() ({
        %run_scoped3A = tpu.sem_alloc : memref<!tpu.dma_semaphore, #tpu.memory_space<semaphore_mem>>
        %dma_start3A_101 = arith.constant 0 : i32
        %dma_start3A_102 = arith.constant 0 : i32
        %dma_start3A_103 = tpu.memref_slice %arg14[%dma_start3A_101, %dma_start3A_102] : memref<80x128xf32, #tpu.memory_space<vmem>> -> memref<80x128xf32, #tpu.memory_space<vmem>>
        %dma_start3A_104 = arith.constant 9680 : i32
        %dma_start3A_105 = arith.constant 0 : i32
        %dma_start3A_106 = tpu.memref_slice %arg7[%dma_start3A_104, %dma_start3A_105] : memref<10000x128xf32, #tpu.memory_space<vmem_shared>> -> memref<80x128xf32, #tpu.memory_space<vmem_shared>>
        %dma_start3A_107 = arith.constant 9680 : i32
        %dma_start3A_108 = arith.constant 0 : i32
        %dma_start3A_109 = tpu.memref_slice %arg7[%dma_start3A_107, %dma_start3A_108] : memref<10000x128xf32, #tpu.memory_space<vmem_shared>> -> memref<80x128xf32, #tpu.memory_space<vmem_shared>>
        %dma_start3A_110 = arith.constant 0 : i32
        %dma_start3A_111 = arith.constant 0 : i32
        %dma_start3A_112 = tpu.memref_slice %arg14[%dma_start3A_110, %dma_start3A_111] : memref<80x128xf32, #tpu.memory_space<vmem>> -> memref<80x128xf32, #tpu.memory_space<vmem>>
        tpu.enqueue_dma source(%dma_start3A_112 : memref<80x128xf32, #tpu.memory_space<vmem>>) target(%dma_start3A_109 : memref<80x128xf32, #tpu.memory_space<vmem_shared>>) target_semaphore(%run_scoped3A : memref<!tpu.dma_semaphore, #tpu.memory_space<semaphore_mem>>)
        %dma_wait3A_113 = arith.constant 0 : i32
        %dma_wait3A_114 = arith.constant 0 : i32
        %dma_wait3A_115 = tpu.memref_slice %arg14[%dma_wait3A_113, %dma_wait3A_114] : memref<80x128xf32, #tpu.memory_space<vmem>> -> memref<80x128xf32, #tpu.memory_space<vmem>>
        %dma_wait3A_116 = arith.constant 9680 : i32
        %dma_wait3A_117 = arith.constant 0 : i32
        %dma_wait3A_118 = tpu.memref_slice %arg7[%dma_wait3A_116, %dma_wait3A_117] : memref<10000x128xf32, #tpu.memory_space<vmem_shared>> -> memref<80x128xf32, #tpu.memory_space<vmem_shared>>
        %dma_wait3A_119 = arith.constant 9680 : i32
        %dma_wait3A_120 = arith.constant 0 : i32
        %dma_wait3A_121 = tpu.memref_slice %arg7[%dma_wait3A_119, %dma_wait3A_120] : memref<10000x128xf32, #tpu.memory_space<vmem_shared>> -> memref<80x128xf32, #tpu.memory_space<vmem_shared>>
        %dma_wait3A_122 = arith.constant 0 : i32
        %dma_wait3A_123 = arith.constant 0 : i32
        %dma_wait3A_124 = tpu.memref_slice %arg14[%dma_wait3A_122, %dma_wait3A_123] : memref<80x128xf32, #tpu.memory_space<vmem>> -> memref<80x128xf32, #tpu.memory_space<vmem>>
        tpu.wait_dma2 semaphore(%run_scoped3A : memref<!tpu.dma_semaphore, #tpu.memory_space<semaphore_mem>>) src(%dma_wait3A_124 : memref<80x128xf32, #tpu.memory_space<vmem>>) dst(%dma_wait3A_121 : memref<80x128xf32, #tpu.memory_space<vmem_shared>>)
        tpu.yield
      }) : () -> ()
      "tpu.region"() ({
        %run_scoped3A = tpu.sem_alloc : memref<!tpu.dma_semaphore, #tpu.memory_space<semaphore_mem>>
        %dma_start3A_101 = arith.constant 0 : i32
        %dma_start3A_102 = arith.constant 0 : i32
        %dma_start3A_103 = tpu.memref_slice %arg14[%dma_start3A_101, %dma_start3A_102] : memref<80x128xf32, #tpu.memory_space<vmem>> -> memref<80x128xf32, #tpu.memory_space<vmem>>
        %dma_start3A_104 = arith.constant 9760 : i32
        %dma_start3A_105 = arith.constant 0 : i32
        %dma_start3A_106 = tpu.memref_slice %arg7[%dma_start3A_104, %dma_start3A_105] : memref<10000x128xf32, #tpu.memory_space<vmem_shared>> -> memref<80x128xf32, #tpu.memory_space<vmem_shared>>
        %dma_start3A_107 = arith.constant 9760 : i32
        %dma_start3A_108 = arith.constant 0 : i32
        %dma_start3A_109 = tpu.memref_slice %arg7[%dma_start3A_107, %dma_start3A_108] : memref<10000x128xf32, #tpu.memory_space<vmem_shared>> -> memref<80x128xf32, #tpu.memory_space<vmem_shared>>
        %dma_start3A_110 = arith.constant 0 : i32
        %dma_start3A_111 = arith.constant 0 : i32
        %dma_start3A_112 = tpu.memref_slice %arg14[%dma_start3A_110, %dma_start3A_111] : memref<80x128xf32, #tpu.memory_space<vmem>> -> memref<80x128xf32, #tpu.memory_space<vmem>>
        tpu.enqueue_dma source(%dma_start3A_112 : memref<80x128xf32, #tpu.memory_space<vmem>>) target(%dma_start3A_109 : memref<80x128xf32, #tpu.memory_space<vmem_shared>>) target_semaphore(%run_scoped3A : memref<!tpu.dma_semaphore, #tpu.memory_space<semaphore_mem>>)
        %dma_wait3A_113 = arith.constant 0 : i32
        %dma_wait3A_114 = arith.constant 0 : i32
        %dma_wait3A_115 = tpu.memref_slice %arg14[%dma_wait3A_113, %dma_wait3A_114] : memref<80x128xf32, #tpu.memory_space<vmem>> -> memref<80x128xf32, #tpu.memory_space<vmem>>
        %dma_wait3A_116 = arith.constant 9760 : i32
        %dma_wait3A_117 = arith.constant 0 : i32
        %dma_wait3A_118 = tpu.memref_slice %arg7[%dma_wait3A_116, %dma_wait3A_117] : memref<10000x128xf32, #tpu.memory_space<vmem_shared>> -> memref<80x128xf32, #tpu.memory_space<vmem_shared>>
        %dma_wait3A_119 = arith.constant 9760 : i32
        %dma_wait3A_120 = arith.constant 0 : i32
        %dma_wait3A_121 = tpu.memref_slice %arg7[%dma_wait3A_119, %dma_wait3A_120] : memref<10000x128xf32, #tpu.memory_space<vmem_shared>> -> memref<80x128xf32, #tpu.memory_space<vmem_shared>>
        %dma_wait3A_122 = arith.constant 0 : i32
        %dma_wait3A_123 = arith.constant 0 : i32
        %dma_wait3A_124 = tpu.memref_slice %arg14[%dma_wait3A_122, %dma_wait3A_123] : memref<80x128xf32, #tpu.memory_space<vmem>> -> memref<80x128xf32, #tpu.memory_space<vmem>>
        tpu.wait_dma2 semaphore(%run_scoped3A : memref<!tpu.dma_semaphore, #tpu.memory_space<semaphore_mem>>) src(%dma_wait3A_124 : memref<80x128xf32, #tpu.memory_space<vmem>>) dst(%dma_wait3A_121 : memref<80x128xf32, #tpu.memory_space<vmem_shared>>)
        tpu.yield
      }) : () -> ()
      "tpu.region"() ({
        %run_scoped3A = tpu.sem_alloc : memref<!tpu.dma_semaphore, #tpu.memory_space<semaphore_mem>>
        %dma_start3A_101 = arith.constant 0 : i32
        %dma_start3A_102 = arith.constant 0 : i32
        %dma_start3A_103 = tpu.memref_slice %arg14[%dma_start3A_101, %dma_start3A_102] : memref<80x128xf32, #tpu.memory_space<vmem>> -> memref<80x128xf32, #tpu.memory_space<vmem>>
        %dma_start3A_104 = arith.constant 9840 : i32
        %dma_start3A_105 = arith.constant 0 : i32
        %dma_start3A_106 = tpu.memref_slice %arg7[%dma_start3A_104, %dma_start3A_105] : memref<10000x128xf32, #tpu.memory_space<vmem_shared>> -> memref<80x128xf32, #tpu.memory_space<vmem_shared>>
        %dma_start3A_107 = arith.constant 9840 : i32
        %dma_start3A_108 = arith.constant 0 : i32
        %dma_start3A_109 = tpu.memref_slice %arg7[%dma_start3A_107, %dma_start3A_108] : memref<10000x128xf32, #tpu.memory_space<vmem_shared>> -> memref<80x128xf32, #tpu.memory_space<vmem_shared>>
        %dma_start3A_110 = arith.constant 0 : i32
        %dma_start3A_111 = arith.constant 0 : i32
        %dma_start3A_112 = tpu.memref_slice %arg14[%dma_start3A_110, %dma_start3A_111] : memref<80x128xf32, #tpu.memory_space<vmem>> -> memref<80x128xf32, #tpu.memory_space<vmem>>
        tpu.enqueue_dma source(%dma_start3A_112 : memref<80x128xf32, #tpu.memory_space<vmem>>) target(%dma_start3A_109 : memref<80x128xf32, #tpu.memory_space<vmem_shared>>) target_semaphore(%run_scoped3A : memref<!tpu.dma_semaphore, #tpu.memory_space<semaphore_mem>>)
        %dma_wait3A_113 = arith.constant 0 : i32
        %dma_wait3A_114 = arith.constant 0 : i32
        %dma_wait3A_115 = tpu.memref_slice %arg14[%dma_wait3A_113, %dma_wait3A_114] : memref<80x128xf32, #tpu.memory_space<vmem>> -> memref<80x128xf32, #tpu.memory_space<vmem>>
        %dma_wait3A_116 = arith.constant 9840 : i32
        %dma_wait3A_117 = arith.constant 0 : i32
        %dma_wait3A_118 = tpu.memref_slice %arg7[%dma_wait3A_116, %dma_wait3A_117] : memref<10000x128xf32, #tpu.memory_space<vmem_shared>> -> memref<80x128xf32, #tpu.memory_space<vmem_shared>>
        %dma_wait3A_119 = arith.constant 9840 : i32
        %dma_wait3A_120 = arith.constant 0 : i32
        %dma_wait3A_121 = tpu.memref_slice %arg7[%dma_wait3A_119, %dma_wait3A_120] : memref<10000x128xf32, #tpu.memory_space<vmem_shared>> -> memref<80x128xf32, #tpu.memory_space<vmem_shared>>
        %dma_wait3A_122 = arith.constant 0 : i32
        %dma_wait3A_123 = arith.constant 0 : i32
        %dma_wait3A_124 = tpu.memref_slice %arg14[%dma_wait3A_122, %dma_wait3A_123] : memref<80x128xf32, #tpu.memory_space<vmem>> -> memref<80x128xf32, #tpu.memory_space<vmem>>
        tpu.wait_dma2 semaphore(%run_scoped3A : memref<!tpu.dma_semaphore, #tpu.memory_space<semaphore_mem>>) src(%dma_wait3A_124 : memref<80x128xf32, #tpu.memory_space<vmem>>) dst(%dma_wait3A_121 : memref<80x128xf32, #tpu.memory_space<vmem_shared>>)
        tpu.yield
      }) : () -> ()
      "tpu.region"() ({
        %run_scoped3A = tpu.sem_alloc : memref<!tpu.dma_semaphore, #tpu.memory_space<semaphore_mem>>
        %dma_start3A_101 = arith.constant 0 : i32
        %dma_start3A_102 = arith.constant 0 : i32
        %dma_start3A_103 = tpu.memref_slice %arg14[%dma_start3A_101, %dma_start3A_102] : memref<80x128xf32, #tpu.memory_space<vmem>> -> memref<80x128xf32, #tpu.memory_space<vmem>>
        %dma_start3A_104 = arith.constant 9920 : i32
        %dma_start3A_105 = arith.constant 0 : i32
        %dma_start3A_106 = tpu.memref_slice %arg7[%dma_start3A_104, %dma_start3A_105] : memref<10000x128xf32, #tpu.memory_space<vmem_shared>> -> memref<80x128xf32, #tpu.memory_space<vmem_shared>>
        %dma_start3A_107 = arith.constant 9920 : i32
        %dma_start3A_108 = arith.constant 0 : i32
        %dma_start3A_109 = tpu.memref_slice %arg7[%dma_start3A_107, %dma_start3A_108] : memref<10000x128xf32, #tpu.memory_space<vmem_shared>> -> memref<80x128xf32, #tpu.memory_space<vmem_shared>>
        %dma_start3A_110 = arith.constant 0 : i32
        %dma_start3A_111 = arith.constant 0 : i32
        %dma_start3A_112 = tpu.memref_slice %arg14[%dma_start3A_110, %dma_start3A_111] : memref<80x128xf32, #tpu.memory_space<vmem>> -> memref<80x128xf32, #tpu.memory_space<vmem>>
        tpu.enqueue_dma source(%dma_start3A_112 : memref<80x128xf32, #tpu.memory_space<vmem>>) target(%dma_start3A_109 : memref<80x128xf32, #tpu.memory_space<vmem_shared>>) target_semaphore(%run_scoped3A : memref<!tpu.dma_semaphore, #tpu.memory_space<semaphore_mem>>)
        %dma_wait3A_113 = arith.constant 0 : i32
        %dma_wait3A_114 = arith.constant 0 : i32
        %dma_wait3A_115 = tpu.memref_slice %arg14[%dma_wait3A_113, %dma_wait3A_114] : memref<80x128xf32, #tpu.memory_space<vmem>> -> memref<80x128xf32, #tpu.memory_space<vmem>>
        %dma_wait3A_116 = arith.constant 9920 : i32
        %dma_wait3A_117 = arith.constant 0 : i32
        %dma_wait3A_118 = tpu.memref_slice %arg7[%dma_wait3A_116, %dma_wait3A_117] : memref<10000x128xf32, #tpu.memory_space<vmem_shared>> -> memref<80x128xf32, #tpu.memory_space<vmem_shared>>
        %dma_wait3A_119 = arith.constant 9920 : i32
        %dma_wait3A_120 = arith.constant 0 : i32
        %dma_wait3A_121 = tpu.memref_slice %arg7[%dma_wait3A_119, %dma_wait3A_120] : memref<10000x128xf32, #tpu.memory_space<vmem_shared>> -> memref<80x128xf32, #tpu.memory_space<vmem_shared>>
        %dma_wait3A_122 = arith.constant 0 : i32
        %dma_wait3A_123 = arith.constant 0 : i32
        %dma_wait3A_124 = tpu.memref_slice %arg14[%dma_wait3A_122, %dma_wait3A_123] : memref<80x128xf32, #tpu.memory_space<vmem>> -> memref<80x128xf32, #tpu.memory_space<vmem>>
        tpu.wait_dma2 semaphore(%run_scoped3A : memref<!tpu.dma_semaphore, #tpu.memory_space<semaphore_mem>>) src(%dma_wait3A_124 : memref<80x128xf32, #tpu.memory_space<vmem>>) dst(%dma_wait3A_121 : memref<80x128xf32, #tpu.memory_space<vmem_shared>>)
        tpu.yield
      }) : () -> ()
    } else {
    }
    %barrier3A = arith.constant 0 : index
    tpu.barrier barrier_id(%barrier3A)
    %mul3A_13 = arith.constant 10000 : i32
    %mul3A_14 = arith.muli %add3A, %mul3A_13 : i32
    %add3A_15 = arith.constant 0 : i32
    %add3A_16 = arith.addi %mul3A_14, %add3A_15 : i32
    "tpu.region"() ({
      %run_scoped3A = tpu.sem_alloc : memref<!tpu.dma_semaphore, #tpu.memory_space<semaphore_mem>>
      %dma_start3A_101 = tpu.memref_slice %arg3[%add3A_16] : memref<320000xi32, #tpu.memory_space<hbm>> -> memref<80xi32, #tpu.memory_space<hbm>>
      %dma_start3A_102 = tpu.memref_slice %arg3[%add3A_16] : memref<320000xi32, #tpu.memory_space<hbm>> -> memref<80xi32, #tpu.memory_space<hbm>>
      tpu.enqueue_dma source(%dma_start3A_102 : memref<80xi32, #tpu.memory_space<hbm>>) target(%arg8 : memref<80xi32, #tpu.memory_space<vmem>>) target_semaphore(%run_scoped3A : memref<!tpu.dma_semaphore, #tpu.memory_space<semaphore_mem>>)
      %dma_wait3A_103 = tpu.memref_slice %arg3[%add3A_16] : memref<320000xi32, #tpu.memory_space<hbm>> -> memref<80xi32, #tpu.memory_space<hbm>>
      %dma_wait3A_104 = tpu.memref_slice %arg3[%add3A_16] : memref<320000xi32, #tpu.memory_space<hbm>> -> memref<80xi32, #tpu.memory_space<hbm>>
      tpu.wait_dma2 semaphore(%run_scoped3A : memref<!tpu.dma_semaphore, #tpu.memory_space<semaphore_mem>>) src(%dma_wait3A_104 : memref<80xi32, #tpu.memory_space<hbm>>) dst(%arg8 : memref<80xi32, #tpu.memory_space<vmem>>)
      tpu.yield
    }) : () -> ()
    "tpu.region"() ({
      %run_scoped3A = tpu.sem_alloc : memref<!tpu.dma_semaphore, #tpu.memory_space<semaphore_mem>>
      %dma_start3A_101 = tpu.memref_slice %arg4[%add3A_16] : memref<320000xi32, #tpu.memory_space<hbm>> -> memref<80xi32, #tpu.memory_space<hbm>>
      %dma_start3A_102 = tpu.memref_slice %arg4[%add3A_16] : memref<320000xi32, #tpu.memory_space<hbm>> -> memref<80xi32, #tpu.memory_space<hbm>>
      tpu.enqueue_dma source(%dma_start3A_102 : memref<80xi32, #tpu.memory_space<hbm>>) target(%arg9 : memref<80xi32, #tpu.memory_space<vmem>>) target_semaphore(%run_scoped3A : memref<!tpu.dma_semaphore, #tpu.memory_space<semaphore_mem>>)
      %dma_wait3A_103 = tpu.memref_slice %arg4[%add3A_16] : memref<320000xi32, #tpu.memory_space<hbm>> -> memref<80xi32, #tpu.memory_space<hbm>>
      %dma_wait3A_104 = tpu.memref_slice %arg4[%add3A_16] : memref<320000xi32, #tpu.memory_space<hbm>> -> memref<80xi32, #tpu.memory_space<hbm>>
      tpu.wait_dma2 semaphore(%run_scoped3A : memref<!tpu.dma_semaphore, #tpu.memory_space<semaphore_mem>>) src(%dma_wait3A_104 : memref<80xi32, #tpu.memory_space<hbm>>) dst(%arg9 : memref<80xi32, #tpu.memory_space<vmem>>)
      tpu.yield
    }) : () -> ()
    %dma_start3A = arith.constant 0 : i32
    %dma_start3A_17 = arith.constant 0 : i32
    %dma_start3A_18 = tpu.memref_slice %arg2[%dma_start3A, %dma_start3A_17] : memref<10000x128xf32, #tpu.memory_space<hbm>> -> memref<10000x128xf32, #tpu.memory_space<hbm>>
    tpu.enqueue_indirect_dma source(%dma_start3A_18 : memref<10000x128xf32, #tpu.memory_space<hbm>>) target(%arg14 : memref<80x128xf32, #tpu.memory_space<vmem>>) offsets(%arg8 : memref<80xi32, #tpu.memory_space<vmem>>) semaphore(%arg17 : memref<!tpu.dma_semaphore, #tpu.memory_space<semaphore_mem>>)
    %add3A_19 = arith.constant 80 : i32
    %add3A_20 = arith.addi %mul3A_14, %add3A_19 : i32
    "tpu.region"() ({
      %run_scoped3A = tpu.sem_alloc : memref<!tpu.dma_semaphore, #tpu.memory_space<semaphore_mem>>
      %dma_start3A_101 = tpu.memref_slice %arg3[%add3A_20] : memref<320000xi32, #tpu.memory_space<hbm>> -> memref<80xi32, #tpu.memory_space<hbm>>
      %dma_start3A_102 = tpu.memref_slice %arg3[%add3A_20] : memref<320000xi32, #tpu.memory_space<hbm>> -> memref<80xi32, #tpu.memory_space<hbm>>
      tpu.enqueue_dma source(%dma_start3A_102 : memref<80xi32, #tpu.memory_space<hbm>>) target(%arg10 : memref<80xi32, #tpu.memory_space<vmem>>) target_semaphore(%run_scoped3A : memref<!tpu.dma_semaphore, #tpu.memory_space<semaphore_mem>>)
      %dma_wait3A_103 = tpu.memref_slice %arg3[%add3A_20] : memref<320000xi32, #tpu.memory_space<hbm>> -> memref<80xi32, #tpu.memory_space<hbm>>
      %dma_wait3A_104 = tpu.memref_slice %arg3[%add3A_20] : memref<320000xi32, #tpu.memory_space<hbm>> -> memref<80xi32, #tpu.memory_space<hbm>>
      tpu.wait_dma2 semaphore(%run_scoped3A : memref<!tpu.dma_semaphore, #tpu.memory_space<semaphore_mem>>) src(%dma_wait3A_104 : memref<80xi32, #tpu.memory_space<hbm>>) dst(%arg10 : memref<80xi32, #tpu.memory_space<vmem>>)
      tpu.yield
    }) : () -> ()
    "tpu.region"() ({
      %run_scoped3A = tpu.sem_alloc : memref<!tpu.dma_semaphore, #tpu.memory_space<semaphore_mem>>
      %dma_start3A_101 = tpu.memref_slice %arg4[%add3A_20] : memref<320000xi32, #tpu.memory_space<hbm>> -> memref<80xi32, #tpu.memory_space<hbm>>
      %dma_start3A_102 = tpu.memref_slice %arg4[%add3A_20] : memref<320000xi32, #tpu.memory_space<hbm>> -> memref<80xi32, #tpu.memory_space<hbm>>
      tpu.enqueue_dma source(%dma_start3A_102 : memref<80xi32, #tpu.memory_space<hbm>>) target(%arg11 : memref<80xi32, #tpu.memory_space<vmem>>) target_semaphore(%run_scoped3A : memref<!tpu.dma_semaphore, #tpu.memory_space<semaphore_mem>>)
      %dma_wait3A_103 = tpu.memref_slice %arg4[%add3A_20] : memref<320000xi32, #tpu.memory_space<hbm>> -> memref<80xi32, #tpu.memory_space<hbm>>
      %dma_wait3A_104 = tpu.memref_slice %arg4[%add3A_20] : memref<320000xi32, #tpu.memory_space<hbm>> -> memref<80xi32, #tpu.memory_space<hbm>>
      tpu.wait_dma2 semaphore(%run_scoped3A : memref<!tpu.dma_semaphore, #tpu.memory_space<semaphore_mem>>) src(%dma_wait3A_104 : memref<80xi32, #tpu.memory_space<hbm>>) dst(%arg11 : memref<80xi32, #tpu.memory_space<vmem>>)
      tpu.yield
    }) : () -> ()
    %dma_start3A_21 = arith.constant 0 : i32
    %dma_start3A_22 = arith.constant 0 : i32
    %dma_start3A_23 = tpu.memref_slice %arg2[%dma_start3A_21, %dma_start3A_22] : memref<10000x128xf32, #tpu.memory_space<hbm>> -> memref<10000x128xf32, #tpu.memory_space<hbm>>
    tpu.enqueue_indirect_dma source(%dma_start3A_23 : memref<10000x128xf32, #tpu.memory_space<hbm>>) target(%arg15 : memref<80x128xf32, #tpu.memory_space<vmem>>) offsets(%arg10 : memref<80xi32, #tpu.memory_space<vmem>>) semaphore(%arg18 : memref<!tpu.dma_semaphore, #tpu.memory_space<semaphore_mem>>)
    %add3A_24 = arith.constant 160 : i32
    %add3A_25 = arith.addi %mul3A_14, %add3A_24 : i32
    "tpu.region"() ({
      %run_scoped3A = tpu.sem_alloc : memref<!tpu.dma_semaphore, #tpu.memory_space<semaphore_mem>>
      %dma_start3A_101 = tpu.memref_slice %arg3[%add3A_25] : memref<320000xi32, #tpu.memory_space<hbm>> -> memref<80xi32, #tpu.memory_space<hbm>>
      %dma_start3A_102 = tpu.memref_slice %arg3[%add3A_25] : memref<320000xi32, #tpu.memory_space<hbm>> -> memref<80xi32, #tpu.memory_space<hbm>>
      tpu.enqueue_dma source(%dma_start3A_102 : memref<80xi32, #tpu.memory_space<hbm>>) target(%arg12 : memref<80xi32, #tpu.memory_space<vmem>>) target_semaphore(%run_scoped3A : memref<!tpu.dma_semaphore, #tpu.memory_space<semaphore_mem>>)
      %dma_wait3A_103 = tpu.memref_slice %arg3[%add3A_25] : memref<320000xi32, #tpu.memory_space<hbm>> -> memref<80xi32, #tpu.memory_space<hbm>>
      %dma_wait3A_104 = tpu.memref_slice %arg3[%add3A_25] : memref<320000xi32, #tpu.memory_space<hbm>> -> memref<80xi32, #tpu.memory_space<hbm>>
      tpu.wait_dma2 semaphore(%run_scoped3A : memref<!tpu.dma_semaphore, #tpu.memory_space<semaphore_mem>>) src(%dma_wait3A_104 : memref<80xi32, #tpu.memory_space<hbm>>) dst(%arg12 : memref<80xi32, #tpu.memory_space<vmem>>)
      tpu.yield
    }) : () -> ()
    "tpu.region"() ({
      %run_scoped3A = tpu.sem_alloc : memref<!tpu.dma_semaphore, #tpu.memory_space<semaphore_mem>>
      %dma_start3A_101 = tpu.memref_slice %arg4[%add3A_25] : memref<320000xi32, #tpu.memory_space<hbm>> -> memref<80xi32, #tpu.memory_space<hbm>>
      %dma_start3A_102 = tpu.memref_slice %arg4[%add3A_25] : memref<320000xi32, #tpu.memory_space<hbm>> -> memref<80xi32, #tpu.memory_space<hbm>>
      tpu.enqueue_dma source(%dma_start3A_102 : memref<80xi32, #tpu.memory_space<hbm>>) target(%arg13 : memref<80xi32, #tpu.memory_space<vmem>>) target_semaphore(%run_scoped3A : memref<!tpu.dma_semaphore, #tpu.memory_space<semaphore_mem>>)
      %dma_wait3A_103 = tpu.memref_slice %arg4[%add3A_25] : memref<320000xi32, #tpu.memory_space<hbm>> -> memref<80xi32, #tpu.memory_space<hbm>>
      %dma_wait3A_104 = tpu.memref_slice %arg4[%add3A_25] : memref<320000xi32, #tpu.memory_space<hbm>> -> memref<80xi32, #tpu.memory_space<hbm>>
      tpu.wait_dma2 semaphore(%run_scoped3A : memref<!tpu.dma_semaphore, #tpu.memory_space<semaphore_mem>>) src(%dma_wait3A_104 : memref<80xi32, #tpu.memory_space<hbm>>) dst(%arg13 : memref<80xi32, #tpu.memory_space<vmem>>)
      tpu.yield
    }) : () -> ()
    %dma_start3A_26 = arith.constant 0 : i32
    %dma_start3A_27 = arith.constant 0 : i32
    %dma_start3A_28 = tpu.memref_slice %arg2[%dma_start3A_26, %dma_start3A_27] : memref<10000x128xf32, #tpu.memory_space<hbm>> -> memref<10000x128xf32, #tpu.memory_space<hbm>>
    tpu.enqueue_indirect_dma source(%dma_start3A_28 : memref<10000x128xf32, #tpu.memory_space<hbm>>) target(%arg16 : memref<80x128xf32, #tpu.memory_space<vmem>>) offsets(%arg12 : memref<80xi32, #tpu.memory_space<vmem>>) semaphore(%arg19 : memref<!tpu.dma_semaphore, #tpu.memory_space<semaphore_mem>>)
    %dma_wait3A = arith.constant 0 : i32
    %dma_wait3A_29 = arith.constant 0 : i32
    %dma_wait3A_30 = tpu.memref_slice %arg2[%dma_wait3A, %dma_wait3A_29] : memref<10000x128xf32, #tpu.memory_space<hbm>> -> memref<10000x128xf32, #tpu.memory_space<hbm>>
    tpu.wait_indirect_dma semaphore(%arg17 : memref<!tpu.dma_semaphore, #tpu.memory_space<semaphore_mem>>) src(%dma_wait3A_30 : memref<10000x128xf32, #tpu.memory_space<hbm>>) dst(%arg14 : memref<80x128xf32, #tpu.memory_space<vmem>>)
    %dma_start3A_31 = arith.constant 0 : i32
    %dma_start3A_32 = arith.constant 0 : i32
    %dma_start3A_33 = tpu.memref_slice %arg7[%dma_start3A_31, %dma_start3A_32] : memref<10000x128xf32, #tpu.memory_space<vmem_shared>> -> memref<10000x128xf32, #tpu.memory_space<vmem_shared>>
    tpu.enqueue_indirect_dma source(%arg14 : memref<80x128xf32, #tpu.memory_space<vmem>>) target(%dma_start3A_33 : memref<10000x128xf32, #tpu.memory_space<vmem_shared>>) offsets(%arg9 : memref<80xi32, #tpu.memory_space<vmem>>) semaphore(%arg20 : memref<!tpu.dma_semaphore, #tpu.memory_space<semaphore_mem>>) {add = true}
    %dma_wait3A_34 = arith.constant 0 : i32
    %dma_wait3A_35 = arith.constant 0 : i32
    %dma_wait3A_36 = tpu.memref_slice %arg7[%dma_wait3A_34, %dma_wait3A_35] : memref<10000x128xf32, #tpu.memory_space<vmem_shared>> -> memref<10000x128xf32, #tpu.memory_space<vmem_shared>>
    tpu.wait_indirect_dma semaphore(%arg20 : memref<!tpu.dma_semaphore, #tpu.memory_space<semaphore_mem>>) src(%arg14 : memref<80x128xf32, #tpu.memory_space<vmem>>) dst(%dma_wait3A_36 : memref<10000x128xf32, #tpu.memory_space<vmem_shared>>)
    %add3A_37 = arith.constant 240 : i32
    %add3A_38 = arith.addi %mul3A_14, %add3A_37 : i32
    "tpu.region"() ({
      %run_scoped3A = tpu.sem_alloc : memref<!tpu.dma_semaphore, #tpu.memory_space<semaphore_mem>>
      %dma_start3A_101 = tpu.memref_slice %arg3[%add3A_38] : memref<320000xi32, #tpu.memory_space<hbm>> -> memref<80xi32, #tpu.memory_space<hbm>>
      %dma_start3A_102 = tpu.memref_slice %arg3[%add3A_38] : memref<320000xi32, #tpu.memory_space<hbm>> -> memref<80xi32, #tpu.memory_space<hbm>>
      tpu.enqueue_dma source(%dma_start3A_102 : memref<80xi32, #tpu.memory_space<hbm>>) target(%arg8 : memref<80xi32, #tpu.memory_space<vmem>>) target_semaphore(%run_scoped3A : memref<!tpu.dma_semaphore, #tpu.memory_space<semaphore_mem>>)
      %dma_wait3A_103 = tpu.memref_slice %arg3[%add3A_38] : memref<320000xi32, #tpu.memory_space<hbm>> -> memref<80xi32, #tpu.memory_space<hbm>>
      %dma_wait3A_104 = tpu.memref_slice %arg3[%add3A_38] : memref<320000xi32, #tpu.memory_space<hbm>> -> memref<80xi32, #tpu.memory_space<hbm>>
      tpu.wait_dma2 semaphore(%run_scoped3A : memref<!tpu.dma_semaphore, #tpu.memory_space<semaphore_mem>>) src(%dma_wait3A_104 : memref<80xi32, #tpu.memory_space<hbm>>) dst(%arg8 : memref<80xi32, #tpu.memory_space<vmem>>)
      tpu.yield
    }) : () -> ()
    "tpu.region"() ({
      %run_scoped3A = tpu.sem_alloc : memref<!tpu.dma_semaphore, #tpu.memory_space<semaphore_mem>>
      %dma_start3A_101 = tpu.memref_slice %arg4[%add3A_38] : memref<320000xi32, #tpu.memory_space<hbm>> -> memref<80xi32, #tpu.memory_space<hbm>>
      %dma_start3A_102 = tpu.memref_slice %arg4[%add3A_38] : memref<320000xi32, #tpu.memory_space<hbm>> -> memref<80xi32, #tpu.memory_space<hbm>>
      tpu.enqueue_dma source(%dma_start3A_102 : memref<80xi32, #tpu.memory_space<hbm>>) target(%arg9 : memref<80xi32, #tpu.memory_space<vmem>>) target_semaphore(%run_scoped3A : memref<!tpu.dma_semaphore, #tpu.memory_space<semaphore_mem>>)
      %dma_wait3A_103 = tpu.memref_slice %arg4[%add3A_38] : memref<320000xi32, #tpu.memory_space<hbm>> -> memref<80xi32, #tpu.memory_space<hbm>>
      %dma_wait3A_104 = tpu.memref_slice %arg4[%add3A_38] : memref<320000xi32, #tpu.memory_space<hbm>> -> memref<80xi32, #tpu.memory_space<hbm>>
      tpu.wait_dma2 semaphore(%run_scoped3A : memref<!tpu.dma_semaphore, #tpu.memory_space<semaphore_mem>>) src(%dma_wait3A_104 : memref<80xi32, #tpu.memory_space<hbm>>) dst(%arg9 : memref<80xi32, #tpu.memory_space<vmem>>)
      tpu.yield
    }) : () -> ()
    %dma_start3A_39 = arith.constant 0 : i32
    %dma_start3A_40 = arith.constant 0 : i32
    %dma_start3A_41 = tpu.memref_slice %arg2[%dma_start3A_39, %dma_start3A_40] : memref<10000x128xf32, #tpu.memory_space<hbm>> -> memref<10000x128xf32, #tpu.memory_space<hbm>>
    tpu.enqueue_indirect_dma source(%dma_start3A_41 : memref<10000x128xf32, #tpu.memory_space<hbm>>) target(%arg14 : memref<80x128xf32, #tpu.memory_space<vmem>>) offsets(%arg8 : memref<80xi32, #tpu.memory_space<vmem>>) semaphore(%arg17 : memref<!tpu.dma_semaphore, #tpu.memory_space<semaphore_mem>>)
    %dma_wait3A_42 = arith.constant 0 : i32
    %dma_wait3A_43 = arith.constant 0 : i32
    %dma_wait3A_44 = tpu.memref_slice %arg2[%dma_wait3A_42, %dma_wait3A_43] : memref<10000x128xf32, #tpu.memory_space<hbm>> -> memref<10000x128xf32, #tpu.memory_space<hbm>>
    tpu.wait_indirect_dma semaphore(%arg18 : memref<!tpu.dma_semaphore, #tpu.memory_space<semaphore_mem>>) src(%dma_wait3A_44 : memref<10000x128xf32, #tpu.memory_space<hbm>>) dst(%arg15 : memref<80x128xf32, #tpu.memory_space<vmem>>)
    %dma_start3A_45 = arith.constant 0 : i32
    %dma_start3A_46 = arith.constant 0 : i32
    %dma_start3A_47 = tpu.memref_slice %arg7[%dma_start3A_45, %dma_start3A_46] : memref<10000x128xf32, #tpu.memory_space<vmem_shared>> -> memref<10000x128xf32, #tpu.memory_space<vmem_shared>>
    tpu.enqueue_indirect_dma source(%arg15 : memref<80x128xf32, #tpu.memory_space<vmem>>) target(%dma_start3A_47 : memref<10000x128xf32, #tpu.memory_space<vmem_shared>>) offsets(%arg11 : memref<80xi32, #tpu.memory_space<vmem>>) semaphore(%arg21 : memref<!tpu.dma_semaphore, #tpu.memory_space<semaphore_mem>>) {add = true}
    %dma_wait3A_48 = arith.constant 0 : i32
    %dma_wait3A_49 = arith.constant 0 : i32
    %dma_wait3A_50 = tpu.memref_slice %arg7[%dma_wait3A_48, %dma_wait3A_49] : memref<10000x128xf32, #tpu.memory_space<vmem_shared>> -> memref<10000x128xf32, #tpu.memory_space<vmem_shared>>
    tpu.wait_indirect_dma semaphore(%arg21 : memref<!tpu.dma_semaphore, #tpu.memory_space<semaphore_mem>>) src(%arg15 : memref<80x128xf32, #tpu.memory_space<vmem>>) dst(%dma_wait3A_50 : memref<10000x128xf32, #tpu.memory_space<vmem_shared>>)
    %add3A_51 = arith.constant 320 : i32
    %add3A_52 = arith.addi %mul3A_14, %add3A_51 : i32
    "tpu.region"() ({
      %run_scoped3A = tpu.sem_alloc : memref<!tpu.dma_semaphore, #tpu.memory_space<semaphore_mem>>
      %dma_start3A_101 = tpu.memref_slice %arg3[%add3A_52] : memref<320000xi32, #tpu.memory_space<hbm>> -> memref<80xi32, #tpu.memory_space<hbm>>
      %dma_start3A_102 = tpu.memref_slice %arg3[%add3A_52] : memref<320000xi32, #tpu.memory_space<hbm>> -> memref<80xi32, #tpu.memory_space<hbm>>
      tpu.enqueue_dma source(%dma_start3A_102 : memref<80xi32, #tpu.memory_space<hbm>>) target(%arg10 : memref<80xi32, #tpu.memory_space<vmem>>) target_semaphore(%run_scoped3A : memref<!tpu.dma_semaphore, #tpu.memory_space<semaphore_mem>>)
      %dma_wait3A_103 = tpu.memref_slice %arg3[%add3A_52] : memref<320000xi32, #tpu.memory_space<hbm>> -> memref<80xi32, #tpu.memory_space<hbm>>
      %dma_wait3A_104 = tpu.memref_slice %arg3[%add3A_52] : memref<320000xi32, #tpu.memory_space<hbm>> -> memref<80xi32, #tpu.memory_space<hbm>>
      tpu.wait_dma2 semaphore(%run_scoped3A : memref<!tpu.dma_semaphore, #tpu.memory_space<semaphore_mem>>) src(%dma_wait3A_104 : memref<80xi32, #tpu.memory_space<hbm>>) dst(%arg10 : memref<80xi32, #tpu.memory_space<vmem>>)
      tpu.yield
    }) : () -> ()
    "tpu.region"() ({
      %run_scoped3A = tpu.sem_alloc : memref<!tpu.dma_semaphore, #tpu.memory_space<semaphore_mem>>
      %dma_start3A_101 = tpu.memref_slice %arg4[%add3A_52] : memref<320000xi32, #tpu.memory_space<hbm>> -> memref<80xi32, #tpu.memory_space<hbm>>
      %dma_start3A_102 = tpu.memref_slice %arg4[%add3A_52] : memref<320000xi32, #tpu.memory_space<hbm>> -> memref<80xi32, #tpu.memory_space<hbm>>
      tpu.enqueue_dma source(%dma_start3A_102 : memref<80xi32, #tpu.memory_space<hbm>>) target(%arg11 : memref<80xi32, #tpu.memory_space<vmem>>) target_semaphore(%run_scoped3A : memref<!tpu.dma_semaphore, #tpu.memory_space<semaphore_mem>>)
      %dma_wait3A_103 = tpu.memref_slice %arg4[%add3A_52] : memref<320000xi32, #tpu.memory_space<hbm>> -> memref<80xi32, #tpu.memory_space<hbm>>
      %dma_wait3A_104 = tpu.memref_slice %arg4[%add3A_52] : memref<320000xi32, #tpu.memory_space<hbm>> -> memref<80xi32, #tpu.memory_space<hbm>>
      tpu.wait_dma2 semaphore(%run_scoped3A : memref<!tpu.dma_semaphore, #tpu.memory_space<semaphore_mem>>) src(%dma_wait3A_104 : memref<80xi32, #tpu.memory_space<hbm>>) dst(%arg11 : memref<80xi32, #tpu.memory_space<vmem>>)
      tpu.yield
    }) : () -> ()
    %dma_start3A_53 = arith.constant 0 : i32
    %dma_start3A_54 = arith.constant 0 : i32
    %dma_start3A_55 = tpu.memref_slice %arg2[%dma_start3A_53, %dma_start3A_54] : memref<10000x128xf32, #tpu.memory_space<hbm>> -> memref<10000x128xf32, #tpu.memory_space<hbm>>
    tpu.enqueue_indirect_dma source(%dma_start3A_55 : memref<10000x128xf32, #tpu.memory_space<hbm>>) target(%arg15 : memref<80x128xf32, #tpu.memory_space<vmem>>) offsets(%arg10 : memref<80xi32, #tpu.memory_space<vmem>>) semaphore(%arg18 : memref<!tpu.dma_semaphore, #tpu.memory_space<semaphore_mem>>)
    %dma_wait3A_56 = arith.constant 0 : i32
    %dma_wait3A_57 = arith.constant 0 : i32
    %dma_wait3A_58 = tpu.memref_slice %arg2[%dma_wait3A_56, %dma_wait3A_57] : memref<10000x128xf32, #tpu.memory_space<hbm>> -> memref<10000x128xf32, #tpu.memory_space<hbm>>
    tpu.wait_indirect_dma semaphore(%arg19 : memref<!tpu.dma_semaphore, #tpu.memory_space<semaphore_mem>>) src(%dma_wait3A_58 : memref<10000x128xf32, #tpu.memory_space<hbm>>) dst(%arg16 : memref<80x128xf32, #tpu.memory_space<vmem>>)
    %dma_start3A_59 = arith.constant 0 : i32
    %dma_start3A_60 = arith.constant 0 : i32
    %dma_start3A_61 = tpu.memref_slice %arg7[%dma_start3A_59, %dma_start3A_60] : memref<10000x128xf32, #tpu.memory_space<vmem_shared>> -> memref<10000x128xf32, #tpu.memory_space<vmem_shared>>
    tpu.enqueue_indirect_dma source(%arg16 : memref<80x128xf32, #tpu.memory_space<vmem>>) target(%dma_start3A_61 : memref<10000x128xf32, #tpu.memory_space<vmem_shared>>) offsets(%arg13 : memref<80xi32, #tpu.memory_space<vmem>>) semaphore(%arg22 : memref<!tpu.dma_semaphore, #tpu.memory_space<semaphore_mem>>) {add = true}
    %scan3A_62 = arith.constant 0 : i32
    %scan3A_63 = arith.constant 1 : i32
    %scan3A_64 = arith.constant 40 : i32
    %scan3A_65 = arith.addi %scan3A_63, %scan3A_64 : i32
    %scan3A_66 = arith.constant 1 : i32
    %scan3A_67 = scf.for %scan3A_101 = %scan3A_63 to %scan3A_65 step %scan3A_66 iter_args(%scan3A_102 = %scan3A_62) -> (i32)  : i32 {
      %mul3A_103 = arith.constant 3 : i32
      %mul3A_104 = arith.muli %scan3A_101, %mul3A_103 : i32
      %add3A_105 = arith.constant 0 : i32
      %add3A_106 = arith.addi %mul3A_104, %add3A_105 : i32
      %dma_wait3A_107 = arith.constant 0 : i32
      %dma_wait3A_108 = arith.constant 0 : i32
      %dma_wait3A_109 = tpu.memref_slice %arg7[%dma_wait3A_107, %dma_wait3A_108] : memref<10000x128xf32, #tpu.memory_space<vmem_shared>> -> memref<10000x128xf32, #tpu.memory_space<vmem_shared>>
      tpu.wait_indirect_dma semaphore(%arg22 : memref<!tpu.dma_semaphore, #tpu.memory_space<semaphore_mem>>) src(%arg16 : memref<80x128xf32, #tpu.memory_space<vmem>>) dst(%dma_wait3A_109 : memref<10000x128xf32, #tpu.memory_space<vmem_shared>>)
      %add3A_110 = arith.constant 2 : i32
      %add3A_111 = arith.addi %add3A_106, %add3A_110 : i32
      %mul3A_112 = arith.constant 80 : i32
      %mul3A_113 = arith.muli %add3A_111, %mul3A_112 : i32
      %add3A_114 = arith.addi %mul3A_14, %mul3A_113 : i32
      "tpu.region"() ({
        %run_scoped3A = tpu.sem_alloc : memref<!tpu.dma_semaphore, #tpu.memory_space<semaphore_mem>>
        %dma_start3A_163 = tpu.memref_slice %arg3[%add3A_114] : memref<320000xi32, #tpu.memory_space<hbm>> -> memref<80xi32, #tpu.memory_space<hbm>>
        %dma_start3A_164 = tpu.memref_slice %arg3[%add3A_114] : memref<320000xi32, #tpu.memory_space<hbm>> -> memref<80xi32, #tpu.memory_space<hbm>>
        tpu.enqueue_dma source(%dma_start3A_164 : memref<80xi32, #tpu.memory_space<hbm>>) target(%arg12 : memref<80xi32, #tpu.memory_space<vmem>>) target_semaphore(%run_scoped3A : memref<!tpu.dma_semaphore, #tpu.memory_space<semaphore_mem>>)
        %dma_wait3A_165 = tpu.memref_slice %arg3[%add3A_114] : memref<320000xi32, #tpu.memory_space<hbm>> -> memref<80xi32, #tpu.memory_space<hbm>>
        %dma_wait3A_166 = tpu.memref_slice %arg3[%add3A_114] : memref<320000xi32, #tpu.memory_space<hbm>> -> memref<80xi32, #tpu.memory_space<hbm>>
        tpu.wait_dma2 semaphore(%run_scoped3A : memref<!tpu.dma_semaphore, #tpu.memory_space<semaphore_mem>>) src(%dma_wait3A_166 : memref<80xi32, #tpu.memory_space<hbm>>) dst(%arg12 : memref<80xi32, #tpu.memory_space<vmem>>)
        tpu.yield
      }) : () -> ()
      "tpu.region"() ({
        %run_scoped3A = tpu.sem_alloc : memref<!tpu.dma_semaphore, #tpu.memory_space<semaphore_mem>>
        %dma_start3A_163 = tpu.memref_slice %arg4[%add3A_114] : memref<320000xi32, #tpu.memory_space<hbm>> -> memref<80xi32, #tpu.memory_space<hbm>>
        %dma_start3A_164 = tpu.memref_slice %arg4[%add3A_114] : memref<320000xi32, #tpu.memory_space<hbm>> -> memref<80xi32, #tpu.memory_space<hbm>>
        tpu.enqueue_dma source(%dma_start3A_164 : memref<80xi32, #tpu.memory_space<hbm>>) target(%arg13 : memref<80xi32, #tpu.memory_space<vmem>>) target_semaphore(%run_scoped3A : memref<!tpu.dma_semaphore, #tpu.memory_space<semaphore_mem>>)
        %dma_wait3A_165 = tpu.memref_slice %arg4[%add3A_114] : memref<320000xi32, #tpu.memory_space<hbm>> -> memref<80xi32, #tpu.memory_space<hbm>>
        %dma_wait3A_166 = tpu.memref_slice %arg4[%add3A_114] : memref<320000xi32, #tpu.memory_space<hbm>> -> memref<80xi32, #tpu.memory_space<hbm>>
        tpu.wait_dma2 semaphore(%run_scoped3A : memref<!tpu.dma_semaphore, #tpu.memory_space<semaphore_mem>>) src(%dma_wait3A_166 : memref<80xi32, #tpu.memory_space<hbm>>) dst(%arg13 : memref<80xi32, #tpu.memory_space<vmem>>)
        tpu.yield
      }) : () -> ()
      %dma_start3A_115 = arith.constant 0 : i32
      %dma_start3A_116 = arith.constant 0 : i32
      %dma_start3A_117 = tpu.memref_slice %arg2[%dma_start3A_115, %dma_start3A_116] : memref<10000x128xf32, #tpu.memory_space<hbm>> -> memref<10000x128xf32, #tpu.memory_space<hbm>>
      tpu.enqueue_indirect_dma source(%dma_start3A_117 : memref<10000x128xf32, #tpu.memory_space<hbm>>) target(%arg16 : memref<80x128xf32, #tpu.memory_space<vmem>>) offsets(%arg12 : memref<80xi32, #tpu.memory_space<vmem>>) semaphore(%arg19 : memref<!tpu.dma_semaphore, #tpu.memory_space<semaphore_mem>>)
      %dma_wait3A_118 = arith.constant 0 : i32
      %dma_wait3A_119 = arith.constant 0 : i32
      %dma_wait3A_120 = tpu.memref_slice %arg2[%dma_wait3A_118, %dma_wait3A_119] : memref<10000x128xf32, #tpu.memory_space<hbm>> -> memref<10000x128xf32, #tpu.memory_space<hbm>>
      tpu.wait_indirect_dma semaphore(%arg17 : memref<!tpu.dma_semaphore, #tpu.memory_space<semaphore_mem>>) src(%dma_wait3A_120 : memref<10000x128xf32, #tpu.memory_space<hbm>>) dst(%arg14 : memref<80x128xf32, #tpu.memory_space<vmem>>)
      %dma_start3A_121 = arith.constant 0 : i32
      %dma_start3A_122 = arith.constant 0 : i32
      %dma_start3A_123 = tpu.memref_slice %arg7[%dma_start3A_121, %dma_start3A_122] : memref<10000x128xf32, #tpu.memory_space<vmem_shared>> -> memref<10000x128xf32, #tpu.memory_space<vmem_shared>>
      tpu.enqueue_indirect_dma source(%arg14 : memref<80x128xf32, #tpu.memory_space<vmem>>) target(%dma_start3A_123 : memref<10000x128xf32, #tpu.memory_space<vmem_shared>>) offsets(%arg9 : memref<80xi32, #tpu.memory_space<vmem>>) semaphore(%arg20 : memref<!tpu.dma_semaphore, #tpu.memory_space<semaphore_mem>>) {add = true}
      %add3A_124 = arith.constant 1 : i32
      %add3A_125 = arith.addi %mul3A_104, %add3A_124 : i32
      %dma_wait3A_126 = arith.constant 0 : i32
      %dma_wait3A_127 = arith.constant 0 : i32
      %dma_wait3A_128 = tpu.memref_slice %arg7[%dma_wait3A_126, %dma_wait3A_127] : memref<10000x128xf32, #tpu.memory_space<vmem_shared>> -> memref<10000x128xf32, #tpu.memory_space<vmem_shared>>
      tpu.wait_indirect_dma semaphore(%arg20 : memref<!tpu.dma_semaphore, #tpu.memory_space<semaphore_mem>>) src(%arg14 : memref<80x128xf32, #tpu.memory_space<vmem>>) dst(%dma_wait3A_128 : memref<10000x128xf32, #tpu.memory_space<vmem_shared>>)
      %add3A_129 = arith.constant 2 : i32
      %add3A_130 = arith.addi %add3A_125, %add3A_129 : i32
      %mul3A_131 = arith.constant 80 : i32
      %mul3A_132 = arith.muli %add3A_130, %mul3A_131 : i32
      %add3A_133 = arith.addi %mul3A_14, %mul3A_132 : i32
      "tpu.region"() ({
        %run_scoped3A = tpu.sem_alloc : memref<!tpu.dma_semaphore, #tpu.memory_space<semaphore_mem>>
        %dma_start3A_163 = tpu.memref_slice %arg3[%add3A_133] : memref<320000xi32, #tpu.memory_space<hbm>> -> memref<80xi32, #tpu.memory_space<hbm>>
        %dma_start3A_164 = tpu.memref_slice %arg3[%add3A_133] : memref<320000xi32, #tpu.memory_space<hbm>> -> memref<80xi32, #tpu.memory_space<hbm>>
        tpu.enqueue_dma source(%dma_start3A_164 : memref<80xi32, #tpu.memory_space<hbm>>) target(%arg8 : memref<80xi32, #tpu.memory_space<vmem>>) target_semaphore(%run_scoped3A : memref<!tpu.dma_semaphore, #tpu.memory_space<semaphore_mem>>)
        %dma_wait3A_165 = tpu.memref_slice %arg3[%add3A_133] : memref<320000xi32, #tpu.memory_space<hbm>> -> memref<80xi32, #tpu.memory_space<hbm>>
        %dma_wait3A_166 = tpu.memref_slice %arg3[%add3A_133] : memref<320000xi32, #tpu.memory_space<hbm>> -> memref<80xi32, #tpu.memory_space<hbm>>
        tpu.wait_dma2 semaphore(%run_scoped3A : memref<!tpu.dma_semaphore, #tpu.memory_space<semaphore_mem>>) src(%dma_wait3A_166 : memref<80xi32, #tpu.memory_space<hbm>>) dst(%arg8 : memref<80xi32, #tpu.memory_space<vmem>>)
        tpu.yield
      }) : () -> ()
      "tpu.region"() ({
        %run_scoped3A = tpu.sem_alloc : memref<!tpu.dma_semaphore, #tpu.memory_space<semaphore_mem>>
        %dma_start3A_163 = tpu.memref_slice %arg4[%add3A_133] : memref<320000xi32, #tpu.memory_space<hbm>> -> memref<80xi32, #tpu.memory_space<hbm>>
        %dma_start3A_164 = tpu.memref_slice %arg4[%add3A_133] : memref<320000xi32, #tpu.memory_space<hbm>> -> memref<80xi32, #tpu.memory_space<hbm>>
        tpu.enqueue_dma source(%dma_start3A_164 : memref<80xi32, #tpu.memory_space<hbm>>) target(%arg9 : memref<80xi32, #tpu.memory_space<vmem>>) target_semaphore(%run_scoped3A : memref<!tpu.dma_semaphore, #tpu.memory_space<semaphore_mem>>)
        %dma_wait3A_165 = tpu.memref_slice %arg4[%add3A_133] : memref<320000xi32, #tpu.memory_space<hbm>> -> memref<80xi32, #tpu.memory_space<hbm>>
        %dma_wait3A_166 = tpu.memref_slice %arg4[%add3A_133] : memref<320000xi32, #tpu.memory_space<hbm>> -> memref<80xi32, #tpu.memory_space<hbm>>
        tpu.wait_dma2 semaphore(%run_scoped3A : memref<!tpu.dma_semaphore, #tpu.memory_space<semaphore_mem>>) src(%dma_wait3A_166 : memref<80xi32, #tpu.memory_space<hbm>>) dst(%arg9 : memref<80xi32, #tpu.memory_space<vmem>>)
        tpu.yield
      }) : () -> ()
      %dma_start3A_134 = arith.constant 0 : i32
      %dma_start3A_135 = arith.constant 0 : i32
      %dma_start3A_136 = tpu.memref_slice %arg2[%dma_start3A_134, %dma_start3A_135] : memref<10000x128xf32, #tpu.memory_space<hbm>> -> memref<10000x128xf32, #tpu.memory_space<hbm>>
      tpu.enqueue_indirect_dma source(%dma_start3A_136 : memref<10000x128xf32, #tpu.memory_space<hbm>>) target(%arg14 : memref<80x128xf32, #tpu.memory_space<vmem>>) offsets(%arg8 : memref<80xi32, #tpu.memory_space<vmem>>) semaphore(%arg17 : memref<!tpu.dma_semaphore, #tpu.memory_space<semaphore_mem>>)
      %dma_wait3A_137 = arith.constant 0 : i32
      %dma_wait3A_138 = arith.constant 0 : i32
      %dma_wait3A_139 = tpu.memref_slice %arg2[%dma_wait3A_137, %dma_wait3A_138] : memref<10000x128xf32, #tpu.memory_space<hbm>> -> memref<10000x128xf32, #tpu.memory_space<hbm>>
      tpu.wait_indirect_dma semaphore(%arg18 : memref<!tpu.dma_semaphore, #tpu.memory_space<semaphore_mem>>) src(%dma_wait3A_139 : memref<10000x128xf32, #tpu.memory_space<hbm>>) dst(%arg15 : memref<80x128xf32, #tpu.memory_space<vmem>>)
      %dma_start3A_140 = arith.constant 0 : i32
      %dma_start3A_141 = arith.constant 0 : i32
      %dma_start3A_142 = tpu.memref_slice %arg7[%dma_start3A_140, %dma_start3A_141] : memref<10000x128xf32, #tpu.memory_space<vmem_shared>> -> memref<10000x128xf32, #tpu.memory_space<vmem_shared>>
      tpu.enqueue_indirect_dma source(%arg15 : memref<80x128xf32, #tpu.memory_space<vmem>>) target(%dma_start3A_142 : memref<10000x128xf32, #tpu.memory_space<vmem_shared>>) offsets(%arg11 : memref<80xi32, #tpu.memory_space<vmem>>) semaphore(%arg21 : memref<!tpu.dma_semaphore, #tpu.memory_space<semaphore_mem>>) {add = true}
      %add3A_143 = arith.constant 2 : i32
      %add3A_144 = arith.addi %mul3A_104, %add3A_143 : i32
      %dma_wait3A_145 = arith.constant 0 : i32
      %dma_wait3A_146 = arith.constant 0 : i32
      %dma_wait3A_147 = tpu.memref_slice %arg7[%dma_wait3A_145, %dma_wait3A_146] : memref<10000x128xf32, #tpu.memory_space<vmem_shared>> -> memref<10000x128xf32, #tpu.memory_space<vmem_shared>>
      tpu.wait_indirect_dma semaphore(%arg21 : memref<!tpu.dma_semaphore, #tpu.memory_space<semaphore_mem>>) src(%arg15 : memref<80x128xf32, #tpu.memory_space<vmem>>) dst(%dma_wait3A_147 : memref<10000x128xf32, #tpu.memory_space<vmem_shared>>)
      %add3A_148 = arith.constant 2 : i32
      %add3A_149 = arith.addi %add3A_144, %add3A_148 : i32
      %mul3A_150 = arith.constant 80 : i32
      %mul3A_151 = arith.muli %add3A_149, %mul3A_150 : i32
      %add3A_152 = arith.addi %mul3A_14, %mul3A_151 : i32
      "tpu.region"() ({
        %run_scoped3A = tpu.sem_alloc : memref<!tpu.dma_semaphore, #tpu.memory_space<semaphore_mem>>
        %dma_start3A_163 = tpu.memref_slice %arg3[%add3A_152] : memref<320000xi32, #tpu.memory_space<hbm>> -> memref<80xi32, #tpu.memory_space<hbm>>
        %dma_start3A_164 = tpu.memref_slice %arg3[%add3A_152] : memref<320000xi32, #tpu.memory_space<hbm>> -> memref<80xi32, #tpu.memory_space<hbm>>
        tpu.enqueue_dma source(%dma_start3A_164 : memref<80xi32, #tpu.memory_space<hbm>>) target(%arg10 : memref<80xi32, #tpu.memory_space<vmem>>) target_semaphore(%run_scoped3A : memref<!tpu.dma_semaphore, #tpu.memory_space<semaphore_mem>>)
        %dma_wait3A_165 = tpu.memref_slice %arg3[%add3A_152] : memref<320000xi32, #tpu.memory_space<hbm>> -> memref<80xi32, #tpu.memory_space<hbm>>
        %dma_wait3A_166 = tpu.memref_slice %arg3[%add3A_152] : memref<320000xi32, #tpu.memory_space<hbm>> -> memref<80xi32, #tpu.memory_space<hbm>>
        tpu.wait_dma2 semaphore(%run_scoped3A : memref<!tpu.dma_semaphore, #tpu.memory_space<semaphore_mem>>) src(%dma_wait3A_166 : memref<80xi32, #tpu.memory_space<hbm>>) dst(%arg10 : memref<80xi32, #tpu.memory_space<vmem>>)
        tpu.yield
      }) : () -> ()
      "tpu.region"() ({
        %run_scoped3A = tpu.sem_alloc : memref<!tpu.dma_semaphore, #tpu.memory_space<semaphore_mem>>
        %dma_start3A_163 = tpu.memref_slice %arg4[%add3A_152] : memref<320000xi32, #tpu.memory_space<hbm>> -> memref<80xi32, #tpu.memory_space<hbm>>
        %dma_start3A_164 = tpu.memref_slice %arg4[%add3A_152] : memref<320000xi32, #tpu.memory_space<hbm>> -> memref<80xi32, #tpu.memory_space<hbm>>
        tpu.enqueue_dma source(%dma_start3A_164 : memref<80xi32, #tpu.memory_space<hbm>>) target(%arg11 : memref<80xi32, #tpu.memory_space<vmem>>) target_semaphore(%run_scoped3A : memref<!tpu.dma_semaphore, #tpu.memory_space<semaphore_mem>>)
        %dma_wait3A_165 = tpu.memref_slice %arg4[%add3A_152] : memref<320000xi32, #tpu.memory_space<hbm>> -> memref<80xi32, #tpu.memory_space<hbm>>
        %dma_wait3A_166 = tpu.memref_slice %arg4[%add3A_152] : memref<320000xi32, #tpu.memory_space<hbm>> -> memref<80xi32, #tpu.memory_space<hbm>>
        tpu.wait_dma2 semaphore(%run_scoped3A : memref<!tpu.dma_semaphore, #tpu.memory_space<semaphore_mem>>) src(%dma_wait3A_166 : memref<80xi32, #tpu.memory_space<hbm>>) dst(%arg11 : memref<80xi32, #tpu.memory_space<vmem>>)
        tpu.yield
      }) : () -> ()
      %dma_start3A_153 = arith.constant 0 : i32
      %dma_start3A_154 = arith.constant 0 : i32
      %dma_start3A_155 = tpu.memref_slice %arg2[%dma_start3A_153, %dma_start3A_154] : memref<10000x128xf32, #tpu.memory_space<hbm>> -> memref<10000x128xf32, #tpu.memory_space<hbm>>
      tpu.enqueue_indirect_dma source(%dma_start3A_155 : memref<10000x128xf32, #tpu.memory_space<hbm>>) target(%arg15 : memref<80x128xf32, #tpu.memory_space<vmem>>) offsets(%arg10 : memref<80xi32, #tpu.memory_space<vmem>>) semaphore(%arg18 : memref<!tpu.dma_semaphore, #tpu.memory_space<semaphore_mem>>)
      %dma_wait3A_156 = arith.constant 0 : i32
      %dma_wait3A_157 = arith.constant 0 : i32
      %dma_wait3A_158 = tpu.memref_slice %arg2[%dma_wait3A_156, %dma_wait3A_157] : memref<10000x128xf32, #tpu.memory_space<hbm>> -> memref<10000x128xf32, #tpu.memory_space<hbm>>
      tpu.wait_indirect_dma semaphore(%arg19 : memref<!tpu.dma_semaphore, #tpu.memory_space<semaphore_mem>>) src(%dma_wait3A_158 : memref<10000x128xf32, #tpu.memory_space<hbm>>) dst(%arg16 : memref<80x128xf32, #tpu.memory_space<vmem>>)
      %dma_start3A_159 = arith.constant 0 : i32
      %dma_start3A_160 = arith.constant 0 : i32
      %dma_start3A_161 = tpu.memref_slice %arg7[%dma_start3A_159, %dma_start3A_160] : memref<10000x128xf32, #tpu.memory_space<vmem_shared>> -> memref<10000x128xf32, #tpu.memory_space<vmem_shared>>
      tpu.enqueue_indirect_dma source(%arg16 : memref<80x128xf32, #tpu.memory_space<vmem>>) target(%dma_start3A_161 : memref<10000x128xf32, #tpu.memory_space<vmem_shared>>) offsets(%arg13 : memref<80xi32, #tpu.memory_space<vmem>>) semaphore(%arg22 : memref<!tpu.dma_semaphore, #tpu.memory_space<semaphore_mem>>) {add = true}
      %scan3A_162 = arith.constant 0 : i32
      scf.yield %scan3A_162 : i32
    }
    %scan3A_68 = arith.constant 40 : i32
    %dma_wait3A_69 = arith.constant 0 : i32
    %dma_wait3A_70 = arith.constant 0 : i32
    %dma_wait3A_71 = tpu.memref_slice %arg7[%dma_wait3A_69, %dma_wait3A_70] : memref<10000x128xf32, #tpu.memory_space<vmem_shared>> -> memref<10000x128xf32, #tpu.memory_space<vmem_shared>>
    tpu.wait_indirect_dma semaphore(%arg22 : memref<!tpu.dma_semaphore, #tpu.memory_space<semaphore_mem>>) src(%arg16 : memref<80x128xf32, #tpu.memory_space<vmem>>) dst(%dma_wait3A_71 : memref<10000x128xf32, #tpu.memory_space<vmem_shared>>)
    %dma_wait3A_72 = arith.constant 0 : i32
    %dma_wait3A_73 = arith.constant 0 : i32
    %dma_wait3A_74 = tpu.memref_slice %arg2[%dma_wait3A_72, %dma_wait3A_73] : memref<10000x128xf32, #tpu.memory_space<hbm>> -> memref<10000x128xf32, #tpu.memory_space<hbm>>
    tpu.wait_indirect_dma semaphore(%arg17 : memref<!tpu.dma_semaphore, #tpu.memory_space<semaphore_mem>>) src(%dma_wait3A_74 : memref<10000x128xf32, #tpu.memory_space<hbm>>) dst(%arg14 : memref<80x128xf32, #tpu.memory_space<vmem>>)
    %dma_start3A_75 = arith.constant 0 : i32
    %dma_start3A_76 = arith.constant 0 : i32
    %dma_start3A_77 = tpu.memref_slice %arg7[%dma_start3A_75, %dma_start3A_76] : memref<10000x128xf32, #tpu.memory_space<vmem_shared>> -> memref<10000x128xf32, #tpu.memory_space<vmem_shared>>
    tpu.enqueue_indirect_dma source(%arg14 : memref<80x128xf32, #tpu.memory_space<vmem>>) target(%dma_start3A_77 : memref<10000x128xf32, #tpu.memory_space<vmem_shared>>) offsets(%arg9 : memref<80xi32, #tpu.memory_space<vmem>>) semaphore(%arg20 : memref<!tpu.dma_semaphore, #tpu.memory_space<semaphore_mem>>) {add = true}
    %dma_wait3A_78 = arith.constant 0 : i32
    %dma_wait3A_79 = arith.constant 0 : i32
    %dma_wait3A_80 = tpu.memref_slice %arg7[%dma_wait3A_78, %dma_wait3A_79] : memref<10000x128xf32, #tpu.memory_space<vmem_shared>> -> memref<10000x128xf32, #tpu.memory_space<vmem_shared>>
    tpu.wait_indirect_dma semaphore(%arg20 : memref<!tpu.dma_semaphore, #tpu.memory_space<semaphore_mem>>) src(%arg14 : memref<80x128xf32, #tpu.memory_space<vmem>>) dst(%dma_wait3A_80 : memref<10000x128xf32, #tpu.memory_space<vmem_shared>>)
    %dma_wait3A_81 = arith.constant 0 : i32
    %dma_wait3A_82 = arith.constant 0 : i32
    %dma_wait3A_83 = tpu.memref_slice %arg2[%dma_wait3A_81, %dma_wait3A_82] : memref<10000x128xf32, #tpu.memory_space<hbm>> -> memref<10000x128xf32, #tpu.memory_space<hbm>>
    tpu.wait_indirect_dma semaphore(%arg18 : memref<!tpu.dma_semaphore, #tpu.memory_space<semaphore_mem>>) src(%dma_wait3A_83 : memref<10000x128xf32, #tpu.memory_space<hbm>>) dst(%arg15 : memref<80x128xf32, #tpu.memory_space<vmem>>)
    %dma_start3A_84 = arith.constant 0 : i32
    %dma_start3A_85 = arith.constant 0 : i32
    %dma_start3A_86 = tpu.memref_slice %arg7[%dma_start3A_84, %dma_start3A_85] : memref<10000x128xf32, #tpu.memory_space<vmem_shared>> -> memref<10000x128xf32, #tpu.memory_space<vmem_shared>>
    tpu.enqueue_indirect_dma source(%arg15 : memref<80x128xf32, #tpu.memory_space<vmem>>) target(%dma_start3A_86 : memref<10000x128xf32, #tpu.memory_space<vmem_shared>>) offsets(%arg11 : memref<80xi32, #tpu.memory_space<vmem>>) semaphore(%arg21 : memref<!tpu.dma_semaphore, #tpu.memory_space<semaphore_mem>>) {add = true}
    %dma_wait3A_87 = arith.constant 0 : i32
    %dma_wait3A_88 = arith.constant 0 : i32
    %dma_wait3A_89 = tpu.memref_slice %arg7[%dma_wait3A_87, %dma_wait3A_88] : memref<10000x128xf32, #tpu.memory_space<vmem_shared>> -> memref<10000x128xf32, #tpu.memory_space<vmem_shared>>
    tpu.wait_indirect_dma semaphore(%arg21 : memref<!tpu.dma_semaphore, #tpu.memory_space<semaphore_mem>>) src(%arg15 : memref<80x128xf32, #tpu.memory_space<vmem>>) dst(%dma_wait3A_89 : memref<10000x128xf32, #tpu.memory_space<vmem_shared>>)
    %barrier3A_90 = arith.constant 0 : index
    tpu.barrier barrier_id(%barrier3A_90)
    %eq3A_91 = arith.constant 0 : i32
    %eq3A_92 = arith.cmpi eq, %arg0, %eq3A_91 : i32
    %convert_element_type3A_93 = arith.extui %eq3A_92 : i1 to i32
    %cond3A_94 = arith.constant 0 : i32
    %cond3A_95 = arith.cmpi ne, %convert_element_type3A_93, %cond3A_94 : i32
    scf.if %cond3A_95 {
      %lt3A_101 = arith.constant 15 : i32
      %lt3A_102 = arith.cmpi slt, %arg1, %lt3A_101 : i32
      %convert_element_type3A_103 = arith.extui %lt3A_102 : i1 to i32
      %cond3A_104 = arith.constant 0 : i32
      %cond3A_105 = arith.cmpi ne, %convert_element_type3A_103, %cond3A_104 : i32
      scf.if %cond3A_105 {
        %mul3A_111 = arith.constant 624 : i32
        %mul3A_112 = arith.muli %arg1, %mul3A_111 : i32
        %mul3A_113 = arith.constant 624 : i32
        %mul3A_114 = arith.muli %arg1, %mul3A_113 : i32
        "tpu.region"() ({
          %run_scoped3A = tpu.sem_alloc : memref<!tpu.dma_semaphore, #tpu.memory_space<semaphore_mem>>
          %dma_start3A_115 = arith.constant 0 : i32
          %dma_start3A_116 = tpu.memref_slice %arg5[%mul3A_114, %dma_start3A_115] : memref<10000x128xf32, #tpu.memory_space<hbm>> -> memref<624x128xf32, #tpu.memory_space<hbm>>
          %dma_start3A_117 = arith.constant 0 : i32
          %dma_start3A_118 = tpu.memref_slice %arg7[%mul3A_112, %dma_start3A_117] : memref<10000x128xf32, #tpu.memory_space<vmem_shared>> -> memref<624x128xf32, #tpu.memory_space<vmem_shared>>
          tpu.enqueue_dma source(%dma_start3A_118 : memref<624x128xf32, #tpu.memory_space<vmem_shared>>) target(%dma_start3A_116 : memref<624x128xf32, #tpu.memory_space<hbm>>) target_semaphore(%run_scoped3A : memref<!tpu.dma_semaphore, #tpu.memory_space<semaphore_mem>>)
          %dma_wait3A_119 = arith.constant 0 : i32
          %dma_wait3A_120 = tpu.memref_slice %arg5[%mul3A_114, %dma_wait3A_119] : memref<10000x128xf32, #tpu.memory_space<hbm>> -> memref<624x128xf32, #tpu.memory_space<hbm>>
          %dma_wait3A_121 = arith.constant 0 : i32
          %dma_wait3A_122 = tpu.memref_slice %arg7[%mul3A_112, %dma_wait3A_121] : memref<10000x128xf32, #tpu.memory_space<vmem_shared>> -> memref<624x128xf32, #tpu.memory_space<vmem_shared>>
          tpu.wait_dma2 semaphore(%run_scoped3A : memref<!tpu.dma_semaphore, #tpu.memory_space<semaphore_mem>>) src(%dma_wait3A_122 : memref<624x128xf32, #tpu.memory_space<vmem_shared>>) dst(%dma_wait3A_120 : memref<624x128xf32, #tpu.memory_space<hbm>>)
          tpu.yield
        }) : () -> ()
      } else {
      }
      %eq3A_106 = arith.constant 15 : i32
      %eq3A_107 = arith.cmpi eq, %arg1, %eq3A_106 : i32
      %convert_element_type3A_108 = arith.extui %eq3A_107 : i1 to i32
      %cond3A_109 = arith.constant 0 : i32
      %cond3A_110 = arith.cmpi ne, %convert_element_type3A_108, %cond3A_109 : i32
      scf.if %cond3A_110 {
        "tpu.region"() ({
          %run_scoped3A = tpu.sem_alloc : memref<!tpu.dma_semaphore, #tpu.memory_space<semaphore_mem>>
          %dma_start3A_111 = arith.constant 9360 : i32
          %dma_start3A_112 = arith.constant 0 : i32
          %dma_start3A_113 = tpu.memref_slice %arg5[%dma_start3A_111, %dma_start3A_112] : memref<10000x128xf32, #tpu.memory_space<hbm>> -> memref<640x128xf32, #tpu.memory_space<hbm>>
          %dma_start3A_114 = arith.constant 9360 : i32
          %dma_start3A_115 = arith.constant 0 : i32
          %dma_start3A_116 = tpu.memref_slice %arg7[%dma_start3A_114, %dma_start3A_115] : memref<10000x128xf32, #tpu.memory_space<vmem_shared>> -> memref<640x128xf32, #tpu.memory_space<vmem_shared>>
          tpu.enqueue_dma source(%dma_start3A_116 : memref<640x128xf32, #tpu.memory_space<vmem_shared>>) target(%dma_start3A_113 : memref<640x128xf32, #tpu.memory_space<hbm>>) target_semaphore(%run_scoped3A : memref<!tpu.dma_semaphore, #tpu.memory_space<semaphore_mem>>)
          %dma_wait3A_117 = arith.constant 9360 : i32
          %dma_wait3A_118 = arith.constant 0 : i32
          %dma_wait3A_119 = tpu.memref_slice %arg5[%dma_wait3A_117, %dma_wait3A_118] : memref<10000x128xf32, #tpu.memory_space<hbm>> -> memref<640x128xf32, #tpu.memory_space<hbm>>
          %dma_wait3A_120 = arith.constant 9360 : i32
          %dma_wait3A_121 = arith.constant 0 : i32
          %dma_wait3A_122 = tpu.memref_slice %arg7[%dma_wait3A_120, %dma_wait3A_121] : memref<10000x128xf32, #tpu.memory_space<vmem_shared>> -> memref<640x128xf32, #tpu.memory_space<vmem_shared>>
          tpu.wait_dma2 semaphore(%run_scoped3A : memref<!tpu.dma_semaphore, #tpu.memory_space<semaphore_mem>>) src(%dma_wait3A_122 : memref<640x128xf32, #tpu.memory_space<vmem_shared>>) dst(%dma_wait3A_119 : memref<640x128xf32, #tpu.memory_space<hbm>>)
          tpu.yield
        }) : () -> ()
      } else {
      }
    } else {
    }
    %eq3A_96 = arith.constant 1 : i32
    %eq3A_97 = arith.cmpi eq, %arg0, %eq3A_96 : i32
    %convert_element_type3A_98 = arith.extui %eq3A_97 : i1 to i32
    %cond3A_99 = arith.constant 0 : i32
    %cond3A_100 = arith.cmpi ne, %convert_element_type3A_98, %cond3A_99 : i32
    scf.if %cond3A_100 {
      %lt3A_101 = arith.constant 15 : i32
      %lt3A_102 = arith.cmpi slt, %arg1, %lt3A_101 : i32
      %convert_element_type3A_103 = arith.extui %lt3A_102 : i1 to i32
      %cond3A_104 = arith.constant 0 : i32
      %cond3A_105 = arith.cmpi ne, %convert_element_type3A_103, %cond3A_104 : i32
      scf.if %cond3A_105 {
        %mul3A_111 = arith.constant 624 : i32
        %mul3A_112 = arith.muli %arg1, %mul3A_111 : i32
        %mul3A_113 = arith.constant 624 : i32
        %mul3A_114 = arith.muli %arg1, %mul3A_113 : i32
        "tpu.region"() ({
          %run_scoped3A = tpu.sem_alloc : memref<!tpu.dma_semaphore, #tpu.memory_space<semaphore_mem>>
          %dma_start3A_115 = arith.constant 0 : i32
          %dma_start3A_116 = tpu.memref_slice %arg6[%mul3A_114, %dma_start3A_115] : memref<10000x128xf32, #tpu.memory_space<hbm>> -> memref<624x128xf32, #tpu.memory_space<hbm>>
          %dma_start3A_117 = arith.constant 0 : i32
          %dma_start3A_118 = tpu.memref_slice %arg7[%mul3A_112, %dma_start3A_117] : memref<10000x128xf32, #tpu.memory_space<vmem_shared>> -> memref<624x128xf32, #tpu.memory_space<vmem_shared>>
          tpu.enqueue_dma source(%dma_start3A_118 : memref<624x128xf32, #tpu.memory_space<vmem_shared>>) target(%dma_start3A_116 : memref<624x128xf32, #tpu.memory_space<hbm>>) target_semaphore(%run_scoped3A : memref<!tpu.dma_semaphore, #tpu.memory_space<semaphore_mem>>)
          %dma_wait3A_119 = arith.constant 0 : i32
          %dma_wait3A_120 = tpu.memref_slice %arg6[%mul3A_114, %dma_wait3A_119] : memref<10000x128xf32, #tpu.memory_space<hbm>> -> memref<624x128xf32, #tpu.memory_space<hbm>>
          %dma_wait3A_121 = arith.constant 0 : i32
          %dma_wait3A_122 = tpu.memref_slice %arg7[%mul3A_112, %dma_wait3A_121] : memref<10000x128xf32, #tpu.memory_space<vmem_shared>> -> memref<624x128xf32, #tpu.memory_space<vmem_shared>>
          tpu.wait_dma2 semaphore(%run_scoped3A : memref<!tpu.dma_semaphore, #tpu.memory_space<semaphore_mem>>) src(%dma_wait3A_122 : memref<624x128xf32, #tpu.memory_space<vmem_shared>>) dst(%dma_wait3A_120 : memref<624x128xf32, #tpu.memory_space<hbm>>)
          tpu.yield
        }) : () -> ()
      } else {
      }
      %eq3A_106 = arith.constant 15 : i32
      %eq3A_107 = arith.cmpi eq, %arg1, %eq3A_106 : i32
      %convert_element_type3A_108 = arith.extui %eq3A_107 : i1 to i32
      %cond3A_109 = arith.constant 0 : i32
      %cond3A_110 = arith.cmpi ne, %convert_element_type3A_108, %cond3A_109 : i32
      scf.if %cond3A_110 {
        "tpu.region"() ({
          %run_scoped3A = tpu.sem_alloc : memref<!tpu.dma_semaphore, #tpu.memory_space<semaphore_mem>>
          %dma_start3A_111 = arith.constant 9360 : i32
          %dma_start3A_112 = arith.constant 0 : i32
          %dma_start3A_113 = tpu.memref_slice %arg6[%dma_start3A_111, %dma_start3A_112] : memref<10000x128xf32, #tpu.memory_space<hbm>> -> memref<640x128xf32, #tpu.memory_space<hbm>>
          %dma_start3A_114 = arith.constant 9360 : i32
          %dma_start3A_115 = arith.constant 0 : i32
          %dma_start3A_116 = tpu.memref_slice %arg7[%dma_start3A_114, %dma_start3A_115] : memref<10000x128xf32, #tpu.memory_space<vmem_shared>> -> memref<640x128xf32, #tpu.memory_space<vmem_shared>>
          tpu.enqueue_dma source(%dma_start3A_116 : memref<640x128xf32, #tpu.memory_space<vmem_shared>>) target(%dma_start3A_113 : memref<640x128xf32, #tpu.memory_space<hbm>>) target_semaphore(%run_scoped3A : memref<!tpu.dma_semaphore, #tpu.memory_space<semaphore_mem>>)
          %dma_wait3A_117 = arith.constant 9360 : i32
          %dma_wait3A_118 = arith.constant 0 : i32
          %dma_wait3A_119 = tpu.memref_slice %arg6[%dma_wait3A_117, %dma_wait3A_118] : memref<10000x128xf32, #tpu.memory_space<hbm>> -> memref<640x128xf32, #tpu.memory_space<hbm>>
          %dma_wait3A_120 = arith.constant 9360 : i32
          %dma_wait3A_121 = arith.constant 0 : i32
          %dma_wait3A_122 = tpu.memref_slice %arg7[%dma_wait3A_120, %dma_wait3A_121] : memref<10000x128xf32, #tpu.memory_space<vmem_shared>> -> memref<640x128xf32, #tpu.memory_space<vmem_shared>>
          tpu.wait_dma2 semaphore(%run_scoped3A : memref<!tpu.dma_semaphore, #tpu.memory_space<semaphore_mem>>) src(%dma_wait3A_122 : memref<640x128xf32, #tpu.memory_space<vmem_shared>>) dst(%dma_wait3A_119 : memref<640x128xf32, #tpu.memory_space<hbm>>)
          tpu.yield
        }) : () -> ()
      } else {
      }
    } else {
    }
    return
  }
}

#map = affine_map<(d0, d1) -> (0, 0)>
#map1 = affine_map<(d0, d1) -> (0)>
module attributes {stable_mosaic.version = 14 : i64} {
  func.func @k(%arg0: i32, %arg1: i32, %arg2: memref<10000x128xf32, #tpu.memory_space<hbm>>, %arg3: memref<320000xi32, #tpu.memory_space<hbm>>, %arg4: memref<320000xi32, #tpu.memory_space<hbm>>, %arg5: memref<10000x128xf32, #tpu.memory_space<hbm>>, %arg6: memref<10000x128xf32, #tpu.memory_space<hbm>>, %arg7: memref<10000x128xf32, #tpu.memory_space<vmem_shared>>, %arg8: memref<80xi32, #tpu.memory_space<vmem>>, %arg9: memref<80xi32, #tpu.memory_space<vmem>>, %arg10: memref<80xi32, #tpu.memory_space<vmem>>, %arg11: memref<80xi32, #tpu.memory_space<vmem>>, %arg12: memref<80xi32, #tpu.memory_space<vmem>>, %arg13: memref<80xi32, #tpu.memory_space<vmem>>, %arg14: memref<80x128xf32, #tpu.memory_space<vmem>>, %arg15: memref<80x128xf32, #tpu.memory_space<vmem>>, %arg16: memref<80x128xf32, #tpu.memory_space<vmem>>, %arg17: memref<!tpu.dma_semaphore, #tpu.memory_space<semaphore_mem>>, %arg18: memref<!tpu.dma_semaphore, #tpu.memory_space<semaphore_mem>>, %arg19: memref<!tpu.dma_semaphore, #tpu.memory_space<semaphore_mem>>, %arg20: memref<!tpu.dma_semaphore, #tpu.memory_space<semaphore_mem>>, %arg21: memref<!tpu.dma_semaphore, #tpu.memory_space<semaphore_mem>>, %arg22: memref<!tpu.dma_semaphore, #tpu.memory_space<semaphore_mem>>) attributes {dimension_semantics = [#tpu.dimension_semantics<core_parallel>, #tpu.dimension_semantics<subcore_parallel>], iteration_bounds = array<i64: 2, 16>, scalar_prefetch = 0 : i64, scratch_operands = 16 : i64, tpu.core_type = #tpu.core_type<sc_vector_subcore>, window_params = [{transform_indices = #map}, {transform_indices = #map1}, {transform_indices = #map1}, {transform_indices = #map}, {transform_indices = #map}]} {
    %mul3A = arith.constant 16 : i32
    %mul3A_0 = arith.muli %arg0, %mul3A : i32
    %add3A = arith.addi %mul3A_0, %arg1 : i32
    %scan3A = arith.constant 0 : i32
    %scan3A_1 = arith.constant 0 : i32
    %scan3A_2 = arith.constant 640 : i32
    %scan3A_3 = arith.addi %scan3A_1, %scan3A_2 : i32
    %scan3A_4 = arith.constant 1 : i32
    %scan3A_5 = scf.for %scan3A_101 = %scan3A_1 to %scan3A_3 step %scan3A_4 iter_args(%scan3A_102 = %scan3A) -> (i32)  : i32 {
      %jit3A = arith.constant 8 : i32
      %div3A = arith.divsi %scan3A_101, %jit3A : i32
      %sign3A = arith.constant 0 : i32
      %sign3A_103 = arith.cmpi sgt, %scan3A_101, %sign3A : i32
      %sign3A_104 = arith.extui %sign3A_103 : i1 to i32
      %sign3A_105 = arith.constant 0 : i32
      %sign3A_106 = arith.cmpi slt, %scan3A_101, %sign3A_105 : i32
      %sign3A_107 = arith.extui %sign3A_106 : i1 to i32
      %sign3A_108 = arith.subi %sign3A_104, %sign3A_107 : i32
      %sign3A_109 = arith.constant 0 : i32
      %sign3A_110 = arith.cmpi sgt, %jit3A, %sign3A_109 : i32
      %sign3A_111 = arith.extui %sign3A_110 : i1 to i32
      %sign3A_112 = arith.constant 0 : i32
      %sign3A_113 = arith.cmpi slt, %jit3A, %sign3A_112 : i32
      %sign3A_114 = arith.extui %sign3A_113 : i1 to i32
      %sign3A_115 = arith.subi %sign3A_111, %sign3A_114 : i32
      %ne3A = arith.cmpi ne, %sign3A_108, %sign3A_115 : i32
      %rem3A = arith.remsi %scan3A_101, %jit3A : i32
      %ne3A_116 = arith.constant 0 : i32
      %ne3A_117 = arith.cmpi ne, %rem3A, %ne3A_116 : i32
      %and3A = arith.andi %ne3A, %ne3A_117 : i1
      %sub3A = arith.constant 1 : i32
      %sub3A_118 = arith.subi %div3A, %sub3A : i32
      %select_n3A = arith.select %and3A, %sub3A_118, %div3A : i32
      %jit3A_119 = arith.constant 8 : i32
      %eq3A_120 = arith.constant 0 : i32
      %eq3A_121 = arith.cmpi eq, %jit3A_119, %eq3A_120 : i32
      %jit3A_122 = arith.constant 1 : i32
      %select_n3A_123 = arith.select %eq3A_121, %jit3A_122, %jit3A_119 : i32
      %rem3A_124 = arith.remsi %scan3A_101, %select_n3A_123 : i32
      %ne3A_125 = arith.constant 0 : i32
      %ne3A_126 = arith.cmpi ne, %rem3A_124, %ne3A_125 : i32
      %lt3A_127 = arith.constant 0 : i32
      %lt3A_128 = arith.cmpi slt, %rem3A_124, %lt3A_127 : i32
      %lt3A_129 = arith.constant 0 : i32
      %lt3A_130 = arith.cmpi slt, %select_n3A_123, %lt3A_129 : i32
      %ne3A_131 = arith.xori %lt3A_128, %lt3A_130 : i1
      %and3A_132 = arith.andi %ne3A_131, %ne3A_126 : i1
      %add3A_133 = arith.addi %rem3A_124, %select_n3A_123 : i32
      %select_n3A_134 = arith.select %and3A_132, %add3A_133, %rem3A_124 : i32
      %mul3A_135 = arith.constant 16 : i32
      %mul3A_136 = arith.muli %select_n3A_134, %mul3A_135 : i32
      %broadcast_in_dim3A = arith.constant 0.000000e+00 : f32
      %broadcast_in_dim3A_137 = vector.broadcast %broadcast_in_dim3A : f32 to vector<16xf32>
      %swap3A = arith.index_cast %select_n3A : i32 to index
      %swap3A_138 = arith.index_cast %mul3A_136 : i32 to index
      %swap3A_139 = tpu.vector_load %arg14[%swap3A, %swap3A_138] {strides = array<i32>} : memref<80x128xf32, #tpu.memory_space<vmem>>, vector<1x16xf32>,
      %swap3A_140 = vector.shape_cast %swap3A_139 : vector<1x16xf32> to vector<16xf32>
      %swap3A_141 = vector.shape_cast %broadcast_in_dim3A_137 : vector<16xf32> to vector<1x16xf32>
      tpu.vector_store %arg14[%swap3A, %swap3A_138], %swap3A_141 {strides = array<i32>} : memref<80x128xf32, #tpu.memory_space<vmem>>, vector<1x16xf32>,
      %scan3A_142 = arith.constant 0 : i32
      scf.yield %scan3A_142 : i32
    }
    %scan3A_6 = arith.constant 640 : i32
    %lt3A = arith.constant 15 : i32
    %lt3A_7 = arith.cmpi slt, %arg1, %lt3A : i32
    %convert_element_type3A = arith.extui %lt3A_7 : i1 to i32
    %cond3A = arith.constant 0 : i32
    %cond3A_8 = arith.cmpi ne, %convert_element_type3A, %cond3A : i32
    scf.if %cond3A_8 {
      %mul3A_101 = arith.constant 624 : i32
      %mul3A_102 = arith.muli %arg1, %mul3A_101 : i32
      %add3A_103 = arith.constant 0 : i32
      %add3A_104 = arith.addi %mul3A_102, %add3A_103 : i32
      "tpu.region"() ({
        %run_scoped3A = tpu.sem_alloc : memref<!tpu.dma_semaphore, #tpu.memory_space<semaphore_mem>>
        %dma_start3A_119 = arith.constant 0 : i32
        %dma_start3A_120 = arith.constant 0 : i32
        %dma_start3A_121 = tpu.memref_slice %arg14[%dma_start3A_119, %dma_start3A_120] : memref<80x128xf32, #tpu.memory_space<vmem>> -> memref<80x128xf32, #tpu.memory_space<vmem>>
        %dma_start3A_122 = arith.constant 0 : i32
        %dma_start3A_123 = tpu.memref_slice %arg7[%add3A_104, %dma_start3A_122] : memref<10000x128xf32, #tpu.memory_space<vmem_shared>> -> memref<80x128xf32, #tpu.memory_space<vmem_shared>>
        %dma_start3A_124 = arith.constant 0 : i32
        %dma_start3A_125 = tpu.memref_slice %arg7[%add3A_104, %dma_start3A_124] : memref<10000x128xf32, #tpu.memory_space<vmem_shared>> -> memref<80x128xf32, #tpu.memory_space<vmem_shared>>
        %dma_start3A_126 = arith.constant 0 : i32
        %dma_start3A_127 = arith.constant 0 : i32
        %dma_start3A_128 = tpu.memref_slice %arg14[%dma_start3A_126, %dma_start3A_127] : memref<80x128xf32, #tpu.memory_space<vmem>> -> memref<80x128xf32, #tpu.memory_space<vmem>>
        tpu.enqueue_dma source(%dma_start3A_128 : memref<80x128xf32, #tpu.memory_space<vmem>>) target(%dma_start3A_125 : memref<80x128xf32, #tpu.memory_space<vmem_shared>>) target_semaphore(%run_scoped3A : memref<!tpu.dma_semaphore, #tpu.memory_space<semaphore_mem>>)
        %dma_wait3A_129 = arith.constant 0 : i32
        %dma_wait3A_130 = arith.constant 0 : i32
        %dma_wait3A_131 = tpu.memref_slice %arg14[%dma_wait3A_129, %dma_wait3A_130] : memref<80x128xf32, #tpu.memory_space<vmem>> -> memref<80x128xf32, #tpu.memory_space<vmem>>
        %dma_wait3A_132 = arith.constant 0 : i32
        %dma_wait3A_133 = tpu.memref_slice %arg7[%add3A_104, %dma_wait3A_132] : memref<10000x128xf32, #tpu.memory_space<vmem_shared>> -> memref<80x128xf32, #tpu.memory_space<vmem_shared>>
        %dma_wait3A_134 = arith.constant 0 : i32
        %dma_wait3A_135 = tpu.memref_slice %arg7[%add3A_104, %dma_wait3A_134] : memref<10000x128xf32, #tpu.memory_space<vmem_shared>> -> memref<80x128xf32, #tpu.memory_space<vmem_shared>>
        %dma_wait3A_136 = arith.constant 0 : i32
        %dma_wait3A_137 = arith.constant 0 : i32
        %dma_wait3A_138 = tpu.memref_slice %arg14[%dma_wait3A_136, %dma_wait3A_137] : memref<80x128xf32, #tpu.memory_space<vmem>> -> memref<80x128xf32, #tpu.memory_space<vmem>>
        tpu.wait_dma2 semaphore(%run_scoped3A : memref<!tpu.dma_semaphore, #tpu.memory_space<semaphore_mem>>) src(%dma_wait3A_138 : memref<80x128xf32, #tpu.memory_space<vmem>>) dst(%dma_wait3A_135 : memref<80x128xf32, #tpu.memory_space<vmem_shared>>)
        tpu.yield
      }) : () -> ()
      %add3A_105 = arith.constant 80 : i32
      %add3A_106 = arith.addi %mul3A_102, %add3A_105 : i32
      "tpu.region"() ({
        %run_scoped3A = tpu.sem_alloc : memref<!tpu.dma_semaphore, #tpu.memory_space<semaphore_mem>>
        %dma_start3A_119 = arith.constant 0 : i32
        %dma_start3A_120 = arith.constant 0 : i32
        %dma_start3A_121 = tpu.memref_slice %arg14[%dma_start3A_119, %dma_start3A_120] : memref<80x128xf32, #tpu.memory_space<vmem>> -> memref<80x128xf32, #tpu.memory_space<vmem>>
        %dma_start3A_122 = arith.constant 0 : i32
        %dma_start3A_123 = tpu.memref_slice %arg7[%add3A_106, %dma_start3A_122] : memref<10000x128xf32, #tpu.memory_space<vmem_shared>> -> memref<80x128xf32, #tpu.memory_space<vmem_shared>>
        %dma_start3A_124 = arith.constant 0 : i32
        %dma_start3A_125 = tpu.memref_slice %arg7[%add3A_106, %dma_start3A_124] : memref<10000x128xf32, #tpu.memory_space<vmem_shared>> -> memref<80x128xf32, #tpu.memory_space<vmem_shared>>
        %dma_start3A_126 = arith.constant 0 : i32
        %dma_start3A_127 = arith.constant 0 : i32
        %dma_start3A_128 = tpu.memref_slice %arg14[%dma_start3A_126, %dma_start3A_127] : memref<80x128xf32, #tpu.memory_space<vmem>> -> memref<80x128xf32, #tpu.memory_space<vmem>>
        tpu.enqueue_dma source(%dma_start3A_128 : memref<80x128xf32, #tpu.memory_space<vmem>>) target(%dma_start3A_125 : memref<80x128xf32, #tpu.memory_space<vmem_shared>>) target_semaphore(%run_scoped3A : memref<!tpu.dma_semaphore, #tpu.memory_space<semaphore_mem>>)
        %dma_wait3A_129 = arith.constant 0 : i32
        %dma_wait3A_130 = arith.constant 0 : i32
        %dma_wait3A_131 = tpu.memref_slice %arg14[%dma_wait3A_129, %dma_wait3A_130] : memref<80x128xf32, #tpu.memory_space<vmem>> -> memref<80x128xf32, #tpu.memory_space<vmem>>
        %dma_wait3A_132 = arith.constant 0 : i32
        %dma_wait3A_133 = tpu.memref_slice %arg7[%add3A_106, %dma_wait3A_132] : memref<10000x128xf32, #tpu.memory_space<vmem_shared>> -> memref<80x128xf32, #tpu.memory_space<vmem_shared>>
        %dma_wait3A_134 = arith.constant 0 : i32
        %dma_wait3A_135 = tpu.memref_slice %arg7[%add3A_106, %dma_wait3A_134] : memref<10000x128xf32, #tpu.memory_space<vmem_shared>> -> memref<80x128xf32, #tpu.memory_space<vmem_shared>>
        %dma_wait3A_136 = arith.constant 0 : i32
        %dma_wait3A_137 = arith.constant 0 : i32
        %dma_wait3A_138 = tpu.memref_slice %arg14[%dma_wait3A_136, %dma_wait3A_137] : memref<80x128xf32, #tpu.memory_space<vmem>> -> memref<80x128xf32, #tpu.memory_space<vmem>>
        tpu.wait_dma2 semaphore(%run_scoped3A : memref<!tpu.dma_semaphore, #tpu.memory_space<semaphore_mem>>) src(%dma_wait3A_138 : memref<80x128xf32, #tpu.memory_space<vmem>>) dst(%dma_wait3A_135 : memref<80x128xf32, #tpu.memory_space<vmem_shared>>)
        tpu.yield
      }) : () -> ()
      %add3A_107 = arith.constant 160 : i32
      %add3A_108 = arith.addi %mul3A_102, %add3A_107 : i32
      "tpu.region"() ({
        %run_scoped3A = tpu.sem_alloc : memref<!tpu.dma_semaphore, #tpu.memory_space<semaphore_mem>>
        %dma_start3A_119 = arith.constant 0 : i32
        %dma_start3A_120 = arith.constant 0 : i32
        %dma_start3A_121 = tpu.memref_slice %arg14[%dma_start3A_119, %dma_start3A_120] : memref<80x128xf32, #tpu.memory_space<vmem>> -> memref<80x128xf32, #tpu.memory_space<vmem>>
        %dma_start3A_122 = arith.constant 0 : i32
        %dma_start3A_123 = tpu.memref_slice %arg7[%add3A_108, %dma_start3A_122] : memref<10000x128xf32, #tpu.memory_space<vmem_shared>> -> memref<80x128xf32, #tpu.memory_space<vmem_shared>>
        %dma_start3A_124 = arith.constant 0 : i32
        %dma_start3A_125 = tpu.memref_slice %arg7[%add3A_108, %dma_start3A_124] : memref<10000x128xf32, #tpu.memory_space<vmem_shared>> -> memref<80x128xf32, #tpu.memory_space<vmem_shared>>
        %dma_start3A_126 = arith.constant 0 : i32
        %dma_start3A_127 = arith.constant 0 : i32
        %dma_start3A_128 = tpu.memref_slice %arg14[%dma_start3A_126, %dma_start3A_127] : memref<80x128xf32, #tpu.memory_space<vmem>> -> memref<80x128xf32, #tpu.memory_space<vmem>>
        tpu.enqueue_dma source(%dma_start3A_128 : memref<80x128xf32, #tpu.memory_space<vmem>>) target(%dma_start3A_125 : memref<80x128xf32, #tpu.memory_space<vmem_shared>>) target_semaphore(%run_scoped3A : memref<!tpu.dma_semaphore, #tpu.memory_space<semaphore_mem>>)
        %dma_wait3A_129 = arith.constant 0 : i32
        %dma_wait3A_130 = arith.constant 0 : i32
        %dma_wait3A_131 = tpu.memref_slice %arg14[%dma_wait3A_129, %dma_wait3A_130] : memref<80x128xf32, #tpu.memory_space<vmem>> -> memref<80x128xf32, #tpu.memory_space<vmem>>
        %dma_wait3A_132 = arith.constant 0 : i32
        %dma_wait3A_133 = tpu.memref_slice %arg7[%add3A_108, %dma_wait3A_132] : memref<10000x128xf32, #tpu.memory_space<vmem_shared>> -> memref<80x128xf32, #tpu.memory_space<vmem_shared>>
        %dma_wait3A_134 = arith.constant 0 : i32
        %dma_wait3A_135 = tpu.memref_slice %arg7[%add3A_108, %dma_wait3A_134] : memref<10000x128xf32, #tpu.memory_space<vmem_shared>> -> memref<80x128xf32, #tpu.memory_space<vmem_shared>>
        %dma_wait3A_136 = arith.constant 0 : i32
        %dma_wait3A_137 = arith.constant 0 : i32
        %dma_wait3A_138 = tpu.memref_slice %arg14[%dma_wait3A_136, %dma_wait3A_137] : memref<80x128xf32, #tpu.memory_space<vmem>> -> memref<80x128xf32, #tpu.memory_space<vmem>>
        tpu.wait_dma2 semaphore(%run_scoped3A : memref<!tpu.dma_semaphore, #tpu.memory_space<semaphore_mem>>) src(%dma_wait3A_138 : memref<80x128xf32, #tpu.memory_space<vmem>>) dst(%dma_wait3A_135 : memref<80x128xf32, #tpu.memory_space<vmem_shared>>)
        tpu.yield
      }) : () -> ()
      %add3A_109 = arith.constant 240 : i32
      %add3A_110 = arith.addi %mul3A_102, %add3A_109 : i32
      "tpu.region"() ({
        %run_scoped3A = tpu.sem_alloc : memref<!tpu.dma_semaphore, #tpu.memory_space<semaphore_mem>>
        %dma_start3A_119 = arith.constant 0 : i32
        %dma_start3A_120 = arith.constant 0 : i32
        %dma_start3A_121 = tpu.memref_slice %arg14[%dma_start3A_119, %dma_start3A_120] : memref<80x128xf32, #tpu.memory_space<vmem>> -> memref<80x128xf32, #tpu.memory_space<vmem>>
        %dma_start3A_122 = arith.constant 0 : i32
        %dma_start3A_123 = tpu.memref_slice %arg7[%add3A_110, %dma_start3A_122] : memref<10000x128xf32, #tpu.memory_space<vmem_shared>> -> memref<80x128xf32, #tpu.memory_space<vmem_shared>>
        %dma_start3A_124 = arith.constant 0 : i32
        %dma_start3A_125 = tpu.memref_slice %arg7[%add3A_110, %dma_start3A_124] : memref<10000x128xf32, #tpu.memory_space<vmem_shared>> -> memref<80x128xf32, #tpu.memory_space<vmem_shared>>
        %dma_start3A_126 = arith.constant 0 : i32
        %dma_start3A_127 = arith.constant 0 : i32
        %dma_start3A_128 = tpu.memref_slice %arg14[%dma_start3A_126, %dma_start3A_127] : memref<80x128xf32, #tpu.memory_space<vmem>> -> memref<80x128xf32, #tpu.memory_space<vmem>>
        tpu.enqueue_dma source(%dma_start3A_128 : memref<80x128xf32, #tpu.memory_space<vmem>>) target(%dma_start3A_125 : memref<80x128xf32, #tpu.memory_space<vmem_shared>>) target_semaphore(%run_scoped3A : memref<!tpu.dma_semaphore, #tpu.memory_space<semaphore_mem>>)
        %dma_wait3A_129 = arith.constant 0 : i32
        %dma_wait3A_130 = arith.constant 0 : i32
        %dma_wait3A_131 = tpu.memref_slice %arg14[%dma_wait3A_129, %dma_wait3A_130] : memref<80x128xf32, #tpu.memory_space<vmem>> -> memref<80x128xf32, #tpu.memory_space<vmem>>
        %dma_wait3A_132 = arith.constant 0 : i32
        %dma_wait3A_133 = tpu.memref_slice %arg7[%add3A_110, %dma_wait3A_132] : memref<10000x128xf32, #tpu.memory_space<vmem_shared>> -> memref<80x128xf32, #tpu.memory_space<vmem_shared>>
        %dma_wait3A_134 = arith.constant 0 : i32
        %dma_wait3A_135 = tpu.memref_slice %arg7[%add3A_110, %dma_wait3A_134] : memref<10000x128xf32, #tpu.memory_space<vmem_shared>> -> memref<80x128xf32, #tpu.memory_space<vmem_shared>>
        %dma_wait3A_136 = arith.constant 0 : i32
        %dma_wait3A_137 = arith.constant 0 : i32
        %dma_wait3A_138 = tpu.memref_slice %arg14[%dma_wait3A_136, %dma_wait3A_137] : memref<80x128xf32, #tpu.memory_space<vmem>> -> memref<80x128xf32, #tpu.memory_space<vmem>>
        tpu.wait_dma2 semaphore(%run_scoped3A : memref<!tpu.dma_semaphore, #tpu.memory_space<semaphore_mem>>) src(%dma_wait3A_138 : memref<80x128xf32, #tpu.memory_space<vmem>>) dst(%dma_wait3A_135 : memref<80x128xf32, #tpu.memory_space<vmem_shared>>)
        tpu.yield
      }) : () -> ()
      %add3A_111 = arith.constant 320 : i32
      %add3A_112 = arith.addi %mul3A_102, %add3A_111 : i32
      "tpu.region"() ({
        %run_scoped3A = tpu.sem_alloc : memref<!tpu.dma_semaphore, #tpu.memory_space<semaphore_mem>>
        %dma_start3A_119 = arith.constant 0 : i32
        %dma_start3A_120 = arith.constant 0 : i32
        %dma_start3A_121 = tpu.memref_slice %arg14[%dma_start3A_119, %dma_start3A_120] : memref<80x128xf32, #tpu.memory_space<vmem>> -> memref<80x128xf32, #tpu.memory_space<vmem>>
        %dma_start3A_122 = arith.constant 0 : i32
        %dma_start3A_123 = tpu.memref_slice %arg7[%add3A_112, %dma_start3A_122] : memref<10000x128xf32, #tpu.memory_space<vmem_shared>> -> memref<80x128xf32, #tpu.memory_space<vmem_shared>>
        %dma_start3A_124 = arith.constant 0 : i32
        %dma_start3A_125 = tpu.memref_slice %arg7[%add3A_112, %dma_start3A_124] : memref<10000x128xf32, #tpu.memory_space<vmem_shared>> -> memref<80x128xf32, #tpu.memory_space<vmem_shared>>
        %dma_start3A_126 = arith.constant 0 : i32
        %dma_start3A_127 = arith.constant 0 : i32
        %dma_start3A_128 = tpu.memref_slice %arg14[%dma_start3A_126, %dma_start3A_127] : memref<80x128xf32, #tpu.memory_space<vmem>> -> memref<80x128xf32, #tpu.memory_space<vmem>>
        tpu.enqueue_dma source(%dma_start3A_128 : memref<80x128xf32, #tpu.memory_space<vmem>>) target(%dma_start3A_125 : memref<80x128xf32, #tpu.memory_space<vmem_shared>>) target_semaphore(%run_scoped3A : memref<!tpu.dma_semaphore, #tpu.memory_space<semaphore_mem>>)
        %dma_wait3A_129 = arith.constant 0 : i32
        %dma_wait3A_130 = arith.constant 0 : i32
        %dma_wait3A_131 = tpu.memref_slice %arg14[%dma_wait3A_129, %dma_wait3A_130] : memref<80x128xf32, #tpu.memory_space<vmem>> -> memref<80x128xf32, #tpu.memory_space<vmem>>
        %dma_wait3A_132 = arith.constant 0 : i32
        %dma_wait3A_133 = tpu.memref_slice %arg7[%add3A_112, %dma_wait3A_132] : memref<10000x128xf32, #tpu.memory_space<vmem_shared>> -> memref<80x128xf32, #tpu.memory_space<vmem_shared>>
        %dma_wait3A_134 = arith.constant 0 : i32
        %dma_wait3A_135 = tpu.memref_slice %arg7[%add3A_112, %dma_wait3A_134] : memref<10000x128xf32, #tpu.memory_space<vmem_shared>> -> memref<80x128xf32, #tpu.memory_space<vmem_shared>>
        %dma_wait3A_136 = arith.constant 0 : i32
        %dma_wait3A_137 = arith.constant 0 : i32
        %dma_wait3A_138 = tpu.memref_slice %arg14[%dma_wait3A_136, %dma_wait3A_137] : memref<80x128xf32, #tpu.memory_space<vmem>> -> memref<80x128xf32, #tpu.memory_space<vmem>>
        tpu.wait_dma2 semaphore(%run_scoped3A : memref<!tpu.dma_semaphore, #tpu.memory_space<semaphore_mem>>) src(%dma_wait3A_138 : memref<80x128xf32, #tpu.memory_space<vmem>>) dst(%dma_wait3A_135 : memref<80x128xf32, #tpu.memory_space<vmem_shared>>)
        tpu.yield
      }) : () -> ()
      %add3A_113 = arith.constant 400 : i32
      %add3A_114 = arith.addi %mul3A_102, %add3A_113 : i32
      "tpu.region"() ({
        %run_scoped3A = tpu.sem_alloc : memref<!tpu.dma_semaphore, #tpu.memory_space<semaphore_mem>>
        %dma_start3A_119 = arith.constant 0 : i32
        %dma_start3A_120 = arith.constant 0 : i32
        %dma_start3A_121 = tpu.memref_slice %arg14[%dma_start3A_119, %dma_start3A_120] : memref<80x128xf32, #tpu.memory_space<vmem>> -> memref<80x128xf32, #tpu.memory_space<vmem>>
        %dma_start3A_122 = arith.constant 0 : i32
        %dma_start3A_123 = tpu.memref_slice %arg7[%add3A_114, %dma_start3A_122] : memref<10000x128xf32, #tpu.memory_space<vmem_shared>> -> memref<80x128xf32, #tpu.memory_space<vmem_shared>>
        %dma_start3A_124 = arith.constant 0 : i32
        %dma_start3A_125 = tpu.memref_slice %arg7[%add3A_114, %dma_start3A_124] : memref<10000x128xf32, #tpu.memory_space<vmem_shared>> -> memref<80x128xf32, #tpu.memory_space<vmem_shared>>
        %dma_start3A_126 = arith.constant 0 : i32
        %dma_start3A_127 = arith.constant 0 : i32
        %dma_start3A_128 = tpu.memref_slice %arg14[%dma_start3A_126, %dma_start3A_127] : memref<80x128xf32, #tpu.memory_space<vmem>> -> memref<80x128xf32, #tpu.memory_space<vmem>>
        tpu.enqueue_dma source(%dma_start3A_128 : memref<80x128xf32, #tpu.memory_space<vmem>>) target(%dma_start3A_125 : memref<80x128xf32, #tpu.memory_space<vmem_shared>>) target_semaphore(%run_scoped3A : memref<!tpu.dma_semaphore, #tpu.memory_space<semaphore_mem>>)
        %dma_wait3A_129 = arith.constant 0 : i32
        %dma_wait3A_130 = arith.constant 0 : i32
        %dma_wait3A_131 = tpu.memref_slice %arg14[%dma_wait3A_129, %dma_wait3A_130] : memref<80x128xf32, #tpu.memory_space<vmem>> -> memref<80x128xf32, #tpu.memory_space<vmem>>
        %dma_wait3A_132 = arith.constant 0 : i32
        %dma_wait3A_133 = tpu.memref_slice %arg7[%add3A_114, %dma_wait3A_132] : memref<10000x128xf32, #tpu.memory_space<vmem_shared>> -> memref<80x128xf32, #tpu.memory_space<vmem_shared>>
        %dma_wait3A_134 = arith.constant 0 : i32
        %dma_wait3A_135 = tpu.memref_slice %arg7[%add3A_114, %dma_wait3A_134] : memref<10000x128xf32, #tpu.memory_space<vmem_shared>> -> memref<80x128xf32, #tpu.memory_space<vmem_shared>>
        %dma_wait3A_136 = arith.constant 0 : i32
        %dma_wait3A_137 = arith.constant 0 : i32
        %dma_wait3A_138 = tpu.memref_slice %arg14[%dma_wait3A_136, %dma_wait3A_137] : memref<80x128xf32, #tpu.memory_space<vmem>> -> memref<80x128xf32, #tpu.memory_space<vmem>>
        tpu.wait_dma2 semaphore(%run_scoped3A : memref<!tpu.dma_semaphore, #tpu.memory_space<semaphore_mem>>) src(%dma_wait3A_138 : memref<80x128xf32, #tpu.memory_space<vmem>>) dst(%dma_wait3A_135 : memref<80x128xf32, #tpu.memory_space<vmem_shared>>)
        tpu.yield
      }) : () -> ()
      %add3A_115 = arith.constant 480 : i32
      %add3A_116 = arith.addi %mul3A_102, %add3A_115 : i32
      "tpu.region"() ({
        %run_scoped3A = tpu.sem_alloc : memref<!tpu.dma_semaphore, #tpu.memory_space<semaphore_mem>>
        %dma_start3A_119 = arith.constant 0 : i32
        %dma_start3A_120 = arith.constant 0 : i32
        %dma_start3A_121 = tpu.memref_slice %arg14[%dma_start3A_119, %dma_start3A_120] : memref<80x128xf32, #tpu.memory_space<vmem>> -> memref<80x128xf32, #tpu.memory_space<vmem>>
        %dma_start3A_122 = arith.constant 0 : i32
        %dma_start3A_123 = tpu.memref_slice %arg7[%add3A_116, %dma_start3A_122] : memref<10000x128xf32, #tpu.memory_space<vmem_shared>> -> memref<80x128xf32, #tpu.memory_space<vmem_shared>>
        %dma_start3A_124 = arith.constant 0 : i32
        %dma_start3A_125 = tpu.memref_slice %arg7[%add3A_116, %dma_start3A_124] : memref<10000x128xf32, #tpu.memory_space<vmem_shared>> -> memref<80x128xf32, #tpu.memory_space<vmem_shared>>
        %dma_start3A_126 = arith.constant 0 : i32
        %dma_start3A_127 = arith.constant 0 : i32
        %dma_start3A_128 = tpu.memref_slice %arg14[%dma_start3A_126, %dma_start3A_127] : memref<80x128xf32, #tpu.memory_space<vmem>> -> memref<80x128xf32, #tpu.memory_space<vmem>>
        tpu.enqueue_dma source(%dma_start3A_128 : memref<80x128xf32, #tpu.memory_space<vmem>>) target(%dma_start3A_125 : memref<80x128xf32, #tpu.memory_space<vmem_shared>>) target_semaphore(%run_scoped3A : memref<!tpu.dma_semaphore, #tpu.memory_space<semaphore_mem>>)
        %dma_wait3A_129 = arith.constant 0 : i32
        %dma_wait3A_130 = arith.constant 0 : i32
        %dma_wait3A_131 = tpu.memref_slice %arg14[%dma_wait3A_129, %dma_wait3A_130] : memref<80x128xf32, #tpu.memory_space<vmem>> -> memref<80x128xf32, #tpu.memory_space<vmem>>
        %dma_wait3A_132 = arith.constant 0 : i32
        %dma_wait3A_133 = tpu.memref_slice %arg7[%add3A_116, %dma_wait3A_132] : memref<10000x128xf32, #tpu.memory_space<vmem_shared>> -> memref<80x128xf32, #tpu.memory_space<vmem_shared>>
        %dma_wait3A_134 = arith.constant 0 : i32
        %dma_wait3A_135 = tpu.memref_slice %arg7[%add3A_116, %dma_wait3A_134] : memref<10000x128xf32, #tpu.memory_space<vmem_shared>> -> memref<80x128xf32, #tpu.memory_space<vmem_shared>>
        %dma_wait3A_136 = arith.constant 0 : i32
        %dma_wait3A_137 = arith.constant 0 : i32
        %dma_wait3A_138 = tpu.memref_slice %arg14[%dma_wait3A_136, %dma_wait3A_137] : memref<80x128xf32, #tpu.memory_space<vmem>> -> memref<80x128xf32, #tpu.memory_space<vmem>>
        tpu.wait_dma2 semaphore(%run_scoped3A : memref<!tpu.dma_semaphore, #tpu.memory_space<semaphore_mem>>) src(%dma_wait3A_138 : memref<80x128xf32, #tpu.memory_space<vmem>>) dst(%dma_wait3A_135 : memref<80x128xf32, #tpu.memory_space<vmem_shared>>)
        tpu.yield
      }) : () -> ()
      %add3A_117 = arith.constant 560 : i32
      %add3A_118 = arith.addi %mul3A_102, %add3A_117 : i32
      "tpu.region"() ({
        %run_scoped3A = tpu.sem_alloc : memref<!tpu.dma_semaphore, #tpu.memory_space<semaphore_mem>>
        %dma_start3A_119 = arith.constant 0 : i32
        %dma_start3A_120 = arith.constant 0 : i32
        %dma_start3A_121 = tpu.memref_slice %arg14[%dma_start3A_119, %dma_start3A_120] : memref<80x128xf32, #tpu.memory_space<vmem>> -> memref<64x128xf32, #tpu.memory_space<vmem>>
        %dma_start3A_122 = arith.constant 0 : i32
        %dma_start3A_123 = tpu.memref_slice %arg7[%add3A_118, %dma_start3A_122] : memref<10000x128xf32, #tpu.memory_space<vmem_shared>> -> memref<64x128xf32, #tpu.memory_space<vmem_shared>>
        %dma_start3A_124 = arith.constant 0 : i32
        %dma_start3A_125 = tpu.memref_slice %arg7[%add3A_118, %dma_start3A_124] : memref<10000x128xf32, #tpu.memory_space<vmem_shared>> -> memref<64x128xf32, #tpu.memory_space<vmem_shared>>
        %dma_start3A_126 = arith.constant 0 : i32
        %dma_start3A_127 = arith.constant 0 : i32
        %dma_start3A_128 = tpu.memref_slice %arg14[%dma_start3A_126, %dma_start3A_127] : memref<80x128xf32, #tpu.memory_space<vmem>> -> memref<64x128xf32, #tpu.memory_space<vmem>>
        tpu.enqueue_dma source(%dma_start3A_128 : memref<64x128xf32, #tpu.memory_space<vmem>>) target(%dma_start3A_125 : memref<64x128xf32, #tpu.memory_space<vmem_shared>>) target_semaphore(%run_scoped3A : memref<!tpu.dma_semaphore, #tpu.memory_space<semaphore_mem>>)
        %dma_wait3A_129 = arith.constant 0 : i32
        %dma_wait3A_130 = arith.constant 0 : i32
        %dma_wait3A_131 = tpu.memref_slice %arg14[%dma_wait3A_129, %dma_wait3A_130] : memref<80x128xf32, #tpu.memory_space<vmem>> -> memref<64x128xf32, #tpu.memory_space<vmem>>
        %dma_wait3A_132 = arith.constant 0 : i32
        %dma_wait3A_133 = tpu.memref_slice %arg7[%add3A_118, %dma_wait3A_132] : memref<10000x128xf32, #tpu.memory_space<vmem_shared>> -> memref<64x128xf32, #tpu.memory_space<vmem_shared>>
        %dma_wait3A_134 = arith.constant 0 : i32
        %dma_wait3A_135 = tpu.memref_slice %arg7[%add3A_118, %dma_wait3A_134] : memref<10000x128xf32, #tpu.memory_space<vmem_shared>> -> memref<64x128xf32, #tpu.memory_space<vmem_shared>>
        %dma_wait3A_136 = arith.constant 0 : i32
        %dma_wait3A_137 = arith.constant 0 : i32
        %dma_wait3A_138 = tpu.memref_slice %arg14[%dma_wait3A_136, %dma_wait3A_137] : memref<80x128xf32, #tpu.memory_space<vmem>> -> memref<64x128xf32, #tpu.memory_space<vmem>>
        tpu.wait_dma2 semaphore(%run_scoped3A : memref<!tpu.dma_semaphore, #tpu.memory_space<semaphore_mem>>) src(%dma_wait3A_138 : memref<64x128xf32, #tpu.memory_space<vmem>>) dst(%dma_wait3A_135 : memref<64x128xf32, #tpu.memory_space<vmem_shared>>)
        tpu.yield
      }) : () -> ()
    } else {
    }
    %eq3A = arith.constant 15 : i32
    %eq3A_9 = arith.cmpi eq, %arg1, %eq3A : i32
    %convert_element_type3A_10 = arith.extui %eq3A_9 : i1 to i32
    %cond3A_11 = arith.constant 0 : i32
    %cond3A_12 = arith.cmpi ne, %convert_element_type3A_10, %cond3A_11 : i32
    scf.if %cond3A_12 {
      "tpu.region"() ({
        %run_scoped3A = tpu.sem_alloc : memref<!tpu.dma_semaphore, #tpu.memory_space<semaphore_mem>>
        %dma_start3A_101 = arith.constant 0 : i32
        %dma_start3A_102 = arith.constant 0 : i32
        %dma_start3A_103 = tpu.memref_slice %arg14[%dma_start3A_101, %dma_start3A_102] : memref<80x128xf32, #tpu.memory_space<vmem>> -> memref<80x128xf32, #tpu.memory_space<vmem>>
        %dma_start3A_104 = arith.constant 9360 : i32
        %dma_start3A_105 = arith.constant 0 : i32
        %dma_start3A_106 = tpu.memref_slice %arg7[%dma_start3A_104, %dma_start3A_105] : memref<10000x128xf32, #tpu.memory_space<vmem_shared>> -> memref<80x128xf32, #tpu.memory_space<vmem_shared>>
        %dma_start3A_107 = arith.constant 9360 : i32
        %dma_start3A_108 = arith.constant 0 : i32
        %dma_start3A_109 = tpu.memref_slice %arg7[%dma_start3A_107, %dma_start3A_108] : memref<10000x128xf32, #tpu.memory_space<vmem_shared>> -> memref<80x128xf32, #tpu.memory_space<vmem_shared>>
        %dma_start3A_110 = arith.constant 0 : i32
        %dma_start3A_111 = arith.constant 0 : i32
        %dma_start3A_112 = tpu.memref_slice %arg14[%dma_start3A_110, %dma_start3A_111] : memref<80x128xf32, #tpu.memory_space<vmem>> -> memref<80x128xf32, #tpu.memory_space<vmem>>
        tpu.enqueue_dma source(%dma_start3A_112 : memref<80x128xf32, #tpu.memory_space<vmem>>) target(%dma_start3A_109 : memref<80x128xf32, #tpu.memory_space<vmem_shared>>) target_semaphore(%run_scoped3A : memref<!tpu.dma_semaphore, #tpu.memory_space<semaphore_mem>>)
        %dma_wait3A_113 = arith.constant 0 : i32
        %dma_wait3A_114 = arith.constant 0 : i32
        %dma_wait3A_115 = tpu.memref_slice %arg14[%dma_wait3A_113, %dma_wait3A_114] : memref<80x128xf32, #tpu.memory_space<vmem>> -> memref<80x128xf32, #tpu.memory_space<vmem>>
        %dma_wait3A_116 = arith.constant 9360 : i32
        %dma_wait3A_117 = arith.constant 0 : i32
        %dma_wait3A_118 = tpu.memref_slice %arg7[%dma_wait3A_116, %dma_wait3A_117] : memref<10000x128xf32, #tpu.memory_space<vmem_shared>> -> memref<80x128xf32, #tpu.memory_space<vmem_shared>>
        %dma_wait3A_119 = arith.constant 9360 : i32
        %dma_wait3A_120 = arith.constant 0 : i32
        %dma_wait3A_121 = tpu.memref_slice %arg7[%dma_wait3A_119, %dma_wait3A_120] : memref<10000x128xf32, #tpu.memory_space<vmem_shared>> -> memref<80x128xf32, #tpu.memory_space<vmem_shared>>
        %dma_wait3A_122 = arith.constant 0 : i32
        %dma_wait3A_123 = arith.constant 0 : i32
        %dma_wait3A_124 = tpu.memref_slice %arg14[%dma_wait3A_122, %dma_wait3A_123] : memref<80x128xf32, #tpu.memory_space<vmem>> -> memref<80x128xf32, #tpu.memory_space<vmem>>
        tpu.wait_dma2 semaphore(%run_scoped3A : memref<!tpu.dma_semaphore, #tpu.memory_space<semaphore_mem>>) src(%dma_wait3A_124 : memref<80x128xf32, #tpu.memory_space<vmem>>) dst(%dma_wait3A_121 : memref<80x128xf32, #tpu.memory_space<vmem_shared>>)
        tpu.yield
      }) : () -> ()
      "tpu.region"() ({
        %run_scoped3A = tpu.sem_alloc : memref<!tpu.dma_semaphore, #tpu.memory_space<semaphore_mem>>
        %dma_start3A_101 = arith.constant 0 : i32
        %dma_start3A_102 = arith.constant 0 : i32
        %dma_start3A_103 = tpu.memref_slice %arg14[%dma_start3A_101, %dma_start3A_102] : memref<80x128xf32, #tpu.memory_space<vmem>> -> memref<80x128xf32, #tpu.memory_space<vmem>>
        %dma_start3A_104 = arith.constant 9440 : i32
        %dma_start3A_105 = arith.constant 0 : i32
        %dma_start3A_106 = tpu.memref_slice %arg7[%dma_start3A_104, %dma_start3A_105] : memref<10000x128xf32, #tpu.memory_space<vmem_shared>> -> memref<80x128xf32, #tpu.memory_space<vmem_shared>>
        %dma_start3A_107 = arith.constant 9440 : i32
        %dma_start3A_108 = arith.constant 0 : i32
        %dma_start3A_109 = tpu.memref_slice %arg7[%dma_start3A_107, %dma_start3A_108] : memref<10000x128xf32, #tpu.memory_space<vmem_shared>> -> memref<80x128xf32, #tpu.memory_space<vmem_shared>>
        %dma_start3A_110 = arith.constant 0 : i32
        %dma_start3A_111 = arith.constant 0 : i32
        %dma_start3A_112 = tpu.memref_slice %arg14[%dma_start3A_110, %dma_start3A_111] : memref<80x128xf32, #tpu.memory_space<vmem>> -> memref<80x128xf32, #tpu.memory_space<vmem>>
        tpu.enqueue_dma source(%dma_start3A_112 : memref<80x128xf32, #tpu.memory_space<vmem>>) target(%dma_start3A_109 : memref<80x128xf32, #tpu.memory_space<vmem_shared>>) target_semaphore(%run_scoped3A : memref<!tpu.dma_semaphore, #tpu.memory_space<semaphore_mem>>)
        %dma_wait3A_113 = arith.constant 0 : i32
        %dma_wait3A_114 = arith.constant 0 : i32
        %dma_wait3A_115 = tpu.memref_slice %arg14[%dma_wait3A_113, %dma_wait3A_114] : memref<80x128xf32, #tpu.memory_space<vmem>> -> memref<80x128xf32, #tpu.memory_space<vmem>>
        %dma_wait3A_116 = arith.constant 9440 : i32
        %dma_wait3A_117 = arith.constant 0 : i32
        %dma_wait3A_118 = tpu.memref_slice %arg7[%dma_wait3A_116, %dma_wait3A_117] : memref<10000x128xf32, #tpu.memory_space<vmem_shared>> -> memref<80x128xf32, #tpu.memory_space<vmem_shared>>
        %dma_wait3A_119 = arith.constant 9440 : i32
        %dma_wait3A_120 = arith.constant 0 : i32
        %dma_wait3A_121 = tpu.memref_slice %arg7[%dma_wait3A_119, %dma_wait3A_120] : memref<10000x128xf32, #tpu.memory_space<vmem_shared>> -> memref<80x128xf32, #tpu.memory_space<vmem_shared>>
        %dma_wait3A_122 = arith.constant 0 : i32
        %dma_wait3A_123 = arith.constant 0 : i32
        %dma_wait3A_124 = tpu.memref_slice %arg14[%dma_wait3A_122, %dma_wait3A_123] : memref<80x128xf32, #tpu.memory_space<vmem>> -> memref<80x128xf32, #tpu.memory_space<vmem>>
        tpu.wait_dma2 semaphore(%run_scoped3A : memref<!tpu.dma_semaphore, #tpu.memory_space<semaphore_mem>>) src(%dma_wait3A_124 : memref<80x128xf32, #tpu.memory_space<vmem>>) dst(%dma_wait3A_121 : memref<80x128xf32, #tpu.memory_space<vmem_shared>>)
        tpu.yield
      }) : () -> ()
      "tpu.region"() ({
        %run_scoped3A = tpu.sem_alloc : memref<!tpu.dma_semaphore, #tpu.memory_space<semaphore_mem>>
        %dma_start3A_101 = arith.constant 0 : i32
        %dma_start3A_102 = arith.constant 0 : i32
        %dma_start3A_103 = tpu.memref_slice %arg14[%dma_start3A_101, %dma_start3A_102] : memref<80x128xf32, #tpu.memory_space<vmem>> -> memref<80x128xf32, #tpu.memory_space<vmem>>
        %dma_start3A_104 = arith.constant 9520 : i32
        %dma_start3A_105 = arith.constant 0 : i32
        %dma_start3A_106 = tpu.memref_slice %arg7[%dma_start3A_104, %dma_start3A_105] : memref<10000x128xf32, #tpu.memory_space<vmem_shared>> -> memref<80x128xf32, #tpu.memory_space<vmem_shared>>
        %dma_start3A_107 = arith.constant 9520 : i32
        %dma_start3A_108 = arith.constant 0 : i32
        %dma_start3A_109 = tpu.memref_slice %arg7[%dma_start3A_107, %dma_start3A_108] : memref<10000x128xf32, #tpu.memory_space<vmem_shared>> -> memref<80x128xf32, #tpu.memory_space<vmem_shared>>
        %dma_start3A_110 = arith.constant 0 : i32
        %dma_start3A_111 = arith.constant 0 : i32
        %dma_start3A_112 = tpu.memref_slice %arg14[%dma_start3A_110, %dma_start3A_111] : memref<80x128xf32, #tpu.memory_space<vmem>> -> memref<80x128xf32, #tpu.memory_space<vmem>>
        tpu.enqueue_dma source(%dma_start3A_112 : memref<80x128xf32, #tpu.memory_space<vmem>>) target(%dma_start3A_109 : memref<80x128xf32, #tpu.memory_space<vmem_shared>>) target_semaphore(%run_scoped3A : memref<!tpu.dma_semaphore, #tpu.memory_space<semaphore_mem>>)
        %dma_wait3A_113 = arith.constant 0 : i32
        %dma_wait3A_114 = arith.constant 0 : i32
        %dma_wait3A_115 = tpu.memref_slice %arg14[%dma_wait3A_113, %dma_wait3A_114] : memref<80x128xf32, #tpu.memory_space<vmem>> -> memref<80x128xf32, #tpu.memory_space<vmem>>
        %dma_wait3A_116 = arith.constant 9520 : i32
        %dma_wait3A_117 = arith.constant 0 : i32
        %dma_wait3A_118 = tpu.memref_slice %arg7[%dma_wait3A_116, %dma_wait3A_117] : memref<10000x128xf32, #tpu.memory_space<vmem_shared>> -> memref<80x128xf32, #tpu.memory_space<vmem_shared>>
        %dma_wait3A_119 = arith.constant 9520 : i32
        %dma_wait3A_120 = arith.constant 0 : i32
        %dma_wait3A_121 = tpu.memref_slice %arg7[%dma_wait3A_119, %dma_wait3A_120] : memref<10000x128xf32, #tpu.memory_space<vmem_shared>> -> memref<80x128xf32, #tpu.memory_space<vmem_shared>>
        %dma_wait3A_122 = arith.constant 0 : i32
        %dma_wait3A_123 = arith.constant 0 : i32
        %dma_wait3A_124 = tpu.memref_slice %arg14[%dma_wait3A_122, %dma_wait3A_123] : memref<80x128xf32, #tpu.memory_space<vmem>> -> memref<80x128xf32, #tpu.memory_space<vmem>>
        tpu.wait_dma2 semaphore(%run_scoped3A : memref<!tpu.dma_semaphore, #tpu.memory_space<semaphore_mem>>) src(%dma_wait3A_124 : memref<80x128xf32, #tpu.memory_space<vmem>>) dst(%dma_wait3A_121 : memref<80x128xf32, #tpu.memory_space<vmem_shared>>)
        tpu.yield
      }) : () -> ()
      "tpu.region"() ({
        %run_scoped3A = tpu.sem_alloc : memref<!tpu.dma_semaphore, #tpu.memory_space<semaphore_mem>>
        %dma_start3A_101 = arith.constant 0 : i32
        %dma_start3A_102 = arith.constant 0 : i32
        %dma_start3A_103 = tpu.memref_slice %arg14[%dma_start3A_101, %dma_start3A_102] : memref<80x128xf32, #tpu.memory_space<vmem>> -> memref<80x128xf32, #tpu.memory_space<vmem>>
        %dma_start3A_104 = arith.constant 9600 : i32
        %dma_start3A_105 = arith.constant 0 : i32
        %dma_start3A_106 = tpu.memref_slice %arg7[%dma_start3A_104, %dma_start3A_105] : memref<10000x128xf32, #tpu.memory_space<vmem_shared>> -> memref<80x128xf32, #tpu.memory_space<vmem_shared>>
        %dma_start3A_107 = arith.constant 9600 : i32
        %dma_start3A_108 = arith.constant 0 : i32
        %dma_start3A_109 = tpu.memref_slice %arg7[%dma_start3A_107, %dma_start3A_108] : memref<10000x128xf32, #tpu.memory_space<vmem_shared>> -> memref<80x128xf32, #tpu.memory_space<vmem_shared>>
        %dma_start3A_110 = arith.constant 0 : i32
        %dma_start3A_111 = arith.constant 0 : i32
        %dma_start3A_112 = tpu.memref_slice %arg14[%dma_start3A_110, %dma_start3A_111] : memref<80x128xf32, #tpu.memory_space<vmem>> -> memref<80x128xf32, #tpu.memory_space<vmem>>
        tpu.enqueue_dma source(%dma_start3A_112 : memref<80x128xf32, #tpu.memory_space<vmem>>) target(%dma_start3A_109 : memref<80x128xf32, #tpu.memory_space<vmem_shared>>) target_semaphore(%run_scoped3A : memref<!tpu.dma_semaphore, #tpu.memory_space<semaphore_mem>>)
        %dma_wait3A_113 = arith.constant 0 : i32
        %dma_wait3A_114 = arith.constant 0 : i32
        %dma_wait3A_115 = tpu.memref_slice %arg14[%dma_wait3A_113, %dma_wait3A_114] : memref<80x128xf32, #tpu.memory_space<vmem>> -> memref<80x128xf32, #tpu.memory_space<vmem>>
        %dma_wait3A_116 = arith.constant 9600 : i32
        %dma_wait3A_117 = arith.constant 0 : i32
        %dma_wait3A_118 = tpu.memref_slice %arg7[%dma_wait3A_116, %dma_wait3A_117] : memref<10000x128xf32, #tpu.memory_space<vmem_shared>> -> memref<80x128xf32, #tpu.memory_space<vmem_shared>>
        %dma_wait3A_119 = arith.constant 9600 : i32
        %dma_wait3A_120 = arith.constant 0 : i32
        %dma_wait3A_121 = tpu.memref_slice %arg7[%dma_wait3A_119, %dma_wait3A_120] : memref<10000x128xf32, #tpu.memory_space<vmem_shared>> -> memref<80x128xf32, #tpu.memory_space<vmem_shared>>
        %dma_wait3A_122 = arith.constant 0 : i32
        %dma_wait3A_123 = arith.constant 0 : i32
        %dma_wait3A_124 = tpu.memref_slice %arg14[%dma_wait3A_122, %dma_wait3A_123] : memref<80x128xf32, #tpu.memory_space<vmem>> -> memref<80x128xf32, #tpu.memory_space<vmem>>
        tpu.wait_dma2 semaphore(%run_scoped3A : memref<!tpu.dma_semaphore, #tpu.memory_space<semaphore_mem>>) src(%dma_wait3A_124 : memref<80x128xf32, #tpu.memory_space<vmem>>) dst(%dma_wait3A_121 : memref<80x128xf32, #tpu.memory_space<vmem_shared>>)
        tpu.yield
      }) : () -> ()
      "tpu.region"() ({
        %run_scoped3A = tpu.sem_alloc : memref<!tpu.dma_semaphore, #tpu.memory_space<semaphore_mem>>
        %dma_start3A_101 = arith.constant 0 : i32
        %dma_start3A_102 = arith.constant 0 : i32
        %dma_start3A_103 = tpu.memref_slice %arg14[%dma_start3A_101, %dma_start3A_102] : memref<80x128xf32, #tpu.memory_space<vmem>> -> memref<80x128xf32, #tpu.memory_space<vmem>>
        %dma_start3A_104 = arith.constant 9680 : i32
        %dma_start3A_105 = arith.constant 0 : i32
        %dma_start3A_106 = tpu.memref_slice %arg7[%dma_start3A_104, %dma_start3A_105] : memref<10000x128xf32, #tpu.memory_space<vmem_shared>> -> memref<80x128xf32, #tpu.memory_space<vmem_shared>>
        %dma_start3A_107 = arith.constant 9680 : i32
        %dma_start3A_108 = arith.constant 0 : i32
        %dma_start3A_109 = tpu.memref_slice %arg7[%dma_start3A_107, %dma_start3A_108] : memref<10000x128xf32, #tpu.memory_space<vmem_shared>> -> memref<80x128xf32, #tpu.memory_space<vmem_shared>>
        %dma_start3A_110 = arith.constant 0 : i32
        %dma_start3A_111 = arith.constant 0 : i32
        %dma_start3A_112 = tpu.memref_slice %arg14[%dma_start3A_110, %dma_start3A_111] : memref<80x128xf32, #tpu.memory_space<vmem>> -> memref<80x128xf32, #tpu.memory_space<vmem>>
        tpu.enqueue_dma source(%dma_start3A_112 : memref<80x128xf32, #tpu.memory_space<vmem>>) target(%dma_start3A_109 : memref<80x128xf32, #tpu.memory_space<vmem_shared>>) target_semaphore(%run_scoped3A : memref<!tpu.dma_semaphore, #tpu.memory_space<semaphore_mem>>)
        %dma_wait3A_113 = arith.constant 0 : i32
        %dma_wait3A_114 = arith.constant 0 : i32
        %dma_wait3A_115 = tpu.memref_slice %arg14[%dma_wait3A_113, %dma_wait3A_114] : memref<80x128xf32, #tpu.memory_space<vmem>> -> memref<80x128xf32, #tpu.memory_space<vmem>>
        %dma_wait3A_116 = arith.constant 9680 : i32
        %dma_wait3A_117 = arith.constant 0 : i32
        %dma_wait3A_118 = tpu.memref_slice %arg7[%dma_wait3A_116, %dma_wait3A_117] : memref<10000x128xf32, #tpu.memory_space<vmem_shared>> -> memref<80x128xf32, #tpu.memory_space<vmem_shared>>
        %dma_wait3A_119 = arith.constant 9680 : i32
        %dma_wait3A_120 = arith.constant 0 : i32
        %dma_wait3A_121 = tpu.memref_slice %arg7[%dma_wait3A_119, %dma_wait3A_120] : memref<10000x128xf32, #tpu.memory_space<vmem_shared>> -> memref<80x128xf32, #tpu.memory_space<vmem_shared>>
        %dma_wait3A_122 = arith.constant 0 : i32
        %dma_wait3A_123 = arith.constant 0 : i32
        %dma_wait3A_124 = tpu.memref_slice %arg14[%dma_wait3A_122, %dma_wait3A_123] : memref<80x128xf32, #tpu.memory_space<vmem>> -> memref<80x128xf32, #tpu.memory_space<vmem>>
        tpu.wait_dma2 semaphore(%run_scoped3A : memref<!tpu.dma_semaphore, #tpu.memory_space<semaphore_mem>>) src(%dma_wait3A_124 : memref<80x128xf32, #tpu.memory_space<vmem>>) dst(%dma_wait3A_121 : memref<80x128xf32, #tpu.memory_space<vmem_shared>>)
        tpu.yield
      }) : () -> ()
      "tpu.region"() ({
        %run_scoped3A = tpu.sem_alloc : memref<!tpu.dma_semaphore, #tpu.memory_space<semaphore_mem>>
        %dma_start3A_101 = arith.constant 0 : i32
        %dma_start3A_102 = arith.constant 0 : i32
        %dma_start3A_103 = tpu.memref_slice %arg14[%dma_start3A_101, %dma_start3A_102] : memref<80x128xf32, #tpu.memory_space<vmem>> -> memref<80x128xf32, #tpu.memory_space<vmem>>
        %dma_start3A_104 = arith.constant 9760 : i32
        %dma_start3A_105 = arith.constant 0 : i32
        %dma_start3A_106 = tpu.memref_slice %arg7[%dma_start3A_104, %dma_start3A_105] : memref<10000x128xf32, #tpu.memory_space<vmem_shared>> -> memref<80x128xf32, #tpu.memory_space<vmem_shared>>
        %dma_start3A_107 = arith.constant 9760 : i32
        %dma_start3A_108 = arith.constant 0 : i32
        %dma_start3A_109 = tpu.memref_slice %arg7[%dma_start3A_107, %dma_start3A_108] : memref<10000x128xf32, #tpu.memory_space<vmem_shared>> -> memref<80x128xf32, #tpu.memory_space<vmem_shared>>
        %dma_start3A_110 = arith.constant 0 : i32
        %dma_start3A_111 = arith.constant 0 : i32
        %dma_start3A_112 = tpu.memref_slice %arg14[%dma_start3A_110, %dma_start3A_111] : memref<80x128xf32, #tpu.memory_space<vmem>> -> memref<80x128xf32, #tpu.memory_space<vmem>>
        tpu.enqueue_dma source(%dma_start3A_112 : memref<80x128xf32, #tpu.memory_space<vmem>>) target(%dma_start3A_109 : memref<80x128xf32, #tpu.memory_space<vmem_shared>>) target_semaphore(%run_scoped3A : memref<!tpu.dma_semaphore, #tpu.memory_space<semaphore_mem>>)
        %dma_wait3A_113 = arith.constant 0 : i32
        %dma_wait3A_114 = arith.constant 0 : i32
        %dma_wait3A_115 = tpu.memref_slice %arg14[%dma_wait3A_113, %dma_wait3A_114] : memref<80x128xf32, #tpu.memory_space<vmem>> -> memref<80x128xf32, #tpu.memory_space<vmem>>
        %dma_wait3A_116 = arith.constant 9760 : i32
        %dma_wait3A_117 = arith.constant 0 : i32
        %dma_wait3A_118 = tpu.memref_slice %arg7[%dma_wait3A_116, %dma_wait3A_117] : memref<10000x128xf32, #tpu.memory_space<vmem_shared>> -> memref<80x128xf32, #tpu.memory_space<vmem_shared>>
        %dma_wait3A_119 = arith.constant 9760 : i32
        %dma_wait3A_120 = arith.constant 0 : i32
        %dma_wait3A_121 = tpu.memref_slice %arg7[%dma_wait3A_119, %dma_wait3A_120] : memref<10000x128xf32, #tpu.memory_space<vmem_shared>> -> memref<80x128xf32, #tpu.memory_space<vmem_shared>>
        %dma_wait3A_122 = arith.constant 0 : i32
        %dma_wait3A_123 = arith.constant 0 : i32
        %dma_wait3A_124 = tpu.memref_slice %arg14[%dma_wait3A_122, %dma_wait3A_123] : memref<80x128xf32, #tpu.memory_space<vmem>> -> memref<80x128xf32, #tpu.memory_space<vmem>>
        tpu.wait_dma2 semaphore(%run_scoped3A : memref<!tpu.dma_semaphore, #tpu.memory_space<semaphore_mem>>) src(%dma_wait3A_124 : memref<80x128xf32, #tpu.memory_space<vmem>>) dst(%dma_wait3A_121 : memref<80x128xf32, #tpu.memory_space<vmem_shared>>)
        tpu.yield
      }) : () -> ()
      "tpu.region"() ({
        %run_scoped3A = tpu.sem_alloc : memref<!tpu.dma_semaphore, #tpu.memory_space<semaphore_mem>>
        %dma_start3A_101 = arith.constant 0 : i32
        %dma_start3A_102 = arith.constant 0 : i32
        %dma_start3A_103 = tpu.memref_slice %arg14[%dma_start3A_101, %dma_start3A_102] : memref<80x128xf32, #tpu.memory_space<vmem>> -> memref<80x128xf32, #tpu.memory_space<vmem>>
        %dma_start3A_104 = arith.constant 9840 : i32
        %dma_start3A_105 = arith.constant 0 : i32
        %dma_start3A_106 = tpu.memref_slice %arg7[%dma_start3A_104, %dma_start3A_105] : memref<10000x128xf32, #tpu.memory_space<vmem_shared>> -> memref<80x128xf32, #tpu.memory_space<vmem_shared>>
        %dma_start3A_107 = arith.constant 9840 : i32
        %dma_start3A_108 = arith.constant 0 : i32
        %dma_start3A_109 = tpu.memref_slice %arg7[%dma_start3A_107, %dma_start3A_108] : memref<10000x128xf32, #tpu.memory_space<vmem_shared>> -> memref<80x128xf32, #tpu.memory_space<vmem_shared>>
        %dma_start3A_110 = arith.constant 0 : i32
        %dma_start3A_111 = arith.constant 0 : i32
        %dma_start3A_112 = tpu.memref_slice %arg14[%dma_start3A_110, %dma_start3A_111] : memref<80x128xf32, #tpu.memory_space<vmem>> -> memref<80x128xf32, #tpu.memory_space<vmem>>
        tpu.enqueue_dma source(%dma_start3A_112 : memref<80x128xf32, #tpu.memory_space<vmem>>) target(%dma_start3A_109 : memref<80x128xf32, #tpu.memory_space<vmem_shared>>) target_semaphore(%run_scoped3A : memref<!tpu.dma_semaphore, #tpu.memory_space<semaphore_mem>>)
        %dma_wait3A_113 = arith.constant 0 : i32
        %dma_wait3A_114 = arith.constant 0 : i32
        %dma_wait3A_115 = tpu.memref_slice %arg14[%dma_wait3A_113, %dma_wait3A_114] : memref<80x128xf32, #tpu.memory_space<vmem>> -> memref<80x128xf32, #tpu.memory_space<vmem>>
        %dma_wait3A_116 = arith.constant 9840 : i32
        %dma_wait3A_117 = arith.constant 0 : i32
        %dma_wait3A_118 = tpu.memref_slice %arg7[%dma_wait3A_116, %dma_wait3A_117] : memref<10000x128xf32, #tpu.memory_space<vmem_shared>> -> memref<80x128xf32, #tpu.memory_space<vmem_shared>>
        %dma_wait3A_119 = arith.constant 9840 : i32
        %dma_wait3A_120 = arith.constant 0 : i32
        %dma_wait3A_121 = tpu.memref_slice %arg7[%dma_wait3A_119, %dma_wait3A_120] : memref<10000x128xf32, #tpu.memory_space<vmem_shared>> -> memref<80x128xf32, #tpu.memory_space<vmem_shared>>
        %dma_wait3A_122 = arith.constant 0 : i32
        %dma_wait3A_123 = arith.constant 0 : i32
        %dma_wait3A_124 = tpu.memref_slice %arg14[%dma_wait3A_122, %dma_wait3A_123] : memref<80x128xf32, #tpu.memory_space<vmem>> -> memref<80x128xf32, #tpu.memory_space<vmem>>
        tpu.wait_dma2 semaphore(%run_scoped3A : memref<!tpu.dma_semaphore, #tpu.memory_space<semaphore_mem>>) src(%dma_wait3A_124 : memref<80x128xf32, #tpu.memory_space<vmem>>) dst(%dma_wait3A_121 : memref<80x128xf32, #tpu.memory_space<vmem_shared>>)
        tpu.yield
      }) : () -> ()
      "tpu.region"() ({
        %run_scoped3A = tpu.sem_alloc : memref<!tpu.dma_semaphore, #tpu.memory_space<semaphore_mem>>
        %dma_start3A_101 = arith.constant 0 : i32
        %dma_start3A_102 = arith.constant 0 : i32
        %dma_start3A_103 = tpu.memref_slice %arg14[%dma_start3A_101, %dma_start3A_102] : memref<80x128xf32, #tpu.memory_space<vmem>> -> memref<80x128xf32, #tpu.memory_space<vmem>>
        %dma_start3A_104 = arith.constant 9920 : i32
        %dma_start3A_105 = arith.constant 0 : i32
        %dma_start3A_106 = tpu.memref_slice %arg7[%dma_start3A_104, %dma_start3A_105] : memref<10000x128xf32, #tpu.memory_space<vmem_shared>> -> memref<80x128xf32, #tpu.memory_space<vmem_shared>>
        %dma_start3A_107 = arith.constant 9920 : i32
        %dma_start3A_108 = arith.constant 0 : i32
        %dma_start3A_109 = tpu.memref_slice %arg7[%dma_start3A_107, %dma_start3A_108] : memref<10000x128xf32, #tpu.memory_space<vmem_shared>> -> memref<80x128xf32, #tpu.memory_space<vmem_shared>>
        %dma_start3A_110 = arith.constant 0 : i32
        %dma_start3A_111 = arith.constant 0 : i32
        %dma_start3A_112 = tpu.memref_slice %arg14[%dma_start3A_110, %dma_start3A_111] : memref<80x128xf32, #tpu.memory_space<vmem>> -> memref<80x128xf32, #tpu.memory_space<vmem>>
        tpu.enqueue_dma source(%dma_start3A_112 : memref<80x128xf32, #tpu.memory_space<vmem>>) target(%dma_start3A_109 : memref<80x128xf32, #tpu.memory_space<vmem_shared>>) target_semaphore(%run_scoped3A : memref<!tpu.dma_semaphore, #tpu.memory_space<semaphore_mem>>)
        %dma_wait3A_113 = arith.constant 0 : i32
        %dma_wait3A_114 = arith.constant 0 : i32
        %dma_wait3A_115 = tpu.memref_slice %arg14[%dma_wait3A_113, %dma_wait3A_114] : memref<80x128xf32, #tpu.memory_space<vmem>> -> memref<80x128xf32, #tpu.memory_space<vmem>>
        %dma_wait3A_116 = arith.constant 9920 : i32
        %dma_wait3A_117 = arith.constant 0 : i32
        %dma_wait3A_118 = tpu.memref_slice %arg7[%dma_wait3A_116, %dma_wait3A_117] : memref<10000x128xf32, #tpu.memory_space<vmem_shared>> -> memref<80x128xf32, #tpu.memory_space<vmem_shared>>
        %dma_wait3A_119 = arith.constant 9920 : i32
        %dma_wait3A_120 = arith.constant 0 : i32
        %dma_wait3A_121 = tpu.memref_slice %arg7[%dma_wait3A_119, %dma_wait3A_120] : memref<10000x128xf32, #tpu.memory_space<vmem_shared>> -> memref<80x128xf32, #tpu.memory_space<vmem_shared>>
        %dma_wait3A_122 = arith.constant 0 : i32
        %dma_wait3A_123 = arith.constant 0 : i32
        %dma_wait3A_124 = tpu.memref_slice %arg14[%dma_wait3A_122, %dma_wait3A_123] : memref<80x128xf32, #tpu.memory_space<vmem>> -> memref<80x128xf32, #tpu.memory_space<vmem>>
        tpu.wait_dma2 semaphore(%run_scoped3A : memref<!tpu.dma_semaphore, #tpu.memory_space<semaphore_mem>>) src(%dma_wait3A_124 : memref<80x128xf32, #tpu.memory_space<vmem>>) dst(%dma_wait3A_121 : memref<80x128xf32, #tpu.memory_space<vmem_shared>>)
        tpu.yield
      }) : () -> ()
    } else {
    }
    %barrier3A = arith.constant 0 : index
    tpu.barrier barrier_id(%barrier3A)
    %mul3A_13 = arith.constant 10000 : i32
    %mul3A_14 = arith.muli %add3A, %mul3A_13 : i32
    %add3A_15 = arith.constant 0 : i32
    %add3A_16 = arith.addi %mul3A_14, %add3A_15 : i32
    "tpu.region"() ({
      %run_scoped3A = tpu.sem_alloc : memref<!tpu.dma_semaphore, #tpu.memory_space<semaphore_mem>>
      %dma_start3A_101 = tpu.memref_slice %arg3[%add3A_16] : memref<320000xi32, #tpu.memory_space<hbm>> -> memref<80xi32, #tpu.memory_space<hbm>>
      %dma_start3A_102 = tpu.memref_slice %arg3[%add3A_16] : memref<320000xi32, #tpu.memory_space<hbm>> -> memref<80xi32, #tpu.memory_space<hbm>>
      tpu.enqueue_dma source(%dma_start3A_102 : memref<80xi32, #tpu.memory_space<hbm>>) target(%arg8 : memref<80xi32, #tpu.memory_space<vmem>>) target_semaphore(%run_scoped3A : memref<!tpu.dma_semaphore, #tpu.memory_space<semaphore_mem>>)
      %dma_wait3A_103 = tpu.memref_slice %arg3[%add3A_16] : memref<320000xi32, #tpu.memory_space<hbm>> -> memref<80xi32, #tpu.memory_space<hbm>>
      %dma_wait3A_104 = tpu.memref_slice %arg3[%add3A_16] : memref<320000xi32, #tpu.memory_space<hbm>> -> memref<80xi32, #tpu.memory_space<hbm>>
      tpu.wait_dma2 semaphore(%run_scoped3A : memref<!tpu.dma_semaphore, #tpu.memory_space<semaphore_mem>>) src(%dma_wait3A_104 : memref<80xi32, #tpu.memory_space<hbm>>) dst(%arg8 : memref<80xi32, #tpu.memory_space<vmem>>)
      tpu.yield
    }) : () -> ()
    "tpu.region"() ({
      %run_scoped3A = tpu.sem_alloc : memref<!tpu.dma_semaphore, #tpu.memory_space<semaphore_mem>>
      %dma_start3A_101 = tpu.memref_slice %arg4[%add3A_16] : memref<320000xi32, #tpu.memory_space<hbm>> -> memref<80xi32, #tpu.memory_space<hbm>>
      %dma_start3A_102 = tpu.memref_slice %arg4[%add3A_16] : memref<320000xi32, #tpu.memory_space<hbm>> -> memref<80xi32, #tpu.memory_space<hbm>>
      tpu.enqueue_dma source(%dma_start3A_102 : memref<80xi32, #tpu.memory_space<hbm>>) target(%arg9 : memref<80xi32, #tpu.memory_space<vmem>>) target_semaphore(%run_scoped3A : memref<!tpu.dma_semaphore, #tpu.memory_space<semaphore_mem>>)
      %dma_wait3A_103 = tpu.memref_slice %arg4[%add3A_16] : memref<320000xi32, #tpu.memory_space<hbm>> -> memref<80xi32, #tpu.memory_space<hbm>>
      %dma_wait3A_104 = tpu.memref_slice %arg4[%add3A_16] : memref<320000xi32, #tpu.memory_space<hbm>> -> memref<80xi32, #tpu.memory_space<hbm>>
      tpu.wait_dma2 semaphore(%run_scoped3A : memref<!tpu.dma_semaphore, #tpu.memory_space<semaphore_mem>>) src(%dma_wait3A_104 : memref<80xi32, #tpu.memory_space<hbm>>) dst(%arg9 : memref<80xi32, #tpu.memory_space<vmem>>)
      tpu.yield
    }) : () -> ()
    %dma_start3A = arith.constant 0 : i32
    %dma_start3A_17 = arith.constant 0 : i32
    %dma_start3A_18 = tpu.memref_slice %arg2[%dma_start3A, %dma_start3A_17] : memref<10000x128xf32, #tpu.memory_space<hbm>> -> memref<10000x128xf32, #tpu.memory_space<hbm>>
    tpu.enqueue_indirect_dma source(%dma_start3A_18 : memref<10000x128xf32, #tpu.memory_space<hbm>>) target(%arg14 : memref<80x128xf32, #tpu.memory_space<vmem>>) offsets(%arg8 : memref<80xi32, #tpu.memory_space<vmem>>) semaphore(%arg17 : memref<!tpu.dma_semaphore, #tpu.memory_space<semaphore_mem>>)
    %add3A_19 = arith.constant 80 : i32
    %add3A_20 = arith.addi %mul3A_14, %add3A_19 : i32
    "tpu.region"() ({
      %run_scoped3A = tpu.sem_alloc : memref<!tpu.dma_semaphore, #tpu.memory_space<semaphore_mem>>
      %dma_start3A_101 = tpu.memref_slice %arg3[%add3A_20] : memref<320000xi32, #tpu.memory_space<hbm>> -> memref<80xi32, #tpu.memory_space<hbm>>
      %dma_start3A_102 = tpu.memref_slice %arg3[%add3A_20] : memref<320000xi32, #tpu.memory_space<hbm>> -> memref<80xi32, #tpu.memory_space<hbm>>
      tpu.enqueue_dma source(%dma_start3A_102 : memref<80xi32, #tpu.memory_space<hbm>>) target(%arg10 : memref<80xi32, #tpu.memory_space<vmem>>) target_semaphore(%run_scoped3A : memref<!tpu.dma_semaphore, #tpu.memory_space<semaphore_mem>>)
      %dma_wait3A_103 = tpu.memref_slice %arg3[%add3A_20] : memref<320000xi32, #tpu.memory_space<hbm>> -> memref<80xi32, #tpu.memory_space<hbm>>
      %dma_wait3A_104 = tpu.memref_slice %arg3[%add3A_20] : memref<320000xi32, #tpu.memory_space<hbm>> -> memref<80xi32, #tpu.memory_space<hbm>>
      tpu.wait_dma2 semaphore(%run_scoped3A : memref<!tpu.dma_semaphore, #tpu.memory_space<semaphore_mem>>) src(%dma_wait3A_104 : memref<80xi32, #tpu.memory_space<hbm>>) dst(%arg10 : memref<80xi32, #tpu.memory_space<vmem>>)
      tpu.yield
    }) : () -> ()
    "tpu.region"() ({
      %run_scoped3A = tpu.sem_alloc : memref<!tpu.dma_semaphore, #tpu.memory_space<semaphore_mem>>
      %dma_start3A_101 = tpu.memref_slice %arg4[%add3A_20] : memref<320000xi32, #tpu.memory_space<hbm>> -> memref<80xi32, #tpu.memory_space<hbm>>
      %dma_start3A_102 = tpu.memref_slice %arg4[%add3A_20] : memref<320000xi32, #tpu.memory_space<hbm>> -> memref<80xi32, #tpu.memory_space<hbm>>
      tpu.enqueue_dma source(%dma_start3A_102 : memref<80xi32, #tpu.memory_space<hbm>>) target(%arg11 : memref<80xi32, #tpu.memory_space<vmem>>) target_semaphore(%run_scoped3A : memref<!tpu.dma_semaphore, #tpu.memory_space<semaphore_mem>>)
      %dma_wait3A_103 = tpu.memref_slice %arg4[%add3A_20] : memref<320000xi32, #tpu.memory_space<hbm>> -> memref<80xi32, #tpu.memory_space<hbm>>
      %dma_wait3A_104 = tpu.memref_slice %arg4[%add3A_20] : memref<320000xi32, #tpu.memory_space<hbm>> -> memref<80xi32, #tpu.memory_space<hbm>>
      tpu.wait_dma2 semaphore(%run_scoped3A : memref<!tpu.dma_semaphore, #tpu.memory_space<semaphore_mem>>) src(%dma_wait3A_104 : memref<80xi32, #tpu.memory_space<hbm>>) dst(%arg11 : memref<80xi32, #tpu.memory_space<vmem>>)
      tpu.yield
    }) : () -> ()
    %dma_start3A_21 = arith.constant 0 : i32
    %dma_start3A_22 = arith.constant 0 : i32
    %dma_start3A_23 = tpu.memref_slice %arg2[%dma_start3A_21, %dma_start3A_22] : memref<10000x128xf32, #tpu.memory_space<hbm>> -> memref<10000x128xf32, #tpu.memory_space<hbm>>
    tpu.enqueue_indirect_dma source(%dma_start3A_23 : memref<10000x128xf32, #tpu.memory_space<hbm>>) target(%arg15 : memref<80x128xf32, #tpu.memory_space<vmem>>) offsets(%arg10 : memref<80xi32, #tpu.memory_space<vmem>>) semaphore(%arg18 : memref<!tpu.dma_semaphore, #tpu.memory_space<semaphore_mem>>)
    %add3A_24 = arith.constant 160 : i32
    %add3A_25 = arith.addi %mul3A_14, %add3A_24 : i32
    "tpu.region"() ({
      %run_scoped3A = tpu.sem_alloc : memref<!tpu.dma_semaphore, #tpu.memory_space<semaphore_mem>>
      %dma_start3A_101 = tpu.memref_slice %arg3[%add3A_25] : memref<320000xi32, #tpu.memory_space<hbm>> -> memref<80xi32, #tpu.memory_space<hbm>>
      %dma_start3A_102 = tpu.memref_slice %arg3[%add3A_25] : memref<320000xi32, #tpu.memory_space<hbm>> -> memref<80xi32, #tpu.memory_space<hbm>>
      tpu.enqueue_dma source(%dma_start3A_102 : memref<80xi32, #tpu.memory_space<hbm>>) target(%arg12 : memref<80xi32, #tpu.memory_space<vmem>>) target_semaphore(%run_scoped3A : memref<!tpu.dma_semaphore, #tpu.memory_space<semaphore_mem>>)
      %dma_wait3A_103 = tpu.memref_slice %arg3[%add3A_25] : memref<320000xi32, #tpu.memory_space<hbm>> -> memref<80xi32, #tpu.memory_space<hbm>>
      %dma_wait3A_104 = tpu.memref_slice %arg3[%add3A_25] : memref<320000xi32, #tpu.memory_space<hbm>> -> memref<80xi32, #tpu.memory_space<hbm>>
      tpu.wait_dma2 semaphore(%run_scoped3A : memref<!tpu.dma_semaphore, #tpu.memory_space<semaphore_mem>>) src(%dma_wait3A_104 : memref<80xi32, #tpu.memory_space<hbm>>) dst(%arg12 : memref<80xi32, #tpu.memory_space<vmem>>)
      tpu.yield
    }) : () -> ()
    "tpu.region"() ({
      %run_scoped3A = tpu.sem_alloc : memref<!tpu.dma_semaphore, #tpu.memory_space<semaphore_mem>>
      %dma_start3A_101 = tpu.memref_slice %arg4[%add3A_25] : memref<320000xi32, #tpu.memory_space<hbm>> -> memref<80xi32, #tpu.memory_space<hbm>>
      %dma_start3A_102 = tpu.memref_slice %arg4[%add3A_25] : memref<320000xi32, #tpu.memory_space<hbm>> -> memref<80xi32, #tpu.memory_space<hbm>>
      tpu.enqueue_dma source(%dma_start3A_102 : memref<80xi32, #tpu.memory_space<hbm>>) target(%arg13 : memref<80xi32, #tpu.memory_space<vmem>>) target_semaphore(%run_scoped3A : memref<!tpu.dma_semaphore, #tpu.memory_space<semaphore_mem>>)
      %dma_wait3A_103 = tpu.memref_slice %arg4[%add3A_25] : memref<320000xi32, #tpu.memory_space<hbm>> -> memref<80xi32, #tpu.memory_space<hbm>>
      %dma_wait3A_104 = tpu.memref_slice %arg4[%add3A_25] : memref<320000xi32, #tpu.memory_space<hbm>> -> memref<80xi32, #tpu.memory_space<hbm>>
      tpu.wait_dma2 semaphore(%run_scoped3A : memref<!tpu.dma_semaphore, #tpu.memory_space<semaphore_mem>>) src(%dma_wait3A_104 : memref<80xi32, #tpu.memory_space<hbm>>) dst(%arg13 : memref<80xi32, #tpu.memory_space<vmem>>)
      tpu.yield
    }) : () -> ()
    %dma_start3A_26 = arith.constant 0 : i32
    %dma_start3A_27 = arith.constant 0 : i32
    %dma_start3A_28 = tpu.memref_slice %arg2[%dma_start3A_26, %dma_start3A_27] : memref<10000x128xf32, #tpu.memory_space<hbm>> -> memref<10000x128xf32, #tpu.memory_space<hbm>>
    tpu.enqueue_indirect_dma source(%dma_start3A_28 : memref<10000x128xf32, #tpu.memory_space<hbm>>) target(%arg16 : memref<80x128xf32, #tpu.memory_space<vmem>>) offsets(%arg12 : memref<80xi32, #tpu.memory_space<vmem>>) semaphore(%arg19 : memref<!tpu.dma_semaphore, #tpu.memory_space<semaphore_mem>>)
    %dma_wait3A = arith.constant 0 : i32
    %dma_wait3A_29 = arith.constant 0 : i32
    %dma_wait3A_30 = tpu.memref_slice %arg2[%dma_wait3A, %dma_wait3A_29] : memref<10000x128xf32, #tpu.memory_space<hbm>> -> memref<10000x128xf32, #tpu.memory_space<hbm>>
    tpu.wait_indirect_dma semaphore(%arg17 : memref<!tpu.dma_semaphore, #tpu.memory_space<semaphore_mem>>) src(%dma_wait3A_30 : memref<10000x128xf32, #tpu.memory_space<hbm>>) dst(%arg14 : memref<80x128xf32, #tpu.memory_space<vmem>>)
    %dma_start3A_31 = arith.constant 0 : i32
    %dma_start3A_32 = arith.constant 0 : i32
    %dma_start3A_33 = tpu.memref_slice %arg7[%dma_start3A_31, %dma_start3A_32] : memref<10000x128xf32, #tpu.memory_space<vmem_shared>> -> memref<10000x128xf32, #tpu.memory_space<vmem_shared>>
    tpu.enqueue_indirect_dma source(%arg14 : memref<80x128xf32, #tpu.memory_space<vmem>>) target(%dma_start3A_33 : memref<10000x128xf32, #tpu.memory_space<vmem_shared>>) offsets(%arg9 : memref<80xi32, #tpu.memory_space<vmem>>) semaphore(%arg20 : memref<!tpu.dma_semaphore, #tpu.memory_space<semaphore_mem>>) {add = true}
    %dma_wait3A_34 = arith.constant 0 : i32
    %dma_wait3A_35 = arith.constant 0 : i32
    %dma_wait3A_36 = tpu.memref_slice %arg7[%dma_wait3A_34, %dma_wait3A_35] : memref<10000x128xf32, #tpu.memory_space<vmem_shared>> -> memref<10000x128xf32, #tpu.memory_space<vmem_shared>>
    tpu.wait_indirect_dma semaphore(%arg20 : memref<!tpu.dma_semaphore, #tpu.memory_space<semaphore_mem>>) src(%arg14 : memref<80x128xf32, #tpu.memory_space<vmem>>) dst(%dma_wait3A_36 : memref<10000x128xf32, #tpu.memory_space<vmem_shared>>)
    %add3A_37 = arith.constant 240 : i32
    %add3A_38 = arith.addi %mul3A_14, %add3A_37 : i32
    "tpu.region"() ({
      %run_scoped3A = tpu.sem_alloc : memref<!tpu.dma_semaphore, #tpu.memory_space<semaphore_mem>>
      %dma_start3A_101 = tpu.memref_slice %arg3[%add3A_38] : memref<320000xi32, #tpu.memory_space<hbm>> -> memref<80xi32, #tpu.memory_space<hbm>>
      %dma_start3A_102 = tpu.memref_slice %arg3[%add3A_38] : memref<320000xi32, #tpu.memory_space<hbm>> -> memref<80xi32, #tpu.memory_space<hbm>>
      tpu.enqueue_dma source(%dma_start3A_102 : memref<80xi32, #tpu.memory_space<hbm>>) target(%arg8 : memref<80xi32, #tpu.memory_space<vmem>>) target_semaphore(%run_scoped3A : memref<!tpu.dma_semaphore, #tpu.memory_space<semaphore_mem>>)
      %dma_wait3A_103 = tpu.memref_slice %arg3[%add3A_38] : memref<320000xi32, #tpu.memory_space<hbm>> -> memref<80xi32, #tpu.memory_space<hbm>>
      %dma_wait3A_104 = tpu.memref_slice %arg3[%add3A_38] : memref<320000xi32, #tpu.memory_space<hbm>> -> memref<80xi32, #tpu.memory_space<hbm>>
      tpu.wait_dma2 semaphore(%run_scoped3A : memref<!tpu.dma_semaphore, #tpu.memory_space<semaphore_mem>>) src(%dma_wait3A_104 : memref<80xi32, #tpu.memory_space<hbm>>) dst(%arg8 : memref<80xi32, #tpu.memory_space<vmem>>)
      tpu.yield
    }) : () -> ()
    "tpu.region"() ({
      %run_scoped3A = tpu.sem_alloc : memref<!tpu.dma_semaphore, #tpu.memory_space<semaphore_mem>>
      %dma_start3A_101 = tpu.memref_slice %arg4[%add3A_38] : memref<320000xi32, #tpu.memory_space<hbm>> -> memref<80xi32, #tpu.memory_space<hbm>>
      %dma_start3A_102 = tpu.memref_slice %arg4[%add3A_38] : memref<320000xi32, #tpu.memory_space<hbm>> -> memref<80xi32, #tpu.memory_space<hbm>>
      tpu.enqueue_dma source(%dma_start3A_102 : memref<80xi32, #tpu.memory_space<hbm>>) target(%arg9 : memref<80xi32, #tpu.memory_space<vmem>>) target_semaphore(%run_scoped3A : memref<!tpu.dma_semaphore, #tpu.memory_space<semaphore_mem>>)
      %dma_wait3A_103 = tpu.memref_slice %arg4[%add3A_38] : memref<320000xi32, #tpu.memory_space<hbm>> -> memref<80xi32, #tpu.memory_space<hbm>>
      %dma_wait3A_104 = tpu.memref_slice %arg4[%add3A_38] : memref<320000xi32, #tpu.memory_space<hbm>> -> memref<80xi32, #tpu.memory_space<hbm>>
      tpu.wait_dma2 semaphore(%run_scoped3A : memref<!tpu.dma_semaphore, #tpu.memory_space<semaphore_mem>>) src(%dma_wait3A_104 : memref<80xi32, #tpu.memory_space<hbm>>) dst(%arg9 : memref<80xi32, #tpu.memory_space<vmem>>)
      tpu.yield
    }) : () -> ()
    %dma_start3A_39 = arith.constant 0 : i32
    %dma_start3A_40 = arith.constant 0 : i32
    %dma_start3A_41 = tpu.memref_slice %arg2[%dma_start3A_39, %dma_start3A_40] : memref<10000x128xf32, #tpu.memory_space<hbm>> -> memref<10000x128xf32, #tpu.memory_space<hbm>>
    tpu.enqueue_indirect_dma source(%dma_start3A_41 : memref<10000x128xf32, #tpu.memory_space<hbm>>) target(%arg14 : memref<80x128xf32, #tpu.memory_space<vmem>>) offsets(%arg8 : memref<80xi32, #tpu.memory_space<vmem>>) semaphore(%arg17 : memref<!tpu.dma_semaphore, #tpu.memory_space<semaphore_mem>>)
    %dma_wait3A_42 = arith.constant 0 : i32
    %dma_wait3A_43 = arith.constant 0 : i32
    %dma_wait3A_44 = tpu.memref_slice %arg2[%dma_wait3A_42, %dma_wait3A_43] : memref<10000x128xf32, #tpu.memory_space<hbm>> -> memref<10000x128xf32, #tpu.memory_space<hbm>>
    tpu.wait_indirect_dma semaphore(%arg18 : memref<!tpu.dma_semaphore, #tpu.memory_space<semaphore_mem>>) src(%dma_wait3A_44 : memref<10000x128xf32, #tpu.memory_space<hbm>>) dst(%arg15 : memref<80x128xf32, #tpu.memory_space<vmem>>)
    %dma_start3A_45 = arith.constant 0 : i32
    %dma_start3A_46 = arith.constant 0 : i32
    %dma_start3A_47 = tpu.memref_slice %arg7[%dma_start3A_45, %dma_start3A_46] : memref<10000x128xf32, #tpu.memory_space<vmem_shared>> -> memref<10000x128xf32, #tpu.memory_space<vmem_shared>>
    tpu.enqueue_indirect_dma source(%arg15 : memref<80x128xf32, #tpu.memory_space<vmem>>) target(%dma_start3A_47 : memref<10000x128xf32, #tpu.memory_space<vmem_shared>>) offsets(%arg11 : memref<80xi32, #tpu.memory_space<vmem>>) semaphore(%arg21 : memref<!tpu.dma_semaphore, #tpu.memory_space<semaphore_mem>>) {add = true}
    %dma_wait3A_48 = arith.constant 0 : i32
    %dma_wait3A_49 = arith.constant 0 : i32
    %dma_wait3A_50 = tpu.memref_slice %arg7[%dma_wait3A_48, %dma_wait3A_49] : memref<10000x128xf32, #tpu.memory_space<vmem_shared>> -> memref<10000x128xf32, #tpu.memory_space<vmem_shared>>
    tpu.wait_indirect_dma semaphore(%arg21 : memref<!tpu.dma_semaphore, #tpu.memory_space<semaphore_mem>>) src(%arg15 : memref<80x128xf32, #tpu.memory_space<vmem>>) dst(%dma_wait3A_50 : memref<10000x128xf32, #tpu.memory_space<vmem_shared>>)
    %add3A_51 = arith.constant 320 : i32
    %add3A_52 = arith.addi %mul3A_14, %add3A_51 : i32
    "tpu.region"() ({
      %run_scoped3A = tpu.sem_alloc : memref<!tpu.dma_semaphore, #tpu.memory_space<semaphore_mem>>
      %dma_start3A_101 = tpu.memref_slice %arg3[%add3A_52] : memref<320000xi32, #tpu.memory_space<hbm>> -> memref<80xi32, #tpu.memory_space<hbm>>
      %dma_start3A_102 = tpu.memref_slice %arg3[%add3A_52] : memref<320000xi32, #tpu.memory_space<hbm>> -> memref<80xi32, #tpu.memory_space<hbm>>
      tpu.enqueue_dma source(%dma_start3A_102 : memref<80xi32, #tpu.memory_space<hbm>>) target(%arg10 : memref<80xi32, #tpu.memory_space<vmem>>) target_semaphore(%run_scoped3A : memref<!tpu.dma_semaphore, #tpu.memory_space<semaphore_mem>>)
      %dma_wait3A_103 = tpu.memref_slice %arg3[%add3A_52] : memref<320000xi32, #tpu.memory_space<hbm>> -> memref<80xi32, #tpu.memory_space<hbm>>
      %dma_wait3A_104 = tpu.memref_slice %arg3[%add3A_52] : memref<320000xi32, #tpu.memory_space<hbm>> -> memref<80xi32, #tpu.memory_space<hbm>>
      tpu.wait_dma2 semaphore(%run_scoped3A : memref<!tpu.dma_semaphore, #tpu.memory_space<semaphore_mem>>) src(%dma_wait3A_104 : memref<80xi32, #tpu.memory_space<hbm>>) dst(%arg10 : memref<80xi32, #tpu.memory_space<vmem>>)
      tpu.yield
    }) : () -> ()
    "tpu.region"() ({
      %run_scoped3A = tpu.sem_alloc : memref<!tpu.dma_semaphore, #tpu.memory_space<semaphore_mem>>
      %dma_start3A_101 = tpu.memref_slice %arg4[%add3A_52] : memref<320000xi32, #tpu.memory_space<hbm>> -> memref<80xi32, #tpu.memory_space<hbm>>
      %dma_start3A_102 = tpu.memref_slice %arg4[%add3A_52] : memref<320000xi32, #tpu.memory_space<hbm>> -> memref<80xi32, #tpu.memory_space<hbm>>
      tpu.enqueue_dma source(%dma_start3A_102 : memref<80xi32, #tpu.memory_space<hbm>>) target(%arg11 : memref<80xi32, #tpu.memory_space<vmem>>) target_semaphore(%run_scoped3A : memref<!tpu.dma_semaphore, #tpu.memory_space<semaphore_mem>>)
      %dma_wait3A_103 = tpu.memref_slice %arg4[%add3A_52] : memref<320000xi32, #tpu.memory_space<hbm>> -> memref<80xi32, #tpu.memory_space<hbm>>
      %dma_wait3A_104 = tpu.memref_slice %arg4[%add3A_52] : memref<320000xi32, #tpu.memory_space<hbm>> -> memref<80xi32, #tpu.memory_space<hbm>>
      tpu.wait_dma2 semaphore(%run_scoped3A : memref<!tpu.dma_semaphore, #tpu.memory_space<semaphore_mem>>) src(%dma_wait3A_104 : memref<80xi32, #tpu.memory_space<hbm>>) dst(%arg11 : memref<80xi32, #tpu.memory_space<vmem>>)
      tpu.yield
    }) : () -> ()
    %dma_start3A_53 = arith.constant 0 : i32
    %dma_start3A_54 = arith.constant 0 : i32
    %dma_start3A_55 = tpu.memref_slice %arg2[%dma_start3A_53, %dma_start3A_54] : memref<10000x128xf32, #tpu.memory_space<hbm>> -> memref<10000x128xf32, #tpu.memory_space<hbm>>
    tpu.enqueue_indirect_dma source(%dma_start3A_55 : memref<10000x128xf32, #tpu.memory_space<hbm>>) target(%arg15 : memref<80x128xf32, #tpu.memory_space<vmem>>) offsets(%arg10 : memref<80xi32, #tpu.memory_space<vmem>>) semaphore(%arg18 : memref<!tpu.dma_semaphore, #tpu.memory_space<semaphore_mem>>)
    %dma_wait3A_56 = arith.constant 0 : i32
    %dma_wait3A_57 = arith.constant 0 : i32
    %dma_wait3A_58 = tpu.memref_slice %arg2[%dma_wait3A_56, %dma_wait3A_57] : memref<10000x128xf32, #tpu.memory_space<hbm>> -> memref<10000x128xf32, #tpu.memory_space<hbm>>
    tpu.wait_indirect_dma semaphore(%arg19 : memref<!tpu.dma_semaphore, #tpu.memory_space<semaphore_mem>>) src(%dma_wait3A_58 : memref<10000x128xf32, #tpu.memory_space<hbm>>) dst(%arg16 : memref<80x128xf32, #tpu.memory_space<vmem>>)
    %dma_start3A_59 = arith.constant 0 : i32
    %dma_start3A_60 = arith.constant 0 : i32
    %dma_start3A_61 = tpu.memref_slice %arg7[%dma_start3A_59, %dma_start3A_60] : memref<10000x128xf32, #tpu.memory_space<vmem_shared>> -> memref<10000x128xf32, #tpu.memory_space<vmem_shared>>
    tpu.enqueue_indirect_dma source(%arg16 : memref<80x128xf32, #tpu.memory_space<vmem>>) target(%dma_start3A_61 : memref<10000x128xf32, #tpu.memory_space<vmem_shared>>) offsets(%arg13 : memref<80xi32, #tpu.memory_space<vmem>>) semaphore(%arg22 : memref<!tpu.dma_semaphore, #tpu.memory_space<semaphore_mem>>) {add = true}
    %scan3A_62 = arith.constant 0 : i32
    %scan3A_63 = arith.constant 1 : i32
    %scan3A_64 = arith.constant 40 : i32
    %scan3A_65 = arith.addi %scan3A_63, %scan3A_64 : i32
    %scan3A_66 = arith.constant 1 : i32
    %scan3A_67 = scf.for %scan3A_101 = %scan3A_63 to %scan3A_65 step %scan3A_66 iter_args(%scan3A_102 = %scan3A_62) -> (i32)  : i32 {
      %mul3A_103 = arith.constant 3 : i32
      %mul3A_104 = arith.muli %scan3A_101, %mul3A_103 : i32
      %add3A_105 = arith.constant 0 : i32
      %add3A_106 = arith.addi %mul3A_104, %add3A_105 : i32
      %dma_wait3A_107 = arith.constant 0 : i32
      %dma_wait3A_108 = arith.constant 0 : i32
      %dma_wait3A_109 = tpu.memref_slice %arg7[%dma_wait3A_107, %dma_wait3A_108] : memref<10000x128xf32, #tpu.memory_space<vmem_shared>> -> memref<10000x128xf32, #tpu.memory_space<vmem_shared>>
      tpu.wait_indirect_dma semaphore(%arg22 : memref<!tpu.dma_semaphore, #tpu.memory_space<semaphore_mem>>) src(%arg16 : memref<80x128xf32, #tpu.memory_space<vmem>>) dst(%dma_wait3A_109 : memref<10000x128xf32, #tpu.memory_space<vmem_shared>>)
      %add3A_110 = arith.constant 2 : i32
      %add3A_111 = arith.addi %add3A_106, %add3A_110 : i32
      %mul3A_112 = arith.constant 80 : i32
      %mul3A_113 = arith.muli %add3A_111, %mul3A_112 : i32
      %add3A_114 = arith.addi %mul3A_14, %mul3A_113 : i32
      "tpu.region"() ({
        %run_scoped3A = tpu.sem_alloc : memref<!tpu.dma_semaphore, #tpu.memory_space<semaphore_mem>>
        %dma_start3A_163 = tpu.memref_slice %arg3[%add3A_114] : memref<320000xi32, #tpu.memory_space<hbm>> -> memref<80xi32, #tpu.memory_space<hbm>>
        %dma_start3A_164 = tpu.memref_slice %arg3[%add3A_114] : memref<320000xi32, #tpu.memory_space<hbm>> -> memref<80xi32, #tpu.memory_space<hbm>>
        tpu.enqueue_dma source(%dma_start3A_164 : memref<80xi32, #tpu.memory_space<hbm>>) target(%arg12 : memref<80xi32, #tpu.memory_space<vmem>>) target_semaphore(%run_scoped3A : memref<!tpu.dma_semaphore, #tpu.memory_space<semaphore_mem>>)
        %dma_wait3A_165 = tpu.memref_slice %arg3[%add3A_114] : memref<320000xi32, #tpu.memory_space<hbm>> -> memref<80xi32, #tpu.memory_space<hbm>>
        %dma_wait3A_166 = tpu.memref_slice %arg3[%add3A_114] : memref<320000xi32, #tpu.memory_space<hbm>> -> memref<80xi32, #tpu.memory_space<hbm>>
        tpu.wait_dma2 semaphore(%run_scoped3A : memref<!tpu.dma_semaphore, #tpu.memory_space<semaphore_mem>>) src(%dma_wait3A_166 : memref<80xi32, #tpu.memory_space<hbm>>) dst(%arg12 : memref<80xi32, #tpu.memory_space<vmem>>)
        tpu.yield
      }) : () -> ()
      "tpu.region"() ({
        %run_scoped3A = tpu.sem_alloc : memref<!tpu.dma_semaphore, #tpu.memory_space<semaphore_mem>>
        %dma_start3A_163 = tpu.memref_slice %arg4[%add3A_114] : memref<320000xi32, #tpu.memory_space<hbm>> -> memref<80xi32, #tpu.memory_space<hbm>>
        %dma_start3A_164 = tpu.memref_slice %arg4[%add3A_114] : memref<320000xi32, #tpu.memory_space<hbm>> -> memref<80xi32, #tpu.memory_space<hbm>>
        tpu.enqueue_dma source(%dma_start3A_164 : memref<80xi32, #tpu.memory_space<hbm>>) target(%arg13 : memref<80xi32, #tpu.memory_space<vmem>>) target_semaphore(%run_scoped3A : memref<!tpu.dma_semaphore, #tpu.memory_space<semaphore_mem>>)
        %dma_wait3A_165 = tpu.memref_slice %arg4[%add3A_114] : memref<320000xi32, #tpu.memory_space<hbm>> -> memref<80xi32, #tpu.memory_space<hbm>>
        %dma_wait3A_166 = tpu.memref_slice %arg4[%add3A_114] : memref<320000xi32, #tpu.memory_space<hbm>> -> memref<80xi32, #tpu.memory_space<hbm>>
        tpu.wait_dma2 semaphore(%run_scoped3A : memref<!tpu.dma_semaphore, #tpu.memory_space<semaphore_mem>>) src(%dma_wait3A_166 : memref<80xi32, #tpu.memory_space<hbm>>) dst(%arg13 : memref<80xi32, #tpu.memory_space<vmem>>)
        tpu.yield
      }) : () -> ()
      %dma_start3A_115 = arith.constant 0 : i32
      %dma_start3A_116 = arith.constant 0 : i32
      %dma_start3A_117 = tpu.memref_slice %arg2[%dma_start3A_115, %dma_start3A_116] : memref<10000x128xf32, #tpu.memory_space<hbm>> -> memref<10000x128xf32, #tpu.memory_space<hbm>>
      tpu.enqueue_indirect_dma source(%dma_start3A_117 : memref<10000x128xf32, #tpu.memory_space<hbm>>) target(%arg16 : memref<80x128xf32, #tpu.memory_space<vmem>>) offsets(%arg12 : memref<80xi32, #tpu.memory_space<vmem>>) semaphore(%arg19 : memref<!tpu.dma_semaphore, #tpu.memory_space<semaphore_mem>>)
      %dma_wait3A_118 = arith.constant 0 : i32
      %dma_wait3A_119 = arith.constant 0 : i32
      %dma_wait3A_120 = tpu.memref_slice %arg2[%dma_wait3A_118, %dma_wait3A_119] : memref<10000x128xf32, #tpu.memory_space<hbm>> -> memref<10000x128xf32, #tpu.memory_space<hbm>>
      tpu.wait_indirect_dma semaphore(%arg17 : memref<!tpu.dma_semaphore, #tpu.memory_space<semaphore_mem>>) src(%dma_wait3A_120 : memref<10000x128xf32, #tpu.memory_space<hbm>>) dst(%arg14 : memref<80x128xf32, #tpu.memory_space<vmem>>)
      %dma_start3A_121 = arith.constant 0 : i32
      %dma_start3A_122 = arith.constant 0 : i32
      %dma_start3A_123 = tpu.memref_slice %arg7[%dma_start3A_121, %dma_start3A_122] : memref<10000x128xf32, #tpu.memory_space<vmem_shared>> -> memref<10000x128xf32, #tpu.memory_space<vmem_shared>>
      tpu.enqueue_indirect_dma source(%arg14 : memref<80x128xf32, #tpu.memory_space<vmem>>) target(%dma_start3A_123 : memref<10000x128xf32, #tpu.memory_space<vmem_shared>>) offsets(%arg9 : memref<80xi32, #tpu.memory_space<vmem>>) semaphore(%arg20 : memref<!tpu.dma_semaphore, #tpu.memory_space<semaphore_mem>>) {add = true}
      %add3A_124 = arith.constant 1 : i32
      %add3A_125 = arith.addi %mul3A_104, %add3A_124 : i32
      %dma_wait3A_126 = arith.constant 0 : i32
      %dma_wait3A_127 = arith.constant 0 : i32
      %dma_wait3A_128 = tpu.memref_slice %arg7[%dma_wait3A_126, %dma_wait3A_127] : memref<10000x128xf32, #tpu.memory_space<vmem_shared>> -> memref<10000x128xf32, #tpu.memory_space<vmem_shared>>
      tpu.wait_indirect_dma semaphore(%arg20 : memref<!tpu.dma_semaphore, #tpu.memory_space<semaphore_mem>>) src(%arg14 : memref<80x128xf32, #tpu.memory_space<vmem>>) dst(%dma_wait3A_128 : memref<10000x128xf32, #tpu.memory_space<vmem_shared>>)
      %add3A_129 = arith.constant 2 : i32
      %add3A_130 = arith.addi %add3A_125, %add3A_129 : i32
      %mul3A_131 = arith.constant 80 : i32
      %mul3A_132 = arith.muli %add3A_130, %mul3A_131 : i32
      %add3A_133 = arith.addi %mul3A_14, %mul3A_132 : i32
      "tpu.region"() ({
        %run_scoped3A = tpu.sem_alloc : memref<!tpu.dma_semaphore, #tpu.memory_space<semaphore_mem>>
        %dma_start3A_163 = tpu.memref_slice %arg3[%add3A_133] : memref<320000xi32, #tpu.memory_space<hbm>> -> memref<80xi32, #tpu.memory_space<hbm>>
        %dma_start3A_164 = tpu.memref_slice %arg3[%add3A_133] : memref<320000xi32, #tpu.memory_space<hbm>> -> memref<80xi32, #tpu.memory_space<hbm>>
        tpu.enqueue_dma source(%dma_start3A_164 : memref<80xi32, #tpu.memory_space<hbm>>) target(%arg8 : memref<80xi32, #tpu.memory_space<vmem>>) target_semaphore(%run_scoped3A : memref<!tpu.dma_semaphore, #tpu.memory_space<semaphore_mem>>)
        %dma_wait3A_165 = tpu.memref_slice %arg3[%add3A_133] : memref<320000xi32, #tpu.memory_space<hbm>> -> memref<80xi32, #tpu.memory_space<hbm>>
        %dma_wait3A_166 = tpu.memref_slice %arg3[%add3A_133] : memref<320000xi32, #tpu.memory_space<hbm>> -> memref<80xi32, #tpu.memory_space<hbm>>
        tpu.wait_dma2 semaphore(%run_scoped3A : memref<!tpu.dma_semaphore, #tpu.memory_space<semaphore_mem>>) src(%dma_wait3A_166 : memref<80xi32, #tpu.memory_space<hbm>>) dst(%arg8 : memref<80xi32, #tpu.memory_space<vmem>>)
        tpu.yield
      }) : () -> ()
      "tpu.region"() ({
        %run_scoped3A = tpu.sem_alloc : memref<!tpu.dma_semaphore, #tpu.memory_space<semaphore_mem>>
        %dma_start3A_163 = tpu.memref_slice %arg4[%add3A_133] : memref<320000xi32, #tpu.memory_space<hbm>> -> memref<80xi32, #tpu.memory_space<hbm>>
        %dma_start3A_164 = tpu.memref_slice %arg4[%add3A_133] : memref<320000xi32, #tpu.memory_space<hbm>> -> memref<80xi32, #tpu.memory_space<hbm>>
        tpu.enqueue_dma source(%dma_start3A_164 : memref<80xi32, #tpu.memory_space<hbm>>) target(%arg9 : memref<80xi32, #tpu.memory_space<vmem>>) target_semaphore(%run_scoped3A : memref<!tpu.dma_semaphore, #tpu.memory_space<semaphore_mem>>)
        %dma_wait3A_165 = tpu.memref_slice %arg4[%add3A_133] : memref<320000xi32, #tpu.memory_space<hbm>> -> memref<80xi32, #tpu.memory_space<hbm>>
        %dma_wait3A_166 = tpu.memref_slice %arg4[%add3A_133] : memref<320000xi32, #tpu.memory_space<hbm>> -> memref<80xi32, #tpu.memory_space<hbm>>
        tpu.wait_dma2 semaphore(%run_scoped3A : memref<!tpu.dma_semaphore, #tpu.memory_space<semaphore_mem>>) src(%dma_wait3A_166 : memref<80xi32, #tpu.memory_space<hbm>>) dst(%arg9 : memref<80xi32, #tpu.memory_space<vmem>>)
        tpu.yield
      }) : () -> ()
      %dma_start3A_134 = arith.constant 0 : i32
      %dma_start3A_135 = arith.constant 0 : i32
      %dma_start3A_136 = tpu.memref_slice %arg2[%dma_start3A_134, %dma_start3A_135] : memref<10000x128xf32, #tpu.memory_space<hbm>> -> memref<10000x128xf32, #tpu.memory_space<hbm>>
      tpu.enqueue_indirect_dma source(%dma_start3A_136 : memref<10000x128xf32, #tpu.memory_space<hbm>>) target(%arg14 : memref<80x128xf32, #tpu.memory_space<vmem>>) offsets(%arg8 : memref<80xi32, #tpu.memory_space<vmem>>) semaphore(%arg17 : memref<!tpu.dma_semaphore, #tpu.memory_space<semaphore_mem>>)
      %dma_wait3A_137 = arith.constant 0 : i32
      %dma_wait3A_138 = arith.constant 0 : i32
      %dma_wait3A_139 = tpu.memref_slice %arg2[%dma_wait3A_137, %dma_wait3A_138] : memref<10000x128xf32, #tpu.memory_space<hbm>> -> memref<10000x128xf32, #tpu.memory_space<hbm>>
      tpu.wait_indirect_dma semaphore(%arg18 : memref<!tpu.dma_semaphore, #tpu.memory_space<semaphore_mem>>) src(%dma_wait3A_139 : memref<10000x128xf32, #tpu.memory_space<hbm>>) dst(%arg15 : memref<80x128xf32, #tpu.memory_space<vmem>>)
      %dma_start3A_140 = arith.constant 0 : i32
      %dma_start3A_141 = arith.constant 0 : i32
      %dma_start3A_142 = tpu.memref_slice %arg7[%dma_start3A_140, %dma_start3A_141] : memref<10000x128xf32, #tpu.memory_space<vmem_shared>> -> memref<10000x128xf32, #tpu.memory_space<vmem_shared>>
      tpu.enqueue_indirect_dma source(%arg15 : memref<80x128xf32, #tpu.memory_space<vmem>>) target(%dma_start3A_142 : memref<10000x128xf32, #tpu.memory_space<vmem_shared>>) offsets(%arg11 : memref<80xi32, #tpu.memory_space<vmem>>) semaphore(%arg21 : memref<!tpu.dma_semaphore, #tpu.memory_space<semaphore_mem>>) {add = true}
      %add3A_143 = arith.constant 2 : i32
      %add3A_144 = arith.addi %mul3A_104, %add3A_143 : i32
      %dma_wait3A_145 = arith.constant 0 : i32
      %dma_wait3A_146 = arith.constant 0 : i32
      %dma_wait3A_147 = tpu.memref_slice %arg7[%dma_wait3A_145, %dma_wait3A_146] : memref<10000x128xf32, #tpu.memory_space<vmem_shared>> -> memref<10000x128xf32, #tpu.memory_space<vmem_shared>>
      tpu.wait_indirect_dma semaphore(%arg21 : memref<!tpu.dma_semaphore, #tpu.memory_space<semaphore_mem>>) src(%arg15 : memref<80x128xf32, #tpu.memory_space<vmem>>) dst(%dma_wait3A_147 : memref<10000x128xf32, #tpu.memory_space<vmem_shared>>)
      %add3A_148 = arith.constant 2 : i32
      %add3A_149 = arith.addi %add3A_144, %add3A_148 : i32
      %mul3A_150 = arith.constant 80 : i32
      %mul3A_151 = arith.muli %add3A_149, %mul3A_150 : i32
      %add3A_152 = arith.addi %mul3A_14, %mul3A_151 : i32
      "tpu.region"() ({
        %run_scoped3A = tpu.sem_alloc : memref<!tpu.dma_semaphore, #tpu.memory_space<semaphore_mem>>
        %dma_start3A_163 = tpu.memref_slice %arg3[%add3A_152] : memref<320000xi32, #tpu.memory_space<hbm>> -> memref<80xi32, #tpu.memory_space<hbm>>
        %dma_start3A_164 = tpu.memref_slice %arg3[%add3A_152] : memref<320000xi32, #tpu.memory_space<hbm>> -> memref<80xi32, #tpu.memory_space<hbm>>
        tpu.enqueue_dma source(%dma_start3A_164 : memref<80xi32, #tpu.memory_space<hbm>>) target(%arg10 : memref<80xi32, #tpu.memory_space<vmem>>) target_semaphore(%run_scoped3A : memref<!tpu.dma_semaphore, #tpu.memory_space<semaphore_mem>>)
        %dma_wait3A_165 = tpu.memref_slice %arg3[%add3A_152] : memref<320000xi32, #tpu.memory_space<hbm>> -> memref<80xi32, #tpu.memory_space<hbm>>
        %dma_wait3A_166 = tpu.memref_slice %arg3[%add3A_152] : memref<320000xi32, #tpu.memory_space<hbm>> -> memref<80xi32, #tpu.memory_space<hbm>>
        tpu.wait_dma2 semaphore(%run_scoped3A : memref<!tpu.dma_semaphore, #tpu.memory_space<semaphore_mem>>) src(%dma_wait3A_166 : memref<80xi32, #tpu.memory_space<hbm>>) dst(%arg10 : memref<80xi32, #tpu.memory_space<vmem>>)
        tpu.yield
      }) : () -> ()
      "tpu.region"() ({
        %run_scoped3A = tpu.sem_alloc : memref<!tpu.dma_semaphore, #tpu.memory_space<semaphore_mem>>
        %dma_start3A_163 = tpu.memref_slice %arg4[%add3A_152] : memref<320000xi32, #tpu.memory_space<hbm>> -> memref<80xi32, #tpu.memory_space<hbm>>
        %dma_start3A_164 = tpu.memref_slice %arg4[%add3A_152] : memref<320000xi32, #tpu.memory_space<hbm>> -> memref<80xi32, #tpu.memory_space<hbm>>
        tpu.enqueue_dma source(%dma_start3A_164 : memref<80xi32, #tpu.memory_space<hbm>>) target(%arg11 : memref<80xi32, #tpu.memory_space<vmem>>) target_semaphore(%run_scoped3A : memref<!tpu.dma_semaphore, #tpu.memory_space<semaphore_mem>>)
        %dma_wait3A_165 = tpu.memref_slice %arg4[%add3A_152] : memref<320000xi32, #tpu.memory_space<hbm>> -> memref<80xi32, #tpu.memory_space<hbm>>
        %dma_wait3A_166 = tpu.memref_slice %arg4[%add3A_152] : memref<320000xi32, #tpu.memory_space<hbm>> -> memref<80xi32, #tpu.memory_space<hbm>>
        tpu.wait_dma2 semaphore(%run_scoped3A : memref<!tpu.dma_semaphore, #tpu.memory_space<semaphore_mem>>) src(%dma_wait3A_166 : memref<80xi32, #tpu.memory_space<hbm>>) dst(%arg11 : memref<80xi32, #tpu.memory_space<vmem>>)
        tpu.yield
      }) : () -> ()
      %dma_start3A_153 = arith.constant 0 : i32
      %dma_start3A_154 = arith.constant 0 : i32
      %dma_start3A_155 = tpu.memref_slice %arg2[%dma_start3A_153, %dma_start3A_154] : memref<10000x128xf32, #tpu.memory_space<hbm>> -> memref<10000x128xf32, #tpu.memory_space<hbm>>
      tpu.enqueue_indirect_dma source(%dma_start3A_155 : memref<10000x128xf32, #tpu.memory_space<hbm>>) target(%arg15 : memref<80x128xf32, #tpu.memory_space<vmem>>) offsets(%arg10 : memref<80xi32, #tpu.memory_space<vmem>>) semaphore(%arg18 : memref<!tpu.dma_semaphore, #tpu.memory_space<semaphore_mem>>)
      %dma_wait3A_156 = arith.constant 0 : i32
      %dma_wait3A_157 = arith.constant 0 : i32
      %dma_wait3A_158 = tpu.memref_slice %arg2[%dma_wait3A_156, %dma_wait3A_157] : memref<10000x128xf32, #tpu.memory_space<hbm>> -> memref<10000x128xf32, #tpu.memory_space<hbm>>
      tpu.wait_indirect_dma semaphore(%arg19 : memref<!tpu.dma_semaphore, #tpu.memory_space<semaphore_mem>>) src(%dma_wait3A_158 : memref<10000x128xf32, #tpu.memory_space<hbm>>) dst(%arg16 : memref<80x128xf32, #tpu.memory_space<vmem>>)
      %dma_start3A_159 = arith.constant 0 : i32
      %dma_start3A_160 = arith.constant 0 : i32
      %dma_start3A_161 = tpu.memref_slice %arg7[%dma_start3A_159, %dma_start3A_160] : memref<10000x128xf32, #tpu.memory_space<vmem_shared>> -> memref<10000x128xf32, #tpu.memory_space<vmem_shared>>
      tpu.enqueue_indirect_dma source(%arg16 : memref<80x128xf32, #tpu.memory_space<vmem>>) target(%dma_start3A_161 : memref<10000x128xf32, #tpu.memory_space<vmem_shared>>) offsets(%arg13 : memref<80xi32, #tpu.memory_space<vmem>>) semaphore(%arg22 : memref<!tpu.dma_semaphore, #tpu.memory_space<semaphore_mem>>) {add = true}
      %scan3A_162 = arith.constant 0 : i32
      scf.yield %scan3A_162 : i32
    }
    %scan3A_68 = arith.constant 40 : i32
    %dma_wait3A_69 = arith.constant 0 : i32
    %dma_wait3A_70 = arith.constant 0 : i32
    %dma_wait3A_71 = tpu.memref_slice %arg7[%dma_wait3A_69, %dma_wait3A_70] : memref<10000x128xf32, #tpu.memory_space<vmem_shared>> -> memref<10000x128xf32, #tpu.memory_space<vmem_shared>>
    tpu.wait_indirect_dma semaphore(%arg22 : memref<!tpu.dma_semaphore, #tpu.memory_space<semaphore_mem>>) src(%arg16 : memref<80x128xf32, #tpu.memory_space<vmem>>) dst(%dma_wait3A_71 : memref<10000x128xf32, #tpu.memory_space<vmem_shared>>)
    %dma_wait3A_72 = arith.constant 0 : i32
    %dma_wait3A_73 = arith.constant 0 : i32
    %dma_wait3A_74 = tpu.memref_slice %arg2[%dma_wait3A_72, %dma_wait3A_73] : memref<10000x128xf32, #tpu.memory_space<hbm>> -> memref<10000x128xf32, #tpu.memory_space<hbm>>
    tpu.wait_indirect_dma semaphore(%arg17 : memref<!tpu.dma_semaphore, #tpu.memory_space<semaphore_mem>>) src(%dma_wait3A_74 : memref<10000x128xf32, #tpu.memory_space<hbm>>) dst(%arg14 : memref<80x128xf32, #tpu.memory_space<vmem>>)
    %dma_start3A_75 = arith.constant 0 : i32
    %dma_start3A_76 = arith.constant 0 : i32
    %dma_start3A_77 = tpu.memref_slice %arg7[%dma_start3A_75, %dma_start3A_76] : memref<10000x128xf32, #tpu.memory_space<vmem_shared>> -> memref<10000x128xf32, #tpu.memory_space<vmem_shared>>
    tpu.enqueue_indirect_dma source(%arg14 : memref<80x128xf32, #tpu.memory_space<vmem>>) target(%dma_start3A_77 : memref<10000x128xf32, #tpu.memory_space<vmem_shared>>) offsets(%arg9 : memref<80xi32, #tpu.memory_space<vmem>>) semaphore(%arg20 : memref<!tpu.dma_semaphore, #tpu.memory_space<semaphore_mem>>) {add = true}
    %dma_wait3A_78 = arith.constant 0 : i32
    %dma_wait3A_79 = arith.constant 0 : i32
    %dma_wait3A_80 = tpu.memref_slice %arg7[%dma_wait3A_78, %dma_wait3A_79] : memref<10000x128xf32, #tpu.memory_space<vmem_shared>> -> memref<10000x128xf32, #tpu.memory_space<vmem_shared>>
    tpu.wait_indirect_dma semaphore(%arg20 : memref<!tpu.dma_semaphore, #tpu.memory_space<semaphore_mem>>) src(%arg14 : memref<80x128xf32, #tpu.memory_space<vmem>>) dst(%dma_wait3A_80 : memref<10000x128xf32, #tpu.memory_space<vmem_shared>>)
    %dma_wait3A_81 = arith.constant 0 : i32
    %dma_wait3A_82 = arith.constant 0 : i32
    %dma_wait3A_83 = tpu.memref_slice %arg2[%dma_wait3A_81, %dma_wait3A_82] : memref<10000x128xf32, #tpu.memory_space<hbm>> -> memref<10000x128xf32, #tpu.memory_space<hbm>>
    tpu.wait_indirect_dma semaphore(%arg18 : memref<!tpu.dma_semaphore, #tpu.memory_space<semaphore_mem>>) src(%dma_wait3A_83 : memref<10000x128xf32, #tpu.memory_space<hbm>>) dst(%arg15 : memref<80x128xf32, #tpu.memory_space<vmem>>)
    %dma_start3A_84 = arith.constant 0 : i32
    %dma_start3A_85 = arith.constant 0 : i32
    %dma_start3A_86 = tpu.memref_slice %arg7[%dma_start3A_84, %dma_start3A_85] : memref<10000x128xf32, #tpu.memory_space<vmem_shared>> -> memref<10000x128xf32, #tpu.memory_space<vmem_shared>>
    tpu.enqueue_indirect_dma source(%arg15 : memref<80x128xf32, #tpu.memory_space<vmem>>) target(%dma_start3A_86 : memref<10000x128xf32, #tpu.memory_space<vmem_shared>>) offsets(%arg11 : memref<80xi32, #tpu.memory_space<vmem>>) semaphore(%arg21 : memref<!tpu.dma_semaphore, #tpu.memory_space<semaphore_mem>>) {add = true}
    %dma_wait3A_87 = arith.constant 0 : i32
    %dma_wait3A_88 = arith.constant 0 : i32
    %dma_wait3A_89 = tpu.memref_slice %arg7[%dma_wait3A_87, %dma_wait3A_88] : memref<10000x128xf32, #tpu.memory_space<vmem_shared>> -> memref<10000x128xf32, #tpu.memory_space<vmem_shared>>
    tpu.wait_indirect_dma semaphore(%arg21 : memref<!tpu.dma_semaphore, #tpu.memory_space<semaphore_mem>>) src(%arg15 : memref<80x128xf32, #tpu.memory_space<vmem>>) dst(%dma_wait3A_89 : memref<10000x128xf32, #tpu.memory_space<vmem_shared>>)
    %barrier3A_90 = arith.constant 0 : index
    tpu.barrier barrier_id(%barrier3A_90)
    %eq3A_91 = arith.constant 0 : i32
    %eq3A_92 = arith.cmpi eq, %arg0, %eq3A_91 : i32
    %convert_element_type3A_93 = arith.extui %eq3A_92 : i1 to i32
    %cond3A_94 = arith.constant 0 : i32
    %cond3A_95 = arith.cmpi ne, %convert_element_type3A_93, %cond3A_94 : i32
    scf.if %cond3A_95 {
      %lt3A_101 = arith.constant 15 : i32
      %lt3A_102 = arith.cmpi slt, %arg1, %lt3A_101 : i32
      %convert_element_type3A_103 = arith.extui %lt3A_102 : i1 to i32
      %cond3A_104 = arith.constant 0 : i32
      %cond3A_105 = arith.cmpi ne, %convert_element_type3A_103, %cond3A_104 : i32
      scf.if %cond3A_105 {
        %mul3A_111 = arith.constant 624 : i32
        %mul3A_112 = arith.muli %arg1, %mul3A_111 : i32
        %mul3A_113 = arith.constant 624 : i32
        %mul3A_114 = arith.muli %arg1, %mul3A_113 : i32
        "tpu.region"() ({
          %run_scoped3A = tpu.sem_alloc : memref<!tpu.dma_semaphore, #tpu.memory_space<semaphore_mem>>
          %dma_start3A_115 = arith.constant 0 : i32
          %dma_start3A_116 = tpu.memref_slice %arg5[%mul3A_114, %dma_start3A_115] : memref<10000x128xf32, #tpu.memory_space<hbm>> -> memref<624x128xf32, #tpu.memory_space<hbm>>
          %dma_start3A_117 = arith.constant 0 : i32
          %dma_start3A_118 = tpu.memref_slice %arg7[%mul3A_112, %dma_start3A_117] : memref<10000x128xf32, #tpu.memory_space<vmem_shared>> -> memref<624x128xf32, #tpu.memory_space<vmem_shared>>
          tpu.enqueue_dma source(%dma_start3A_118 : memref<624x128xf32, #tpu.memory_space<vmem_shared>>) target(%dma_start3A_116 : memref<624x128xf32, #tpu.memory_space<hbm>>) target_semaphore(%run_scoped3A : memref<!tpu.dma_semaphore, #tpu.memory_space<semaphore_mem>>)
          %dma_wait3A_119 = arith.constant 0 : i32
          %dma_wait3A_120 = tpu.memref_slice %arg5[%mul3A_114, %dma_wait3A_119] : memref<10000x128xf32, #tpu.memory_space<hbm>> -> memref<624x128xf32, #tpu.memory_space<hbm>>
          %dma_wait3A_121 = arith.constant 0 : i32
          %dma_wait3A_122 = tpu.memref_slice %arg7[%mul3A_112, %dma_wait3A_121] : memref<10000x128xf32, #tpu.memory_space<vmem_shared>> -> memref<624x128xf32, #tpu.memory_space<vmem_shared>>
          tpu.wait_dma2 semaphore(%run_scoped3A : memref<!tpu.dma_semaphore, #tpu.memory_space<semaphore_mem>>) src(%dma_wait3A_122 : memref<624x128xf32, #tpu.memory_space<vmem_shared>>) dst(%dma_wait3A_120 : memref<624x128xf32, #tpu.memory_space<hbm>>)
          tpu.yield
        }) : () -> ()
      } else {
      }
      %eq3A_106 = arith.constant 15 : i32
      %eq3A_107 = arith.cmpi eq, %arg1, %eq3A_106 : i32
      %convert_element_type3A_108 = arith.extui %eq3A_107 : i1 to i32
      %cond3A_109 = arith.constant 0 : i32
      %cond3A_110 = arith.cmpi ne, %convert_element_type3A_108, %cond3A_109 : i32
      scf.if %cond3A_110 {
        "tpu.region"() ({
          %run_scoped3A = tpu.sem_alloc : memref<!tpu.dma_semaphore, #tpu.memory_space<semaphore_mem>>
          %dma_start3A_111 = arith.constant 9360 : i32
          %dma_start3A_112 = arith.constant 0 : i32
          %dma_start3A_113 = tpu.memref_slice %arg5[%dma_start3A_111, %dma_start3A_112] : memref<10000x128xf32, #tpu.memory_space<hbm>> -> memref<640x128xf32, #tpu.memory_space<hbm>>
          %dma_start3A_114 = arith.constant 9360 : i32
          %dma_start3A_115 = arith.constant 0 : i32
          %dma_start3A_116 = tpu.memref_slice %arg7[%dma_start3A_114, %dma_start3A_115] : memref<10000x128xf32, #tpu.memory_space<vmem_shared>> -> memref<640x128xf32, #tpu.memory_space<vmem_shared>>
          tpu.enqueue_dma source(%dma_start3A_116 : memref<640x128xf32, #tpu.memory_space<vmem_shared>>) target(%dma_start3A_113 : memref<640x128xf32, #tpu.memory_space<hbm>>) target_semaphore(%run_scoped3A : memref<!tpu.dma_semaphore, #tpu.memory_space<semaphore_mem>>)
          %dma_wait3A_117 = arith.constant 9360 : i32
          %dma_wait3A_118 = arith.constant 0 : i32
          %dma_wait3A_119 = tpu.memref_slice %arg5[%dma_wait3A_117, %dma_wait3A_118] : memref<10000x128xf32, #tpu.memory_space<hbm>> -> memref<640x128xf32, #tpu.memory_space<hbm>>
          %dma_wait3A_120 = arith.constant 9360 : i32
          %dma_wait3A_121 = arith.constant 0 : i32
          %dma_wait3A_122 = tpu.memref_slice %arg7[%dma_wait3A_120, %dma_wait3A_121] : memref<10000x128xf32, #tpu.memory_space<vmem_shared>> -> memref<640x128xf32, #tpu.memory_space<vmem_shared>>
          tpu.wait_dma2 semaphore(%run_scoped3A : memref<!tpu.dma_semaphore, #tpu.memory_space<semaphore_mem>>) src(%dma_wait3A_122 : memref<640x128xf32, #tpu.memory_space<vmem_shared>>) dst(%dma_wait3A_119 : memref<640x128xf32, #tpu.memory_space<hbm>>)
          tpu.yield
        }) : () -> ()
      } else {
      }
    } else {
    }
    %eq3A_96 = arith.constant 1 : i32
    %eq3A_97 = arith.cmpi eq, %arg0, %eq3A_96 : i32
    %convert_element_type3A_98 = arith.extui %eq3A_97 : i1 to i32
    %cond3A_99 = arith.constant 0 : i32
    %cond3A_100 = arith.cmpi ne, %convert_element_type3A_98, %cond3A_99 : i32
    scf.if %cond3A_100 {
      %lt3A_101 = arith.constant 15 : i32
      %lt3A_102 = arith.cmpi slt, %arg1, %lt3A_101 : i32
      %convert_element_type3A_103 = arith.extui %lt3A_102 : i1 to i32
      %cond3A_104 = arith.constant 0 : i32
      %cond3A_105 = arith.cmpi ne, %convert_element_type3A_103, %cond3A_104 : i32
      scf.if %cond3A_105 {
        %mul3A_111 = arith.constant 624 : i32
        %mul3A_112 = arith.muli %arg1, %mul3A_111 : i32
        %mul3A_113 = arith.constant 624 : i32
        %mul3A_114 = arith.muli %arg1, %mul3A_113 : i32
        "tpu.region"() ({
          %run_scoped3A = tpu.sem_alloc : memref<!tpu.dma_semaphore, #tpu.memory_space<semaphore_mem>>
          %dma_start3A_115 = arith.constant 0 : i32
          %dma_start3A_116 = tpu.memref_slice %arg6[%mul3A_114, %dma_start3A_115] : memref<10000x128xf32, #tpu.memory_space<hbm>> -> memref<624x128xf32, #tpu.memory_space<hbm>>
          %dma_start3A_117 = arith.constant 0 : i32
          %dma_start3A_118 = tpu.memref_slice %arg7[%mul3A_112, %dma_start3A_117] : memref<10000x128xf32, #tpu.memory_space<vmem_shared>> -> memref<624x128xf32, #tpu.memory_space<vmem_shared>>
          tpu.enqueue_dma source(%dma_start3A_118 : memref<624x128xf32, #tpu.memory_space<vmem_shared>>) target(%dma_start3A_116 : memref<624x128xf32, #tpu.memory_space<hbm>>) target_semaphore(%run_scoped3A : memref<!tpu.dma_semaphore, #tpu.memory_space<semaphore_mem>>)
          %dma_wait3A_119 = arith.constant 0 : i32
          %dma_wait3A_120 = tpu.memref_slice %arg6[%mul3A_114, %dma_wait3A_119] : memref<10000x128xf32, #tpu.memory_space<hbm>> -> memref<624x128xf32, #tpu.memory_space<hbm>>
          %dma_wait3A_121 = arith.constant 0 : i32
          %dma_wait3A_122 = tpu.memref_slice %arg7[%mul3A_112, %dma_wait3A_121] : memref<10000x128xf32, #tpu.memory_space<vmem_shared>> -> memref<624x128xf32, #tpu.memory_space<vmem_shared>>
          tpu.wait_dma2 semaphore(%run_scoped3A : memref<!tpu.dma_semaphore, #tpu.memory_space<semaphore_mem>>) src(%dma_wait3A_122 : memref<624x128xf32, #tpu.memory_space<vmem_shared>>) dst(%dma_wait3A_120 : memref<624x128xf32, #tpu.memory_space<hbm>>)
          tpu.yield
        }) : () -> ()
      } else {
      }
      %eq3A_106 = arith.constant 15 : i32
      %eq3A_107 = arith.cmpi eq, %arg1, %eq3A_106 : i32
      %convert_element_type3A_108 = arith.extui %eq3A_107 : i1 to i32
      %cond3A_109 = arith.constant 0 : i32
      %cond3A_110 = arith.cmpi ne, %convert_element_type3A_108, %cond3A_109 : i32
      scf.if %cond3A_110 {
        "tpu.region"() ({
          %run_scoped3A = tpu.sem_alloc : memref<!tpu.dma_semaphore, #tpu.memory_space<semaphore_mem>>
          %dma_start3A_111 = arith.constant 9360 : i32
          %dma_start3A_112 = arith.constant 0 : i32
          %dma_start3A_113 = tpu.memref_slice %arg6[%dma_start3A_111, %dma_start3A_112] : memref<10000x128xf32, #tpu.memory_space<hbm>> -> memref<640x128xf32, #tpu.memory_space<hbm>>
          %dma_start3A_114 = arith.constant 9360 : i32
          %dma_start3A_115 = arith.constant 0 : i32
          %dma_start3A_116 = tpu.memref_slice %arg7[%dma_start3A_114, %dma_start3A_115] : memref<10000x128xf32, #tpu.memory_space<vmem_shared>> -> memref<640x128xf32, #tpu.memory_space<vmem_shared>>
          tpu.enqueue_dma source(%dma_start3A_116 : memref<640x128xf32, #tpu.memory_space<vmem_shared>>) target(%dma_start3A_113 : memref<640x128xf32, #tpu.memory_space<hbm>>) target_semaphore(%run_scoped3A : memref<!tpu.dma_semaphore, #tpu.memory_space<semaphore_mem>>)
          %dma_wait3A_117 = arith.constant 9360 : i32
          %dma_wait3A_118 = arith.constant 0 : i32
          %dma_wait3A_119 = tpu.memref_slice %arg6[%dma_wait3A_117, %dma_wait3A_118] : memref<10000x128xf32, #tpu.memory_space<hbm>> -> memref<640x128xf32, #tpu.memory_space<hbm>>
          %dma_wait3A_120 = arith.constant 9360 : i32
          %dma_wait3A_121 = arith.constant 0 : i32
          %dma_wait3A_122 = tpu.memref_slice %arg7[%dma_wait3A_120, %dma_wait3A_121] : memref<10000x128xf32, #tpu.memory_space<vmem_shared>> -> memref<640x128xf32, #tpu.memory_space<vmem_shared>>
          tpu.wait_dma2 semaphore(%run_scoped3A : memref<!tpu.dma_semaphore, #tpu.memory_space<semaphore_mem>>) src(%dma_wait3A_122 : memref<640x128xf32, #tpu.memory_space<vmem_shared>>) dst(%dma_wait3A_119 : memref<640x128xf32, #tpu.memory_space<hbm>>)
          tpu.yield
        }) : () -> ()
      } else {
      }
    } else {
    }
    return
  }
}

module attributes {stable_mosaic.version = 14 : i64} {
  func.func @_lin1_body(%arg0: i32, %arg1: memref<2000x128xf32, #tpu.memory_space<vmem>>, %arg2: memref<2000x128xf32, #tpu.memory_space<vmem>>, %arg3: memref<2000x128xf32, #tpu.memory_space<vmem>>, %arg4: memref<128x128xf32, #tpu.memory_space<vmem>>, %arg5: memref<128x128xf32, #tpu.memory_space<vmem>>, %arg6: memref<1x128xf32, #tpu.memory_space<vmem>>, %arg7: memref<2000x128xf32, #tpu.memory_space<vmem>>) attributes {dimension_semantics = [#tpu.dimension_semantics<arbitrary>], iteration_bounds = array<i64: 5>, scalar_prefetch = 0 : i64, scratch_operands = 0 : i64, tpu.core_type = #tpu.core_type<tc>, window_params = [{transform_indices = @transform_0, window_bounds = array<i64: 2000, 128>}, {transform_indices = @transform_1, window_bounds = array<i64: 2000, 128>}, {transform_indices = @transform_2, window_bounds = array<i64: 2000, 128>}, {pipeline_mode = #tpu.pipeline_mode<synchronous>, transform_indices = @transform_3, window_bounds = array<i64: 128, 128>}, {pipeline_mode = #tpu.pipeline_mode<synchronous>, transform_indices = @transform_4, window_bounds = array<i64: 128, 128>}, {pipeline_mode = #tpu.pipeline_mode<synchronous>, transform_indices = @transform_5, window_bounds = array<i64: 1, 128>}, {transform_indices = @transform_6, window_bounds = array<i64: 2000, 128>}]} {
    %get3A = arith.constant 0 : index
    %get3A_0 = arith.constant 0 : index
    %get3A_1 = vector.load %arg1[%get3A, %get3A_0] : memref<2000x128xf32, #tpu.memory_space<vmem>>, vector<2000x128xf32>
    %get3A_2 = arith.constant 0 : index
    %get3A_3 = arith.constant 0 : index
    %get3A_4 = vector.load %arg2[%get3A_2, %get3A_3] : memref<2000x128xf32, #tpu.memory_space<vmem>>, vector<2000x128xf32>
    %add3A = arith.addf %get3A_1, %get3A_4 : vector<2000x128xf32>
    %get3A_5 = arith.constant 0 : index
    %get3A_6 = arith.constant 0 : index
    %get3A_7 = vector.load %arg4[%get3A_5, %get3A_6] : memref<128x128xf32, #tpu.memory_space<vmem>>, vector<128x128xf32>
    %dot_general3A = arith.constant dense<0.000000e+00> : vector<2000x128xf32>
    %dot_general3A_8 = tpu.matmul %add3A, %get3A_7, %dot_general3A {dimension_numbers = #tpu.dot_dimension_numbers<[1], [1], [0], [0], [0, 0, 1, 0], [], []>, transpose_lhs_hint = false} : vector<2000x128xf32>, vector<128x128xf32>, vector<2000x128xf32> -> vector<2000x128xf32>
    %get3A_9 = arith.constant 0 : index
    %get3A_10 = arith.constant 0 : index
    %get3A_11 = vector.load %arg3[%get3A_9, %get3A_10] : memref<2000x128xf32, #tpu.memory_space<vmem>>, vector<2000x128xf32>
    %get3A_12 = arith.constant 0 : index
    %get3A_13 = arith.constant 0 : index
    %get3A_14 = vector.load %arg5[%get3A_12, %get3A_13] : memref<128x128xf32, #tpu.memory_space<vmem>>, vector<128x128xf32>
    %dot_general3A_15 = arith.constant dense<0.000000e+00> : vector<2000x128xf32>
    %dot_general3A_16 = tpu.matmul %get3A_11, %get3A_14, %dot_general3A_15 {dimension_numbers = #tpu.dot_dimension_numbers<[1], [1], [0], [0], [0, 0, 1, 0], [], []>, transpose_lhs_hint = false} : vector<2000x128xf32>, vector<128x128xf32>, vector<2000x128xf32> -> vector<2000x128xf32>
    %add3A_17 = arith.addf %dot_general3A_8, %dot_general3A_16 : vector<2000x128xf32>
    %get3A_18 = arith.constant 0 : index
    %get3A_19 = arith.constant 0 : index
    %get3A_20 = vector.load %arg6[%get3A_18, %get3A_19] : memref<1x128xf32, #tpu.memory_space<vmem>>, vector<1x128xf32>
    %add3A_21 = vector.broadcast %get3A_20 : vector<1x128xf32> to vector<2000x128xf32>
    %add3A_22 = arith.addf %add3A_17, %add3A_21 : vector<2000x128xf32>
    %swap3A = arith.constant 0 : index
    %swap3A_23 = arith.constant 0 : index
    %swap3A_24 = vector.load %arg7[%swap3A, %swap3A_23] : memref<2000x128xf32, #tpu.memory_space<vmem>>, vector<2000x128xf32>
    tpu.vector_store %arg7[%swap3A, %swap3A_23], %add3A_22 {strides = array<i32>} : memref<2000x128xf32, #tpu.memory_space<vmem>>, vector<2000x128xf32>,
    return
  }
  func.func @transform_0(%arg0: i32) -> (i32, i32) {
    %c0_i32 = arith.constant 0 : i32
    %c0_i32_0 = arith.constant 0 : i32
    return %arg0, %c0_i32 : i32, i32
  }
  func.func @transform_1(%arg0: i32) -> (i32, i32) {
    %c0_i32 = arith.constant 0 : i32
    %c0_i32_0 = arith.constant 0 : i32
    return %arg0, %c0_i32 : i32, i32
  }
  func.func @transform_2(%arg0: i32) -> (i32, i32) {
    %c0_i32 = arith.constant 0 : i32
    %c0_i32_0 = arith.constant 0 : i32
    return %arg0, %c0_i32 : i32, i32
  }
  func.func @transform_3(%arg0: i32) -> (i32, i32) {
    %c0_i32 = arith.constant 0 : i32
    %c0_i32_0 = arith.constant 0 : i32
    %c0_i32_1 = arith.constant 0 : i32
    return %c0_i32, %c0_i32_0 : i32, i32
  }
  func.func @transform_4(%arg0: i32) -> (i32, i32) {
    %c0_i32 = arith.constant 0 : i32
    %c0_i32_0 = arith.constant 0 : i32
    %c0_i32_1 = arith.constant 0 : i32
    return %c0_i32, %c0_i32_0 : i32, i32
  }
  func.func @transform_5(%arg0: i32) -> (i32, i32) {
    %c0_i32 = arith.constant 0 : i32
    %c0_i32_0 = arith.constant 0 : i32
    %c0_i32_1 = arith.constant 0 : i32
    return %c0_i32, %c0_i32_0 : i32, i32
  }
  func.func @transform_6(%arg0: i32) -> (i32, i32) {
    %c0_i32 = arith.constant 0 : i32
    %c0_i32_0 = arith.constant 0 : i32
    return %arg0, %c0_i32 : i32, i32
  }
}

module attributes {stable_mosaic.version = 14 : i64} {
  func.func @_lin2_body(%arg0: i32, %arg1: memref<2000x128xf32, #tpu.memory_space<vmem>>, %arg2: memref<2000x128xf32, #tpu.memory_space<vmem>>, %arg3: memref<2000x128xf32, #tpu.memory_space<vmem>>, %arg4: memref<128x128xf32, #tpu.memory_space<vmem>>, %arg5: memref<128x128xf32, #tpu.memory_space<vmem>>, %arg6: memref<128x128xf32, #tpu.memory_space<vmem>>, %arg7: memref<1x128xf32, #tpu.memory_space<vmem>>, %arg8: memref<1x128xf32, #tpu.memory_space<vmem>>, %arg9: memref<2000x128xf32, #tpu.memory_space<vmem>>) attributes {dimension_semantics = [#tpu.dimension_semantics<arbitrary>], iteration_bounds = array<i64: 5>, scalar_prefetch = 0 : i64, scratch_operands = 0 : i64, tpu.core_type = #tpu.core_type<tc>, window_params = [{transform_indices = @transform_0, window_bounds = array<i64: 2000, 128>}, {transform_indices = @transform_1, window_bounds = array<i64: 2000, 128>}, {transform_indices = @transform_2, window_bounds = array<i64: 2000, 128>}, {pipeline_mode = #tpu.pipeline_mode<synchronous>, transform_indices = @transform_3, window_bounds = array<i64: 128, 128>}, {pipeline_mode = #tpu.pipeline_mode<synchronous>, transform_indices = @transform_4, window_bounds = array<i64: 128, 128>}, {pipeline_mode = #tpu.pipeline_mode<synchronous>, transform_indices = @transform_5, window_bounds = array<i64: 128, 128>}, {pipeline_mode = #tpu.pipeline_mode<synchronous>, transform_indices = @transform_6, window_bounds = array<i64: 1, 128>}, {pipeline_mode = #tpu.pipeline_mode<synchronous>, transform_indices = @transform_7, window_bounds = array<i64: 1, 128>}, {transform_indices = @transform_8, window_bounds = array<i64: 2000, 128>}]} {
    %get3A = arith.constant 0 : index
    %get3A_0 = arith.constant 0 : index
    %get3A_1 = vector.load %arg4[%get3A, %get3A_0] : memref<128x128xf32, #tpu.memory_space<vmem>>, vector<128x128xf32>
    %get3A_2 = arith.constant 0 : index
    %get3A_3 = arith.constant 0 : index
    %get3A_4 = vector.load %arg5[%get3A_2, %get3A_3] : memref<128x128xf32, #tpu.memory_space<vmem>>, vector<128x128xf32>
    %dot_general3A = arith.constant dense<0.000000e+00> : vector<128x128xf32>
    %dot_general3A_5 = tpu.matmul %get3A_1, %get3A_4, %dot_general3A {dimension_numbers = #tpu.dot_dimension_numbers<[1], [0], [0], [1], [0, 0, 1, 1], [], []>, transpose_lhs_hint = false} : vector<128x128xf32>, vector<128x128xf32>, vector<128x128xf32> -> vector<128x128xf32>
    %get3A_6 = arith.constant 0 : index
    %get3A_7 = arith.constant 0 : index
    %get3A_8 = vector.load %arg4[%get3A_6, %get3A_7] : memref<128x128xf32, #tpu.memory_space<vmem>>, vector<128x128xf32>
    %get3A_9 = arith.constant 0 : index
    %get3A_10 = arith.constant 0 : index
    %get3A_11 = vector.load %arg6[%get3A_9, %get3A_10] : memref<128x128xf32, #tpu.memory_space<vmem>>, vector<128x128xf32>
    %dot_general3A_12 = arith.constant dense<0.000000e+00> : vector<128x128xf32>
    %dot_general3A_13 = tpu.matmul %get3A_8, %get3A_11, %dot_general3A_12 {dimension_numbers = #tpu.dot_dimension_numbers<[1], [0], [0], [1], [0, 0, 1, 1], [], []>, transpose_lhs_hint = false} : vector<128x128xf32>, vector<128x128xf32>, vector<128x128xf32> -> vector<128x128xf32>
    %get3A_14 = arith.constant 0 : index
    %get3A_15 = arith.constant 0 : index
    %get3A_16 = vector.load %arg1[%get3A_14, %get3A_15] : memref<2000x128xf32, #tpu.memory_space<vmem>>, vector<2000x128xf32>
    %get3A_17 = arith.constant 0 : index
    %get3A_18 = arith.constant 0 : index
    %get3A_19 = vector.load %arg2[%get3A_17, %get3A_18] : memref<2000x128xf32, #tpu.memory_space<vmem>>, vector<2000x128xf32>
    %add3A = arith.addf %get3A_16, %get3A_19 : vector<2000x128xf32>
    %get3A_20 = arith.constant 0 : index
    %get3A_21 = arith.constant 0 : index
    %get3A_22 = vector.load %arg7[%get3A_20, %get3A_21] : memref<1x128xf32, #tpu.memory_space<vmem>>, vector<1x128xf32>
    %get3A_23 = arith.constant 0 : index
    %get3A_24 = arith.constant 0 : index
    %get3A_25 = vector.load %arg4[%get3A_23, %get3A_24] : memref<128x128xf32, #tpu.memory_space<vmem>>, vector<128x128xf32>
    %dot_general3A_26 = arith.constant dense<0.000000e+00> : vector<1x128xf32>
    %dot_general3A_27 = tpu.matmul %get3A_22, %get3A_25, %dot_general3A_26 {dimension_numbers = #tpu.dot_dimension_numbers<[1], [1], [0], [0], [0, 0, 1, 0], [], []>, transpose_lhs_hint = false} : vector<1x128xf32>, vector<128x128xf32>, vector<1x128xf32> -> vector<1x128xf32>
    %get3A_28 = arith.constant 0 : index
    %get3A_29 = arith.constant 0 : index
    %get3A_30 = vector.load %arg8[%get3A_28, %get3A_29] : memref<1x128xf32, #tpu.memory_space<vmem>>, vector<1x128xf32>
    %add3A_31 = arith.addf %dot_general3A_27, %get3A_30 : vector<1x128xf32>
    %dot_general3A_32 = arith.constant dense<0.000000e+00> : vector<2000x128xf32>
    %dot_general3A_33 = tpu.matmul %add3A, %dot_general3A_5, %dot_general3A_32 {dimension_numbers = #tpu.dot_dimension_numbers<[1], [1], [0], [0], [0, 0, 1, 0], [], []>, transpose_lhs_hint = false} : vector<2000x128xf32>, vector<128x128xf32>, vector<2000x128xf32> -> vector<2000x128xf32>
    %get3A_34 = arith.constant 0 : index
    %get3A_35 = arith.constant 0 : index
    %get3A_36 = vector.load %arg3[%get3A_34, %get3A_35] : memref<2000x128xf32, #tpu.memory_space<vmem>>, vector<2000x128xf32>
    %dot_general3A_37 = arith.constant dense<0.000000e+00> : vector<2000x128xf32>
    %dot_general3A_38 = tpu.matmul %get3A_36, %dot_general3A_13, %dot_general3A_37 {dimension_numbers = #tpu.dot_dimension_numbers<[1], [1], [0], [0], [0, 0, 1, 0], [], []>, transpose_lhs_hint = false} : vector<2000x128xf32>, vector<128x128xf32>, vector<2000x128xf32> -> vector<2000x128xf32>
    %add3A_39 = arith.addf %dot_general3A_33, %dot_general3A_38 : vector<2000x128xf32>
    %add3A_40 = vector.broadcast %add3A_31 : vector<1x128xf32> to vector<2000x128xf32>
    %add3A_41 = arith.addf %add3A_39, %add3A_40 : vector<2000x128xf32>
    %swap3A = arith.constant 0 : index
    %swap3A_42 = arith.constant 0 : index
    %swap3A_43 = vector.load %arg9[%swap3A, %swap3A_42] : memref<2000x128xf32, #tpu.memory_space<vmem>>, vector<2000x128xf32>
    tpu.vector_store %arg9[%swap3A, %swap3A_42], %add3A_41 {strides = array<i32>} : memref<2000x128xf32, #tpu.memory_space<vmem>>, vector<2000x128xf32>,
    return
  }
  func.func @transform_0(%arg0: i32) -> (i32, i32) {
    %c0_i32 = arith.constant 0 : i32
    %c0_i32_0 = arith.constant 0 : i32
    return %arg0, %c0_i32 : i32, i32
  }
  func.func @transform_1(%arg0: i32) -> (i32, i32) {
    %c0_i32 = arith.constant 0 : i32
    %c0_i32_0 = arith.constant 0 : i32
    return %arg0, %c0_i32 : i32, i32
  }
  func.func @transform_2(%arg0: i32) -> (i32, i32) {
    %c0_i32 = arith.constant 0 : i32
    %c0_i32_0 = arith.constant 0 : i32
    return %arg0, %c0_i32 : i32, i32
  }
  func.func @transform_3(%arg0: i32) -> (i32, i32) {
    %c0_i32 = arith.constant 0 : i32
    %c0_i32_0 = arith.constant 0 : i32
    %c0_i32_1 = arith.constant 0 : i32
    return %c0_i32, %c0_i32_0 : i32, i32
  }
  func.func @transform_4(%arg0: i32) -> (i32, i32) {
    %c0_i32 = arith.constant 0 : i32
    %c0_i32_0 = arith.constant 0 : i32
    %c0_i32_1 = arith.constant 0 : i32
    return %c0_i32, %c0_i32_0 : i32, i32
  }
  func.func @transform_5(%arg0: i32) -> (i32, i32) {
    %c0_i32 = arith.constant 0 : i32
    %c0_i32_0 = arith.constant 0 : i32
    %c0_i32_1 = arith.constant 0 : i32
    return %c0_i32, %c0_i32_0 : i32, i32
  }
  func.func @transform_6(%arg0: i32) -> (i32, i32) {
    %c0_i32 = arith.constant 0 : i32
    %c0_i32_0 = arith.constant 0 : i32
    %c0_i32_1 = arith.constant 0 : i32
    return %c0_i32, %c0_i32_0 : i32, i32
  }
  func.func @transform_7(%arg0: i32) -> (i32, i32) {
    %c0_i32 = arith.constant 0 : i32
    %c0_i32_0 = arith.constant 0 : i32
    %c0_i32_1 = arith.constant 0 : i32
    return %c0_i32, %c0_i32_0 : i32, i32
  }
  func.func @transform_8(%arg0: i32) -> (i32, i32) {
    %c0_i32 = arith.constant 0 : i32
    %c0_i32_0 = arith.constant 0 : i32
    return %arg0, %c0_i32 : i32, i32
  }
}

</mosaic_0001>

<sc_bundles>
// kernel: kernel.6.cloned.1.call-start
scs
__scs_entry_jumppad:
0x0: {  	(pc) =	sbr.rel $0x88, $3  }
0x1: {  	(tag) =	ssettag $0x0;
	lr =	simm.s32 $0x1  }
0x2: {  	[smem:$0x3F97] =	sst lr;
	_ =	strace $0xD0000000  }
0x3: {  	_ = 	snop  }
0x4: {  	_ = 	snop  }
0x5: {  	_ = 	snop  }
0x6: {  	_ = 	snop  }
0x7: {  	_ = 	snop  }
__scs_overlays_trampoline_lowered:
0x8: {  	[smem:$0x3FA6] =	sst s0  }
0x9: {  	[smem:$0x3FA7] =	sst s1  }
0xa: {  	[smem:$0x3FA8] =	sst s2  }
0xb: {  	[smem:$0x3FA9] =	sst s3  }
0xc: {  	[smem:$0x3FAA] =	sst s4  }
0xd: {  	[smem:$0x3FAB] =	sst s5  }
0xe: {  	[smem:$0x3FAC] =	sst s6  }
0xf: {  	[smem:$0x3FAD] =	sst s7  }
0x10: {  	[smem:$0x3FAE] =	sst s8  }
0x11: {  	[smem:$0x3FAF] =	sst s9;
	s0 =	simm.s32 @!p0 $0x0  }
0x12: {  	s1 =	sld [smem:$0x3F95];
	s0 =	simm.s32 @p0 $0x1  }
0x13: {  	[smem:$0x3FB0] =	sst s0;
	s0 =	simm.s32 @!p1 $0x0  }
0x14: {  	s2 =	sld [smem:$0x3F94];
	s0 =	simm.s32 @p1 $0x1  }
0x15: {  	[smem:$0x3FB1] =	sst s0;
	s0 =	simm.s32 @!p2 $0x0  }
0x16: {  	s3 =	sld [smem:$0x3FDB];
	s0 =	simm.s32 @p2 $0x1  }
0x17: {  	s4 =	simm.s32 $0x1BF5;
	[smem:$0x3FB3] =	sst s0  }
0x18: {  	s0 =	sld [smem:$0x3F96];
	_ =	swait.ge [sflag:s4], $0x0  }
0x19: {  	s7 =	sld [smem:$0x3F97]  }
0x1a: {  	s8 =	sadd.s32 $0xFFFFE003, lr  }
0x1b: {  	s9 =	sadd.s32 $0xFFFFFEF7, lr;
	s5 =	simm.s32 $0xFFFFFFFF;
	p2 =	slt.u32 s8, $0xFFFFF086  }
0x1c: {  	p1 =	slt.u32 s9, $0xF7A;
	s5 =	simm.s32 @!p2 $0x0  }
0x1d: {  	s5 =	simm.s32 @p1 $0x1;
	p0 =	seq.s32 s7, s2  }
0x1e: {  	s7 =	smul.u32 @!p0 $0xF7A, s2;
	p2 =	seq.s32 @!p0 s5, $0x0  }
0x1f: {  	s9 =	smul.u32 $0xF7A, s1;
	s8 =	simm.s32 @!p0 $0x1BF5;
	p2 =	por !p2, p0  }
0x20: {  	[sflag:s8] =	ssyncset.s32 @!p0 $0xFFFFF086;
	s6 =	sadd.s32 @!p0 s3, s7;
	s7 =	simm.s32 @!p0 $0x108  }
0x21: {  	s3 =	sadd.s32 s3, s9;
	s6 =	sadd.s32 @!p0 $0x88, s6;
	s7 =	simm.s32 @p2 $0x1082  }
0x22: {  	[simem:s7], [sflag:s8] =	dma.local @!p0 [hbm:s6], $0xF7A  }
0x23: {  	s9 =	sor.u32 $0xD0000000, s2;
	s6 =	simm.s32 $0x108;
	_ =	swait.ge @!p0 [sflag:s8], $0x0  }
0x24: {  	s3 =	sadd.s32 $0x88, s3;
	s6 =	simm.s32 @!p1 $0x1082;
	[sflag:s4] =	ssyncset.s32 $0xFFFFF086  }
0x25: {  	[simem:s6], [sflag:s4] =	dma.local [hbm:s3], $0xF7A  }
0x26: {  	[smem:$0x3F97] =	sst s1;
	(tag) =	ssettag s2;
	_ =	strace s9  }
0x27: {  	s1 =	sld [smem:$0x3FA7]  }
0x28: {  	s2 =	sld [smem:$0x3FA8]  }
0x29: {  	s4 =	sld [smem:$0x3FAA]  }
0x2a: {  	p0 =	seq.s32 s5, $0x0;
	s5 =	sld [smem:$0x3FAB]  }
0x2b: {  	s6 =	sld [smem:$0x3FAC]  }
0x2c: {  	s7 =	sld [smem:$0x3FAD]  }
0x2d: {  	s3 =	simm.s32 $0x108;
	s8 =	sld [smem:$0x3FAE]  }
0x2e: {  	s3 =	simm.s32 @!p0 $0x1082;
	s9 =	sld [smem:$0x3FAF]  }
0x2f: {  	lr =	sadd.s32 s0, s3;
	s0 =	sld [smem:$0x3FA6]  }
0x30: {  	s3 =	sld [smem:$0x3FA9]  }
0x31: {  	[smem:$0x3FB2] =	sst s10  }
0x32: {  	s10 =	sld [smem:$0x3FB0];
	_ =	sdelay $0x3  }
0x33: {  	p0 =	seq.s32 s10, $0x1;
	s10 =	sld [smem:$0x3FB2];
	_ =	sdelay $0x3  }
0x34: {  	[smem:$0x3FB2] =	sst s10  }
0x35: {  	s10 =	sld [smem:$0x3FB1];
	_ =	sdelay $0x3  }
0x36: {  	p1 =	seq.s32 s10, $0x1;
	s10 =	sld [smem:$0x3FB2];
	_ =	sdelay $0x3  }
0x37: {  	[smem:$0x3FB2] =	sst s10  }
0x38: {  	s10 =	sld [smem:$0x3FB3]  }
0x39: {  	_ = 	snop;
	(pc) =	sbr.ind lr, $3  }
0x3a: {  	_ = 	snop  }
0x3b: {  	_ = 	snop  }
0x3c: {  	p2 =	seq.s32 s10, $0x1;
	s10 =	sld [smem:$0x3FB2]  }
0x3d: {  	_ =	shalt  }
0x3e: {  	_ =	shalt  }
0x3f: {  	_ =	shalt  }
0x40: {  	_ =	shalt  }
0x41: {  	_ =	shalt  }
0x42: {  	_ =	shalt  }
0x43: {  	_ =	shalt  }
0x44: {  	_ =	shalt  }
0x45: {  	_ =	shalt  }
0x46: {  	_ =	shalt  }
0x47: {  	_ =	shalt  }
0x48: {  	_ =	shalt  }
0x49: {  	_ =	shalt  }
0x4a: {  	_ =	shalt  }
0x4b: {  	_ =	shalt  }
0x4c: {  	_ =	shalt  }
0x4d: {  	_ =	shalt  }
0x4e: {  	_ =	shalt  }
0x4f: {  	_ =	shalt  }
0x50: {  	_ =	shalt  }
0x51: {  	_ =	shalt  }
0x52: {  	_ =	shalt  }
0x53: {  	_ =	shalt  }
0x54: {  	_ =	shalt  }
0x55: {  	_ =	shalt  }
0x56: {  	_ =	shalt  }
0x57: {  	_ =	shalt  }
0x58: {  	_ =	shalt  }
0x59: {  	_ =	shalt  }
0x5a: {  	_ =	shalt  }
0x5b: {  	_ =	shalt  }
0x5c: {  	_ =	shalt  }
0x5d: {  	_ =	shalt  }
0x5e: {  	_ =	shalt  }
0x5f: {  	_ =	shalt  }
0x60: {  	_ =	shalt  }
0x61: {  	_ =	shalt  }
0x62: {  	_ =	shalt  }
0x63: {  	_ =	shalt  }
0x64: {  	_ =	shalt  }
0x65: {  	_ =	shalt  }
0x66: {  	_ =	shalt  }
0x67: {  	_ =	shalt  }
0x68: {  	_ =	shalt  }
0x69: {  	_ =	shalt  }
0x6a: {  	_ =	shalt  }
0x6b: {  	_ =	shalt  }
0x6c: {  	_ =	shalt  }
0x6d: {  	_ =	shalt  }
0x6e: {  	_ =	shalt  }
0x6f: {  	_ =	shalt  }
0x70: {  	_ =	shalt  }
0x71: {  	_ =	shalt  }
0x72: {  	_ =	shalt  }
0x73: {  	_ =	shalt  }
0x74: {  	_ =	shalt  }
0x75: {  	_ =	shalt  }
0x76: {  	_ =	shalt  }
0x77: {  	_ =	shalt  }
0x78: {  	_ =	shalt  }
0x79: {  	_ =	shalt  }
0x7a: {  	_ =	shalt  }
0x7b: {  	_ =	shalt  }
0x7c: {  	_ =	shalt  }
0x7d: {  	_ =	shalt  }
0x7e: {  	_ =	shalt  }
0x7f: {  	_ =	shalt  }
0x80: {  	_ =	shalt  }
0x81: {  	_ =	shalt  }
0x82: {  	_ =	shalt  }
0x83: {  	_ =	shalt  }
0x84: {  	_ =	shalt  }
0x85: {  	_ =	shalt  }
0x86: {  	_ =	shalt  }
0x87: {  	_ =	shalt  }
.Lfunc_end0:
.L_simem_size_0:
called_computation_lowered:
.L_overlay_start_0:
0x88: {  	s2 =	sld [smem:$0x3FD9]  }
0x89: {  	s3 =	sld [smem:$0x3FFE];
	_ =	sdelay $0x1  }
0x8a: {  	s1 =	srdreg.scid  }
0x8b: {  	s0 =	sand.u32 $0x1, s1  }
0x8c: {  	s17 =	sshll.u32 s0, $0xA;
	s2 =	sadd.s32 s3, s2  }
0x8d: {  	s2 =	sadd.s32 s2, s17  }
0x8e: {  	[smem:$0x3FBE] =	sst s2  }
0x8f: {  	_ = 	snop  }
0x90: {  	s2 =	sld [smem:$0x3FC9]  }
0x91: {  	s18 =	sld [smem:$0x3FD0];
	(tm) =	ssettm $0x1  }
0x92: {  	s4 =	sld [smem:$0x3FFB];
	_ =	sdelay $0x3  }
0x93: {  	_ =	strace s4  }
0x94: {  	s4 =	sld [smem:$0x3FFC];
	_ =	sdelay $0x3  }
0x95: {  	_ =	strace s4  }
0x96: {  	s4 =	sld [smem:$0x3FFD];
	_ =	sdelay $0x3  }
0x97: {  	_ =	strace s4  }
0x98: {  	_ =	strace $0x8FFFFFFF  }
0x99: {  	s19 =	sld [smem:$0x3FDB];
	_ =	sdelay $0x1  }
0x9a: {  	s5 =	simm.s32 $_scs_section_size  }
0x9b: {  	s6 =	simm.s32 $_size__tile_overlayer_lowered;
	s7 =	simm.s32 $_tile_overlayer_lowered  }
0x9c: {  	s22 =	simm.s32 $0x1BFF;
	s21 =	sshll.u32 s7, $0x1;
	s4 =	sadd.s32 s5, s19  }
0x9d: {  	s8 =	simm.s32 $0x0;
	s20 =	sshll.u32 s6, $0x1;
	s6 =	sadd.s32 s21, s4  }
0x9e: {  	[timem:s8], [sflag:s22] =	dma.local [hbm:s6], s20  }
0x9f: {  	_ =	swait.ge [sflag:s22], s20  }
0xa0: {  	s5 =	ssub.s32 $0x0, s20;
	[sflag:s22] =	ssyncset.done $0x0  }
0xa1: {  	[sflag:s22] =	ssyncadd.s32 s5;
	_ =	sdelay $0x1  }
0xa2: {  	s23 =	simm.s32 $0x1B8B  }
0xa3: {  	_ =	swait.ge [sflag:s23], $0x1  }
0xa4: {  	[sflag:s23] =	ssyncset.done $0x0  }
0xa5: {  	s25 =	simm.s32 $0x1B8E;
	s24 =	sld [smem:$0x3FFE];
	[sflag:s23] =	ssyncadd.s32 $0xFFFFFFFF  }
0xa6: {  	s26 =	simm.s32 $execute0_lowered;
	[smem:$0x3FD2] =	sst s25  }
0xa7: {  	s6 =	sshll.u32 s26, $0x1;
	_ =	strace $0x80000046;
	[dreg:$0x1] =	wrdreg $0xFFFFFFFF  }
0xa8: {  	s28 =	simm.s32 $_size_execute0_lowered;
	s4 =	sadd.s32 s4, s6;
	[dreg:$0x0] =	wrdreg $0x0  }
0xa9: {  	s6 =	sshll.u32 s28, $0x1;
	[dreg:$0x2] =	wrdreg s4  }
0xaa: {  	[dreg:$0x3] =	wrdreg s6  }
0xab: {  	[dreg:$0x4] =	wrdreg $0xC0  }
0xac: {  	_ =	task [dreg:s8], $0x5FFFF  }
0xad: {  	[dreg:$0x1] =	wrdreg $0xFFFFFFFF  }
0xae: {  	[dreg:$0x0] =	wrdreg $0x60  }
0xaf: {  	[dreg:$0x2] =	wrdreg s2  }
0xb0: {  	[dreg:$0x3] =	wrdreg s24  }
0xb1: {  	[dreg:$0x4] =	wrdreg s18  }
0xb2: {  	[dreg:$0x5] =	wrdreg $0x0  }
0xb3: {  	[dreg:$0x6] =	wrdreg $0x9  }
0xb4: {  	_ =	task.clear_ibuf [dreg:s8], $0x7FFFF;
	_ =	strace $0x90000046  }
0xb5: {  	s29 =	simm.s32 $0x9;
	_ =	strace $0x80000048  }
0xb6: {  	_ =	swait.ge [sflag:s29], $0x1  }
0xb7: {  	[sflag:s29] =	ssyncadd.s32 $0xFFFFFFFF  }
0xb8: {  	_ =	strace $0x90000048  }
0xb9: {  	_ =	sfence  }
0xba: {  	s30 =	sld [smem:$0x0];
	_ =	sdelay $0x2  }
0xbb: {  	s31 =	sshll.u32 s1, $0xD;
	s1 =	sshrl.u32 s1, $0x2  }
0xbc: {  	s3 =	sand.u32 $0x4000, s31;
	s1 =	sadd.s32 s1, s30  }
0xbd: {  	s0 =	sor.u32 s3, s0;
	s1 =	sshll.u32 s1, $0x11  }
0xbe: {  	s0 =	sor.u32 s1, s0  }
0xbf: {  	s0 =	sadd.s32 $0x8F2B, s0  }
0xc0: {  	[sflag:s0] =	ssyncadd.remote.s32 $0x1  }
0xc1: {  	_ =	sfence.sel $0xFFFF  }
0xc2: {  	[dreg:$0x0] =	wrdreg $0xFFFFFFFF;
	(pc) =	sbr.abs _section_cstart, $3  }
0xc3: {  	[dreg:$0x1] =	wrdreg $0xFFFFFFFF  }
0xc4: {  	_ =	task.clear_ibuf [dreg:s8], $0x2FFFF;
	_ =	strace $0x9FFFFFFF  }
0xc5: {  	(tm) =	ssettm $0x7FFFFFFF  }
tec
execute0_lowered:
.L_overlay_start_1:
0x0: {  	(tag) =	ssettag $0x1  }
0x1: {  	s1 =	rddreg [dreg:$0x0]  }
0x2: {  	s0 =	rddreg [dreg:$0x1]  }
0x3: {  	s3 =	rddreg [dreg:$0x2]  }
0x4: {  	s2 =	rddreg [dreg:$0x3];
	s4 =	simm.s32 $0x0  }
0x5: {  	s5 =	srdreg.scid;
	s15 =	stileid.u32;
	s28 =	simm.s32 $0x13A80  }
0x6: {  	s29 =	simm.s32 $0x13B00;
	[smem:$0x7FF] =	sst s4;
	s9 =	smul.u32 $0x2700, s15  }
0x7: {  	s8 =	sand.u32 $0x1, s5;
	s22 =	sadd.s32 $0xCA00, s0;
	s10 =	smul.u32 $0x4E000, s15  }
0x8: {  	_ =	strace $0x80000047;
	s6 =	sshll.u32 s8, $0x4;
	s11 =	ssub.s32 $0x2, s8  }
0x9: {  	[dreg:$0x1d] =	wrdreg s22;
	s7 =	sor.u32 s15, s6;
	s6 =	sadd.s32 $0x2C00, s0  }
0xa: {  	s13 =	sadd.s32 s9, s0;
	s23 =	sshrl.u32 s11, $0x1;
	s0 =	sadd.s32 $0x3B100, s0  }
0xb: {  	s11 =	ssub.s32 s11, s23;
	s23 =	sadd.s32 s3, s9;
	[dreg:$0x13] =	wrdreg s0  }
0xc: {  	s10 =	sshrl.u32 s10, $0x2;
	s3 =	sadd.s32 $0x24900, s3;
	[dreg:$0x10] =	wrdreg s23  }
0xd: {  	s12 =	smul.u32 $0x2710, s7;
	s7 =	sadd.s32 s10, s2;
	[dreg:$0x11] =	wrdreg s3  }
0xe: {  	s30 =	simm.s32 $0x18B80;
	s9 =	sadd.s32 $0x2800, s7;
	[dreg:$0x5] =	wrdreg s7  }
0xf: {  	s31 =	simm.s32 $0x1;
	s24 =	sshrl.u32 s12, $0x3;
	[dreg:$0x15] =	wrdreg s9  }
0x10: {  	s12 =	sadd.s32 s22, s24;
	s25 =	sadd.s32 s6, s24;
	s26 =	sadd.s32 $0xA, s24  }
0x11: {  	s16 =	sadd.s32 $0x14, s24;
	s18 =	sadd.s32 $0x1E, s24;
	[dreg:$0x6] =	wrdreg s12  }
0x12: {  	s10 =	sadd.s32 $0x28, s24;
	s24 =	sadd.s32 $0x16800, s13;
	[dreg:$0x7] =	wrdreg s25  }
0x13: {  	p0 =	seq.s32 s15, $0xF;
	s13 =	sadd.s32 $0xC800, s7;
	[dreg:$0x12] =	wrdreg s24  }
0x14: {  	s20 =	smul.u32 $0x27100, s8;
	s14 =	sadd.s32 s22, s26;
	[dreg:$0x19] =	wrdreg s13  }
0x15: {  	p4 =	seq.s32 s8, $0x1;
	s12 =	sadd.s32 s6, s26;
	[dreg:$0x8] =	wrdreg s14  }
0x16: {  	p2 =	seq.s32 @p4 s15, $0xF;
	s17 =	sadd.s32 s22, s16;
	[dreg:$0x9] =	wrdreg s12  }
0x17: {  	p5 =	seq.s32 @!p4 s15, $0xF;
	s19 =	sadd.s32 s22, s18;
	[dreg:$0xa] =	wrdreg s17  }
0x18: {  	p1 =	por !p2, !p4;
	s21 =	sadd.s32 s22, s10;
	[dreg:$0xc] =	wrdreg s19  }
0x19: {  	p2 =	por p2, !p4;
	s10 =	sadd.s32 s6, s10;
	[dreg:$0xe] =	wrdreg s21  }
0x1a: {  	p3 =	por !p5, p4;
	s26 =	smax.u32 s11, $0x1;
	[dreg:$0xf] =	wrdreg s10  }
0x1b: {  	p4 =	por p5, p4;
	s11 =	sadd.s32 $0x7800, s7;
	[dreg:$0x14] =	wrdreg s26  }
0x1c: {  	s22 =	smul.u32 $0x2710, s15;
	s15 =	sadd.s32 $0x11800, s7;
	[dreg:$0x17] =	wrdreg s11  }
0x1d: {  	s0 =	simm.s32 $0x4;
	s12 =	sadd.s32 s6, s16;
	[dreg:$0x1b] =	wrdreg s15  }
0x1e: {  	s13 =	simm.s32 $0x0;
	s10 =	sadd.s32 $0x5000, s7;
	[dreg:$0xb] =	wrdreg s12  }
0x1f: {  	s14 =	sadd.s32 $0xF000, s7;
	s16 =	sadd.s32 $0x124800, s2;
	[dreg:$0x16] =	wrdreg s10  }
0x20: {  	s17 =	sadd.s32 $0x129800, s2;
	s19 =	sadd.s32 $0x12C000, s2;
	[dreg:$0x1a] =	wrdreg s14  }
0x21: {  	s21 =	sadd.s32 $0x131000, s2;
	s26 =	sadd.s32 $0x136000, s2;
	[dreg:$0x1c] =	wrdreg s16  }
0x22: {  	s11 =	simm.s32 $0x3;
	s12 =	sadd.s32 s6, s18;
	[dreg:$0x1e] =	wrdreg s17  }
0x23: {  	s25 =	sadd.s32 s22, s20;
	[smem:$0x7F9] =	sst s19;
	s20 =	sadd.s32 $0x12E800, s2  }
0x24: {  	s18 =	sadd.s32 $0x127000, s2;
	[smem:$0x7FB] =	sst s21;
	s22 =	sadd.s32 $0x133800, s2  }
0x25: {  	[smem:$0x7FD] =	sst s26;
	s17 =	simm.s32 $0x13880;
	s19 =	simm.s32 $0x13900  }
0x26: {  	s21 =	simm.s32 $0x13B80;
	s26 =	simm.s32 $0x16380;
	[dreg:$0xd] =	wrdreg s12  }
0x27: {  	s10 =	simm.s32 $0x5;
	s5 =	sadd.s32 $0x230, s25;
	[dreg:$0x1f] =	wrdreg s18  }
0x28: {  	s8 =	sadd.s32 $0x1E0, s25;
	s3 =	sadd.s32 $0x190, s25;
	[smem:$0x7FA] =	sst s20  }
0x29: {  	s12 =	sadd.s32 $0xA000, s7;
	[smem:$0x7FC] =	sst s22;
	s18 =	simm.s32 $0x7  }
0x2a: {  	s20 =	simm.s32 $0x50;
	s22 =	simm.s32 $0x13980;
	s23 =	sshrl.u32 s5, $0x3  }
0x2b: {  	s24 =	sshrl.u32 s8, $0x3;
	s25 =	sshrl.u32 s3, $0x3;
	[dreg:$0x18] =	wrdreg s12  }
0x2c: {  	v0 =	vimm.f32 $0.0e+00;
	s3 =	simm.s32 $0x13A00;
	s8 =	simm.s32 $0x2;
	s12 =	simm.s32 $0x6  }
.LBB2_1:
0x2d: {  	s14 =	sand.u32 $0xFE00, s4  }
0x2e: {  	s15 =	sand.u32 $0x70, s4;
	s16 =	sshrl.u32 s14, $0x2  }
0x2f: {  	s14 =	simm.s32 $0x40;
	s16 =	sor.u32 s15, s16;
	s15 =	simm.s32 $0x0  }
.LBB2_2:
0x30: {  	p5 =	sne.s32 s14, $0x9FC0  }
0x31: {  	[tilespmem:s16+$0x13B80] =	vst v0;
	s15 =	sadd.s32 $0x10, s15;
	s16 =	smov.u32 s14;
	s14 =	sadd.s32 $0x40, s14  }
.Ltmp0:
0x32: {  	(pc) =	sbr.rel @p5 .LBB2_2-.Ltmp0, $4  }
0x33: {  	_ = 	snop  }
0x34: {  	s16 =	sand.u32 $0xFE00, s16  }
0x35: {  	s7 =	sand.u32 $0x70, s15;
	s16 =	sshrl.u32 s16, $0x2  }
0x36: {  	s16 =	sor.u32 s7, s16  }
0x37: {  	[tilespmem:s16+$0x13B80] =	vst v0;
	s7 =	simm.s32 @p0 $0x13B80;
	s9 =	rddreg [dreg:$0x1c];
	s14 =	simm.s32 @p0 $0x7  }
0x38: {  	[spmem:s9] =	stream.linear.scatter @p0 [tilespmem:s7], [sflag:$0x7], $0x2800, $0x38;
	[tilespmem:$0x1B380] =	vst v63  }
0x39: {  	_ =	swait.ge @p0 [sflag:s14], $0x2800  }
0x3a: {  	[sflag:s14] =	ssyncset.done @p0 $0x0  }
0x3b: {  	s5 =	rddreg [dreg:$0x1f];
	[sflag:s14] =	ssyncadd.s32 @p0 $0xFFFFD800  }
0x3c: {  	[spmem:s5] =	stream.linear.scatter @p0 [tilespmem:s7], [sflag:$0x7], $0x2800, $0x38;
	[tilespmem:$0x1B380] =	vst v63  }
0x3d: {  	_ =	swait.ge @p0 [sflag:s14], $0x2800  }
0x3e: {  	[sflag:s14] =	ssyncset.done @p0 $0x0  }
0x3f: {  	s5 =	rddreg [dreg:$0x1e];
	[sflag:s14] =	ssyncadd.s32 @p0 $0xFFFFD800  }
0x40: {  	[spmem:s5] =	stream.linear.scatter @p0 [tilespmem:s7], [sflag:$0x7], $0x2800, $0x38;
	[tilespmem:$0x1B380] =	vst v63  }
0x41: {  	_ =	swait.ge @p0 [sflag:s14], $0x2800  }
0x42: {  	s5 =	sld [smem:$0x7F9]  }
0x43: {  	[sflag:s14] =	ssyncset.done @p0 $0x0  }
0x44: {  	[sflag:s14] =	ssyncadd.s32 @p0 $0xFFFFD800  }
0x45: {  	[spmem:s5] =	stream.linear.scatter @p0 [tilespmem:s7], [sflag:$0x7], $0x2800, $0x38;
	[tilespmem:$0x1B380] =	vst v63  }
0x46: {  	_ =	swait.ge @p0 [sflag:s14], $0x2800  }
0x47: {  	s5 =	sld [smem:$0x7FA]  }
0x48: {  	[sflag:s14] =	ssyncset.done @p0 $0x0  }
0x49: {  	[sflag:s14] =	ssyncadd.s32 @p0 $0xFFFFD800  }
0x4a: {  	[spmem:s5] =	stream.linear.scatter @p0 [tilespmem:s7], [sflag:$0x7], $0x2800, $0x38;
	[tilespmem:$0x1B380] =	vst v63  }
0x4b: {  	_ =	swait.ge @p0 [sflag:s14], $0x2800  }
0x4c: {  	s5 =	sld [smem:$0x7FB]  }
0x4d: {  	[sflag:s14] =	ssyncset.done @p0 $0x0  }
0x4e: {  	[sflag:s14] =	ssyncadd.s32 @p0 $0xFFFFD800  }
0x4f: {  	[spmem:s5] =	stream.linear.scatter @p0 [tilespmem:s7], [sflag:$0x7], $0x2800, $0x38;
	[tilespmem:$0x1B380] =	vst v63  }
0x50: {  	_ =	swait.ge @p0 [sflag:s14], $0x2800  }
0x51: {  	s5 =	sld [smem:$0x7FC]  }
0x52: {  	[sflag:s14] =	ssyncset.done @p0 $0x0  }
0x53: {  	[sflag:s14] =	ssyncadd.s32 @p0 $0xFFFFD800  }
0x54: {  	[spmem:s5] =	stream.linear.scatter @p0 [tilespmem:s7], [sflag:$0x7], $0x2800, $0x38;
	[tilespmem:$0x1B380] =	vst v63  }
0x55: {  	_ =	swait.ge @p0 [sflag:s14], $0x2800  }
0x56: {  	s5 =	sld [smem:$0x7FD]  }
0x57: {  	[sflag:s14] =	ssyncset.done @p0 $0x0  }
0x58: {  	[sflag:s14] =	ssyncadd.s32 @p0 $0xFFFFD800  }
0x59: {  	[spmem:s5] =	stream.linear.scatter @p0 [tilespmem:s7], [sflag:$0x7], $0x2800, $0x38;
	[tilespmem:$0x1B380] =	vst v63  }
0x5a: {  	_ =	swait.ge @p0 [sflag:s14], $0x2800  }
0x5b: {  	[sflag:s14] =	ssyncset.done @p0 $0x0  }
0x5c: {  	s7 =	simm.s32 @!p0 $0x13B80;
	[sflag:s14] =	ssyncadd.s32 @p0 $0xFFFFD800;
	s14 =	rddreg [dreg:$0x5]  }
0x5d: {  	[spmem:s14] =	stream.linear.scatter @!p0 [tilespmem:s7], [sflag:$0x7], $0x2800, $0x38;
	[tilespmem:$0x1B380] =	vst v63  }
0x5e: {  	s14 =	simm.s32 @!p0 $0x7  }
0x5f: {  	_ =	swait.ge @!p0 [sflag:s14], $0x2800  }
0x60: {  	[sflag:s14] =	ssyncset.done @!p0 $0x0  }
0x61: {  	s9 =	rddreg [dreg:$0x15];
	[sflag:s14] =	ssyncadd.s32 @!p0 $0xFFFFD800  }
0x62: {  	[spmem:s9] =	stream.linear.scatter @!p0 [tilespmem:s7], [sflag:$0x7], $0x2800, $0x38;
	[tilespmem:$0x1B380] =	vst v63  }
0x63: {  	_ =	swait.ge @!p0 [sflag:s14], $0x2800  }
0x64: {  	[sflag:s14] =	ssyncset.done @!p0 $0x0  }
0x65: {  	s9 =	rddreg [dreg:$0x16];
	[sflag:s14] =	ssyncadd.s32 @!p0 $0xFFFFD800  }
0x66: {  	[spmem:s9] =	stream.linear.scatter @!p0 [tilespmem:s7], [sflag:$0x7], $0x2800, $0x38;
	[tilespmem:$0x1B380] =	vst v63  }
0x67: {  	_ =	swait.ge @!p0 [sflag:s14], $0x2800  }
0x68: {  	[sflag:s14] =	ssyncset.done @!p0 $0x0  }
0x69: {  	s9 =	rddreg [dreg:$0x17];
	[sflag:s14] =	ssyncadd.s32 @!p0 $0xFFFFD800  }
0x6a: {  	[spmem:s9] =	stream.linear.scatter @!p0 [tilespmem:s7], [sflag:$0x7], $0x2800, $0x38;
	[tilespmem:$0x1B380] =	vst v63  }
0x6b: {  	_ =	swait.ge @!p0 [sflag:s14], $0x2800  }
0x6c: {  	[sflag:s14] =	ssyncset.done @!p0 $0x0  }
0x6d: {  	s9 =	rddreg [dreg:$0x18];
	[sflag:s14] =	ssyncadd.s32 @!p0 $0xFFFFD800  }
0x6e: {  	[spmem:s9] =	stream.linear.scatter @!p0 [tilespmem:s7], [sflag:$0x7], $0x2800, $0x38;
	[tilespmem:$0x1B380] =	vst v63  }
0x6f: {  	_ =	swait.ge @!p0 [sflag:s14], $0x2800  }
0x70: {  	[sflag:s14] =	ssyncset.done @!p0 $0x0  }
0x71: {  	s9 =	rddreg [dreg:$0x19];
	[sflag:s14] =	ssyncadd.s32 @!p0 $0xFFFFD800  }
0x72: {  	[spmem:s9] =	stream.linear.scatter @!p0 [tilespmem:s7], [sflag:$0x7], $0x2800, $0x38;
	[tilespmem:$0x1B380] =	vst v63  }
0x73: {  	_ =	swait.ge @!p0 [sflag:s14], $0x2800  }
0x74: {  	[sflag:s14] =	ssyncset.done @!p0 $0x0  }
0x75: {  	s9 =	rddreg [dreg:$0x1a];
	[sflag:s14] =	ssyncadd.s32 @!p0 $0xFFFFD800  }
0x76: {  	[spmem:s9] =	stream.linear.scatter @!p0 [tilespmem:s7], [sflag:$0x7], $0x2800, $0x38;
	[tilespmem:$0x1B380] =	vst v63  }
0x77: {  	_ =	swait.ge @!p0 [sflag:s14], $0x2800  }
0x78: {  	[sflag:s14] =	ssyncset.done @!p0 $0x0  }
0x79: {  	s9 =	rddreg [dreg:$0x1b];
	[sflag:s14] =	ssyncadd.s32 @!p0 $0xFFFFD800  }
0x7a: {  	[spmem:s9] =	stream.linear.scatter @!p0 [tilespmem:s7], [sflag:$0x7], $0x2000, $0x38;
	[tilespmem:$0x1B380] =	vst v63  }
0x7b: {  	_ =	swait.ge @!p0 [sflag:s14], $0x2000  }
0x7c: {  	[sflag:s14] =	ssyncset.done @!p0 $0x0  }
0x7d: {  	[sflag:s14] =	ssyncadd.s32 @!p0 $0xFFFFE000  }
0x7e: {  	[bflag:$0x0] =	sbarrier.arrive $0xFFFF  }
0x7f: {  	s15 =	rddreg [dreg:$0x6]  }
0x80: {  	[tilespmem:s17], [sflag:$0x7] =	stream.linear.gather [hbm4b:s15+s4], $0x50, $0x38;
	[tilespmem:$0x1B380] =	vst v63  }
0x81: {  	_ =	swait.ge [sflag:s18], $0x50  }
0x82: {  	[sflag:s18] =	ssyncset.done $0x0  }
0x83: {  	s16 =	rddreg [dreg:$0x7];
	[sflag:s18] =	ssyncadd.s32 $0xFFFFFFB0  }
0x84: {  	[tilespmem:s19], [sflag:$0x7] =	stream.linear.gather [hbm4b:s16+s4], $0x50, $0x38;
	[tilespmem:$0x1B380] =	vst v63  }
0x85: {  	_ =	swait.ge [sflag:s18], $0x50  }
0x86: {  	[sflag:s18] =	ssyncset.done $0x0  }
0x87: {  	[sflag:s18] =	ssyncadd.s32 $0xFFFFFFB0  }
0x88: {  	[tilespmem:s21], [sflag:$0x1] =	stream.indirect.gather [hbm4b:s1+s20], $0x80, s17, s20, $0xb8;
	[tilespmem:$0x1B380] =	vst v63  }
0x89: {  	s5 =	rddreg [dreg:$0x8]  }
0x8a: {  	[tilespmem:s22], [sflag:$0x7] =	stream.linear.gather [hbm4b:s5+s4], $0x50, $0x38;
	[tilespmem:$0x1B380] =	vst v63  }
0x8b: {  	_ =	swait.ge [sflag:s18], $0x50  }
0x8c: {  	[sflag:s18] =	ssyncset.done $0x0  }
0x8d: {  	s9 =	rddreg [dreg:$0x9];
	[sflag:s18] =	ssyncadd.s32 $0xFFFFFFB0  }
0x8e: {  	[tilespmem:s3], [sflag:$0x7] =	stream.linear.gather [hbm4b:s9+s4], $0x50, $0x38;
	[tilespmem:$0x1B380] =	vst v63  }
0x8f: {  	_ =	swait.ge [sflag:s18], $0x50  }
0x90: {  	[sflag:s18] =	ssyncset.done $0x0  }
0x91: {  	[sflag:s18] =	ssyncadd.s32 $0xFFFFFFB0  }
0x92: {  	[tilespmem:s26], [sflag:$0x2] =	stream.indirect.gather [hbm4b:s1+s20], $0x80, s22, s20, $0xb8;
	[tilespmem:$0x1B380] =	vst v63  }
0x93: {  	s14 =	rddreg [dreg:$0xa]  }
0x94: {  	[tilespmem:s28], [sflag:$0x7] =	stream.linear.gather [hbm4b:s14+s4], $0x50, $0x38;
	[tilespmem:$0x1B380] =	vst v63  }
0x95: {  	_ =	swait.ge [sflag:s18], $0x50  }
0x96: {  	[sflag:s18] =	ssyncset.done $0x0  }
0x97: {  	s15 =	rddreg [dreg:$0xb];
	[sflag:s18] =	ssyncadd.s32 $0xFFFFFFB0  }
0x98: {  	[tilespmem:s29], [sflag:$0x7] =	stream.linear.gather [hbm4b:s15+s4], $0x50, $0x38;
	[tilespmem:$0x1B380] =	vst v63  }
0x99: {  	_ =	swait.ge [sflag:s18], $0x50  }
0x9a: {  	[sflag:s18] =	ssyncset.done $0x0  }
0x9b: {  	[sflag:s18] =	ssyncadd.s32 $0xFFFFFFB0  }
0x9c: {  	[tilespmem:s30], [sflag:$0x3] =	stream.indirect.gather [hbm4b:s1+s20], $0x80, s28, s20, $0xb8;
	[tilespmem:$0x1B380] =	vst v63  }
0x9d: {  	_ =	swait.ge [sflag:s31], $0x2800  }
0x9e: {  	[sflag:s31] =	ssyncset.done $0x0  }
0x9f: {  	[sflag:s31] =	ssyncadd.s32 $0xFFFFD800  }
0xa0: {  	[spmem:s2] =	stream.indirect.scatter.add.f32 [tilespmem:s21], [sflag:$0x4], $0x80, s19, s20, $0xb8;
	[tilespmem:$0x1B380] =	vst v63  }
0xa1: {  	_ =	swait.ge [sflag:s0], $0x2800  }
0xa2: {  	[sflag:s0] =	ssyncset.done $0x0  }
0xa3: {  	s16 =	rddreg [dreg:$0xc];
	[sflag:s0] =	ssyncadd.s32 $0xFFFFD800  }
0xa4: {  	[tilespmem:s17], [sflag:$0x7] =	stream.linear.gather [hbm4b:s16+s4], $0x50, $0x38;
	[tilespmem:$0x1B380] =	vst v63  }
0xa5: {  	_ =	swait.ge [sflag:s18], $0x50  }
0xa6: {  	[sflag:s18] =	ssyncset.done $0x0  }
0xa7: {  	s5 =	rddreg [dreg:$0xd];
	[sflag:s18] =	ssyncadd.s32 $0xFFFFFFB0  }
0xa8: {  	[tilespmem:s19], [sflag:$0x7] =	stream.linear.gather [hbm4b:s5+s4], $0x50, $0x38;
	[tilespmem:$0x1B380] =	vst v63  }
0xa9: {  	_ =	swait.ge [sflag:s18], $0x50  }
0xaa: {  	[sflag:s18] =	ssyncset.done $0x0  }
0xab: {  	[sflag:s18] =	ssyncadd.s32 $0xFFFFFFB0  }
0xac: {  	[tilespmem:s21], [sflag:$0x1] =	stream.indirect.gather [hbm4b:s1+s20], $0x80, s17, s20, $0xb8;
	[tilespmem:$0x1B380] =	vst v63  }
0xad: {  	_ =	swait.ge [sflag:s8], $0x2800  }
0xae: {  	[sflag:s8] =	ssyncset.done $0x0  }
0xaf: {  	[sflag:s8] =	ssyncadd.s32 $0xFFFFD800  }
0xb0: {  	[spmem:s2] =	stream.indirect.scatter.add.f32 [tilespmem:s26], [sflag:$0x5], $0x80, s3, s20, $0xb8;
	[tilespmem:$0x1B380] =	vst v63  }
0xb1: {  	_ =	swait.ge [sflag:s10], $0x2800  }
0xb2: {  	[sflag:s10] =	ssyncset.done $0x0  }
0xb3: {  	s9 =	rddreg [dreg:$0xe];
	[sflag:s10] =	ssyncadd.s32 $0xFFFFD800  }
0xb4: {  	[tilespmem:s22], [sflag:$0x7] =	stream.linear.gather [hbm4b:s9+s4], $0x50, $0x38;
	[tilespmem:$0x1B380] =	vst v63  }
0xb5: {  	_ =	swait.ge [sflag:s18], $0x50  }
0xb6: {  	[sflag:s18] =	ssyncset.done $0x0  }
0xb7: {  	s14 =	rddreg [dreg:$0xf];
	[sflag:s18] =	ssyncadd.s32 $0xFFFFFFB0  }
0xb8: {  	[tilespmem:s3], [sflag:$0x7] =	stream.linear.gather [hbm4b:s14+s4], $0x50, $0x38;
	[tilespmem:$0x1B380] =	vst v63  }
0xb9: {  	_ =	swait.ge [sflag:s18], $0x50  }
0xba: {  	[sflag:s18] =	ssyncset.done $0x0  }
0xbb: {  	[sflag:s18] =	ssyncadd.s32 $0xFFFFFFB0  }
0xbc: {  	[tilespmem:s26], [sflag:$0x2] =	stream.indirect.gather [hbm4b:s1+s20], $0x80, s22, s20, $0xb8;
	[tilespmem:$0x1B380] =	vst v63  }
0xbd: {  	_ =	swait.ge [sflag:s11], $0x2800  }
0xbe: {  	[sflag:s11] =	ssyncset.done $0x0  }
0xbf: {  	[sflag:s11] =	ssyncadd.s32 $0xFFFFD800  }
0xc0: {  	[spmem:s2] =	stream.indirect.scatter.add.f32 [tilespmem:s30], [sflag:$0x6], $0x80, s29, s20, $0xb8;
	[tilespmem:$0x1B380] =	vst v63  }
0xc1: {  	_ =	swait.ge [sflag:s12], $0x2800  }
0xc2: {  	[sflag:s12] =	ssyncset.done $0x0;
	s5 =	rddreg [dreg:$0x1d]  }
0xc3: {  	[sflag:s12] =	ssyncadd.s32 $0xFFFFD800;
	s15 =	sadd.s32 s5, s25  }
0xc4: {  	[tilespmem:s28], [sflag:$0x7] =	stream.linear.gather [hbm4b:s15+s4], $0x50, $0x38;
	[tilespmem:$0x1B380] =	vst v63  }
0xc5: {  	_ =	swait.ge [sflag:s18], $0x50  }
0xc6: {  	[sflag:s18] =	ssyncset.done $0x0  }
0xc7: {  	s16 =	sadd.s32 s6, s25;
	[sflag:s18] =	ssyncadd.s32 $0xFFFFFFB0  }
0xc8: {  	[tilespmem:s29], [sflag:$0x7] =	stream.linear.gather [hbm4b:s16+s4], $0x50, $0x38;
	[tilespmem:$0x1B380] =	vst v63  }
0xc9: {  	_ =	swait.ge [sflag:s18], $0x50  }
0xca: {  	[sflag:s18] =	ssyncset.done $0x0  }
0xcb: {  	[sflag:s18] =	ssyncadd.s32 $0xFFFFFFB0  }
0xcc: {  	[tilespmem:s30], [sflag:$0x3] =	stream.indirect.gather [hbm4b:s1+s20], $0x80, s28, s20, $0xb8;
	[tilespmem:$0x1B380] =	vst v63  }
0xcd: {  	_ =	swait.ge [sflag:s31], $0x2800  }
0xce: {  	[sflag:s31] =	ssyncset.done $0x0  }
0xcf: {  	[sflag:s31] =	ssyncadd.s32 $0xFFFFD800  }
0xd0: {  	[spmem:s2] =	stream.indirect.scatter.add.f32 [tilespmem:s21], [sflag:$0x4], $0x80, s19, s20, $0xb8;
	[tilespmem:$0x1B380] =	vst v63  }
0xd1: {  	_ =	swait.ge [sflag:s0], $0x2800  }
0xd2: {  	[sflag:s0] =	ssyncset.done $0x0  }
0xd3: {  	s9 =	sadd.s32 s5, s24;
	[sflag:s0] =	ssyncadd.s32 $0xFFFFD800  }
0xd4: {  	[tilespmem:s17], [sflag:$0x7] =	stream.linear.gather [hbm4b:s9+s4], $0x50, $0x38;
	[tilespmem:$0x1B380] =	vst v63  }
0xd5: {  	_ =	swait.ge [sflag:s18], $0x50  }
0xd6: {  	[sflag:s18] =	ssyncset.done $0x0  }
0xd7: {  	s14 =	sadd.s32 s6, s24;
	[sflag:s18] =	ssyncadd.s32 $0xFFFFFFB0  }
0xd8: {  	[tilespmem:s19], [sflag:$0x7] =	stream.linear.gather [hbm4b:s14+s4], $0x50, $0x38;
	[tilespmem:$0x1B380] =	vst v63  }
0xd9: {  	_ =	swait.ge [sflag:s18], $0x50  }
0xda: {  	[sflag:s18] =	ssyncset.done $0x0  }
0xdb: {  	[sflag:s18] =	ssyncadd.s32 $0xFFFFFFB0  }
0xdc: {  	[tilespmem:s21], [sflag:$0x1] =	stream.indirect.gather [hbm4b:s1+s20], $0x80, s17, s20, $0xb8;
	[tilespmem:$0x1B380] =	vst v63  }
0xdd: {  	_ =	swait.ge [sflag:s8], $0x2800  }
0xde: {  	[sflag:s8] =	ssyncset.done $0x0  }
0xdf: {  	[sflag:s8] =	ssyncadd.s32 $0xFFFFD800  }
0xe0: {  	[spmem:s2] =	stream.indirect.scatter.add.f32 [tilespmem:s26], [sflag:$0x5], $0x80, s3, s20, $0xb8;
	[tilespmem:$0x1B380] =	vst v63  }
0xe1: {  	_ =	swait.ge [sflag:s10], $0x2800  }
0xe2: {  	[sflag:s10] =	ssyncset.done $0x0  }
0xe3: {  	s15 =	sadd.s32 s5, s23;
	[sflag:s10] =	ssyncadd.s32 $0xFFFFD800  }
0xe4: {  	[tilespmem:s22], [sflag:$0x7] =	stream.linear.gather [hbm4b:s15+s4], $0x50, $0x38;
	[tilespmem:$0x1B380] =	vst v63  }
0xe5: {  	_ =	swait.ge [sflag:s18], $0x50  }
0xe6: {  	[sflag:s18] =	ssyncset.done $0x0  }
0xe7: {  	s16 =	sadd.s32 s6, s23;
	[sflag:s18] =	ssyncadd.s32 $0xFFFFFFB0  }
0xe8: {  	[tilespmem:s3], [sflag:$0x7] =	stream.linear.gather [hbm4b:s16+s4], $0x50, $0x38;
	[tilespmem:$0x1B380] =	vst v63  }
0xe9: {  	_ =	swait.ge [sflag:s18], $0x50  }
0xea: {  	[sflag:s18] =	ssyncset.done $0x0  }
0xeb: {  	[sflag:s18] =	ssyncadd.s32 $0xFFFFFFB0  }
0xec: {  	[tilespmem:s26], [sflag:$0x2] =	stream.indirect.gather [hbm4b:s1+s20], $0x80, s22, s20, $0xb8;
	[tilespmem:$0x1B380] =	vst v63  }
0xed: {  	_ =	swait.ge [sflag:s11], $0x2800  }
0xee: {  	s14 =	simm.s32 $0x27;
	[sflag:s11] =	ssyncset.done $0x0  }
0xef: {  	s15 =	sadd.s32 $0x1E, s6;
	s16 =	sadd.s32 $0x1E, s5;
	[sflag:s11] =	ssyncadd.s32 $0xFFFFD800  }
.LBB2_4:
0xf0: {  	[spmem:s2] =	stream.indirect.scatter.add.f32 [tilespmem:s30], [sflag:$0x6], $0x80, s29, s20, $0xb8;
	[tilespmem:$0x1B380] =	vst v63  }
0xf1: {  	p5 =	sne.s32 s14, $0x1;
	s14 =	sadd.s32 $0xFFFFFFFF, s14;
	_ =	swait.ge [sflag:s12], $0x2800  }
0xf2: {  	[sflag:s12] =	ssyncset.done $0x0  }
0xf3: {  	s7 =	sadd.s32 s16, s25;
	[sflag:s12] =	ssyncadd.s32 $0xFFFFD800  }
0xf4: {  	[tilespmem:s28], [sflag:$0x7] =	stream.linear.gather [hbm4b:s7+s4], $0x50, $0x38;
	[tilespmem:$0x1B380] =	vst v63  }
0xf5: {  	_ =	swait.ge [sflag:s18], $0x50  }
0xf6: {  	[sflag:s18] =	ssyncset.done $0x0  }
0xf7: {  	s7 =	sadd.s32 s15, s25;
	[sflag:s18] =	ssyncadd.s32 $0xFFFFFFB0  }
0xf8: {  	[tilespmem:s29], [sflag:$0x7] =	stream.linear.gather [hbm4b:s7+s4], $0x50, $0x38;
	[tilespmem:$0x1B380] =	vst v63  }
0xf9: {  	_ =	swait.ge [sflag:s18], $0x50  }
0xfa: {  	[sflag:s18] =	ssyncset.done $0x0  }
0xfb: {  	[sflag:s18] =	ssyncadd.s32 $0xFFFFFFB0  }
0xfc: {  	[tilespmem:s30], [sflag:$0x3] =	stream.indirect.gather [hbm4b:s1+s20], $0x80, s28, s20, $0xb8;
	[tilespmem:$0x1B380] =	vst v63  }
0xfd: {  	_ =	swait.ge [sflag:s31], $0x2800  }
0xfe: {  	[sflag:s31] =	ssyncset.done $0x0  }
0xff: {  	[sflag:s31] =	ssyncadd.s32 $0xFFFFD800  }
0x100: {  	[spmem:s2] =	stream.indirect.scatter.add.f32 [tilespmem:s21], [sflag:$0x4], $0x80, s19, s20, $0xb8;
	[tilespmem:$0x1B380] =	vst v63  }
0x101: {  	_ =	swait.ge [sflag:s0], $0x2800  }
0x102: {  	[sflag:s0] =	ssyncset.done $0x0  }
0x103: {  	s7 =	sadd.s32 s16, s24;
	[sflag:s0] =	ssyncadd.s32 $0xFFFFD800  }
0x104: {  	[tilespmem:s17], [sflag:$0x7] =	stream.linear.gather [hbm4b:s7+s4], $0x50, $0x38;
	[tilespmem:$0x1B380] =	vst v63  }
0x105: {  	_ =	swait.ge [sflag:s18], $0x50  }
0x106: {  	[sflag:s18] =	ssyncset.done $0x0  }
0x107: {  	s7 =	sadd.s32 s15, s24;
	[sflag:s18] =	ssyncadd.s32 $0xFFFFFFB0  }
0x108: {  	[tilespmem:s19], [sflag:$0x7] =	stream.linear.gather [hbm4b:s7+s4], $0x50, $0x38;
	[tilespmem:$0x1B380] =	vst v63  }
0x109: {  	_ =	swait.ge [sflag:s18], $0x50  }
0x10a: {  	[sflag:s18] =	ssyncset.done $0x0  }
0x10b: {  	[sflag:s18] =	ssyncadd.s32 $0xFFFFFFB0  }
0x10c: {  	[tilespmem:s21], [sflag:$0x1] =	stream.indirect.gather [hbm4b:s1+s20], $0x80, s17, s20, $0xb8;
	[tilespmem:$0x1B380] =	vst v63  }
0x10d: {  	_ =	swait.ge [sflag:s8], $0x2800  }
0x10e: {  	[sflag:s8] =	ssyncset.done $0x0  }
0x10f: {  	[sflag:s8] =	ssyncadd.s32 $0xFFFFD800  }
0x110: {  	[spmem:s2] =	stream.indirect.scatter.add.f32 [tilespmem:s26], [sflag:$0x5], $0x80, s3, s20, $0xb8;
	[tilespmem:$0x1B380] =	vst v63  }
0x111: {  	_ =	swait.ge [sflag:s10], $0x2800  }
0x112: {  	[sflag:s10] =	ssyncset.done $0x0  }
0x113: {  	s7 =	sadd.s32 s16, s23;
	[sflag:s10] =	ssyncadd.s32 $0xFFFFD800  }
0x114: {  	[tilespmem:s22], [sflag:$0x7] =	stream.linear.gather [hbm4b:s7+s4], $0x50, $0x38;
	[tilespmem:$0x1B380] =	vst v63  }
0x115: {  	_ =	swait.ge [sflag:s18], $0x50  }
0x116: {  	[sflag:s18] =	ssyncset.done $0x0  }
0x117: {  	s7 =	sadd.s32 s15, s23;
	[sflag:s18] =	ssyncadd.s32 $0xFFFFFFB0  }
0x118: {  	[tilespmem:s3], [sflag:$0x7] =	stream.linear.gather [hbm4b:s7+s4], $0x50, $0x38;
	[tilespmem:$0x1B380] =	vst v63  }
0x119: {  	_ =	swait.ge [sflag:s18], $0x50  }
0x11a: {  	[sflag:s18] =	ssyncset.done $0x0  }
.Ltmp1:
0x11b: {  	[sflag:s18] =	ssyncadd.s32 $0xFFFFFFB0;
	(pc) =	sbr.rel @p5 .LBB2_4-.Ltmp1, $4  }
0x11c: {  	[tilespmem:s26], [sflag:$0x2] =	stream.indirect.gather [hbm4b:s1+s20], $0x80, s22, s20, $0xb8;
	[tilespmem:$0x1B380] =	vst v63  }
0x11d: {  	_ =	swait.ge [sflag:s11], $0x2800  }
0x11e: {  	[sflag:s11] =	ssyncset.done $0x0  }
0x11f: {  	s16 =	sadd.s32 $0x1E, s16;
	s15 =	sadd.s32 $0x1E, s15;
	[sflag:s11] =	ssyncadd.s32 $0xFFFFD800  }
0x120: {  	[spmem:s2] =	stream.indirect.scatter.add.f32 [tilespmem:s30], [sflag:$0x6], $0x80, s29, s20, $0xb8;
	[tilespmem:$0x1B380] =	vst v63  }
0x121: {  	_ =	swait.ge [sflag:s12], $0x2800  }
0x122: {  	[sflag:s12] =	ssyncset.done $0x0  }
0x123: {  	[sflag:s12] =	ssyncadd.s32 $0xFFFFD800  }
0x124: {  	_ =	swait.ge [sflag:s31], $0x2800  }
0x125: {  	[sflag:s31] =	ssyncset.done $0x0  }
0x126: {  	[sflag:s31] =	ssyncadd.s32 $0xFFFFD800  }
0x127: {  	[spmem:s2] =	stream.indirect.scatter.add.f32 [tilespmem:s21], [sflag:$0x4], $0x80, s19, s20, $0xb8;
	[tilespmem:$0x1B380] =	vst v63  }
0x128: {  	_ =	swait.ge [sflag:s0], $0x2800  }
0x129: {  	[sflag:s0] =	ssyncset.done $0x0  }
0x12a: {  	[sflag:s0] =	ssyncadd.s32 $0xFFFFD800  }
0x12b: {  	_ =	swait.ge [sflag:s8], $0x2800  }
0x12c: {  	[sflag:s8] =	ssyncset.done $0x0  }
0x12d: {  	[sflag:s8] =	ssyncadd.s32 $0xFFFFD800  }
0x12e: {  	[spmem:s2] =	stream.indirect.scatter.add.f32 [tilespmem:s26], [sflag:$0x5], $0x80, s3, s20, $0xb8;
	[tilespmem:$0x1B380] =	vst v63  }
0x12f: {  	_ =	swait.ge [sflag:s10], $0x2800  }
0x130: {  	[sflag:s10] =	ssyncset.done $0x0  }
0x131: {  	[sflag:s10] =	ssyncadd.s32 $0xFFFFD800  }
0x132: {  	[bflag:$0x0] =	sbarrier.arrive $0xFFFF  }
0x133: {  	s5 =	rddreg [dreg:$0x1c]  }
0x134: {  	s14 =	simm.s32 @!p1 $0x1FC7;
	s9 =	rddreg [dreg:$0x13];
	s7 =	sshrl.u32 @!p1 s5, $0x3  }
0x135: {  	[hbm:s9], [sflag:s14] =	dma.local @!p1 [spmem:s7], $0x2800  }
0x136: {  	s7 =	simm.s32 @!p1 $0x7  }
0x137: {  	_ =	swait.ge @!p1 [sflag:s7], $0x2800  }
0x138: {  	s16 =	stileid.u32;
	s9 =	rddreg [dreg:$0x5]  }
0x139: {  	s14 =	sshll.u32 @!p2 s16, $0x6;
	[sflag:s7] =	ssyncset.done @!p1 $0x0;
	s15 =	rddreg [dreg:$0x12]  }
0x13a: {  	[sflag:s7] =	ssyncadd.s32 @!p1 $0xFFFFD800;
	s7 =	sor.u32 @!p2 $0x1C07, s14;
	s14 =	sshrl.u32 @!p2 s9, $0x3  }
0x13b: {  	[hbm:s15], [sflag:s7] =	dma.local @!p2 [spmem:s14], $0x2700  }
0x13c: {  	s7 =	simm.s32 @!p2 $0x7  }
0x13d: {  	_ =	swait.ge @!p2 [sflag:s7], $0x2700  }
0x13e: {  	s14 =	simm.s32 @!p3 $0x1FC7;
	[sflag:s7] =	ssyncset.done @!p2 $0x0  }
0x13f: {  	s15 =	rddreg [dreg:$0x11];
	[sflag:s7] =	ssyncadd.s32 @!p2 $0xFFFFD900;
	s7 =	sshrl.u32 @!p3 s5, $0x3  }
0x140: {  	[hbm:s15], [sflag:s14] =	dma.local @!p3 [spmem:s7], $0x2800  }
0x141: {  	s7 =	simm.s32 @!p3 $0x7  }
0x142: {  	_ =	swait.ge @!p3 [sflag:s7], $0x2800  }
0x143: {  	[sflag:s7] =	ssyncset.done @!p3 $0x0  }
0x144: {  	s14 =	sshll.u32 @!p4 s16, $0x6;
	[sflag:s7] =	ssyncadd.s32 @!p3 $0xFFFFD800  }
0x145: {  	s7 =	sor.u32 @!p4 $0x1C07, s14;
	s14 =	sshrl.u32 @!p4 s9, $0x3;
	s9 =	rddreg [dreg:$0x10]  }
0x146: {  	[hbm:s9], [sflag:s7] =	dma.local @!p4 [spmem:s14], $0x2700  }
0x147: {  	s7 =	simm.s32 @!p4 $0x7  }
0x148: {  	_ =	swait.ge @!p4 [sflag:s7], $0x2700  }
0x149: {  	s13 =	sadd.s32 $0x1, s13;
	s16 =	rddreg [dreg:$0x14]  }
0x14a: {  	p5 =	sne.s32 s13, s16  }
.Ltmp2:
0x14b: {  	_ = 	snop;
	(pc) =	sbr.rel @p5 .LBB2_1-.Ltmp2, $3  }
0x14c: {  	_ =	sdelay $0x1  }
0x14d: {  	[sflag:s7] =	ssyncset.done @!p4 $0x0  }
0x14e: {  	s15 =	stileid.u32;
	[sflag:s7] =	ssyncadd.s32 @!p4 $0xFFFFD900  }
0x14f: {  	_ =	sfence.sel $0x180000  }
0x150: {  	[bflag:$0x0] =	sbarrier.arrive $0xFFFF  }
0x151: {  	_ =	strace $0x90000047  }
0x152: {  	[bflag:$0x2] =	sbarrier.arrive $0xFFFF  }
0x153: {  	p0 =	sne.s32 s15, $0x0;
	s0 =	rddreg [dreg:$0x4]  }
0x154: {  	s0 =	sadd.s32 @!p0 $0x100000, s0  }
0x155: {  	[sflag:s0] =	ssyncadd.tile.s32 @!p0 $0x1;
	_ =	shalt  }
.Lfunc_end2:
_tile_overlayer_lowered:
.L_overlay_start_2:
0x156: {  	(tag) =	ssettag $0x2  }
0x157: {  	s0 =	rddreg [dreg:$0x0];
	s2 =	stileid.u32  }
0x158: {  	s1 =	rddreg [dreg:$0x1];
	p0 =	sne.s32 s2, $0x0  }
0x159: {  	s3 =	rddreg [dreg:$0x2];
	[bflag:$0x3] =	sbarrier.arrive $0xFFFF;
	s2 =	simm.s32 @!p0 $0x1C07  }
0x15a: {  	[timem:s3], [sflag:s2] =	dma.local @!p0 [hbm:s0], s1  }
0x15b: {  	s0 =	simm.s32 @!p0 $0x7  }
0x15c: {  	_ =	swait.ge @!p0 [sflag:s0], s1  }
0x15d: {  	s1 =	ssub.s32 @!p0 $0x0, s1;
	[sflag:s0] =	ssyncset.done @!p0 $0x0  }
0x15e: {  	[sflag:s0] =	ssyncadd.s32 @!p0 s1  }
0x15f: {  	[bflag:$0x3] =	sbarrier.arrive $0xFFFF  }
0x160: {  	_ =	shalt  }

// kernel: kernel.9.cloned.1.call-start
scs
__scs_entry_jumppad:
0x0: {  	(pc) =	sbr.rel $0x88, $3  }
0x1: {  	(tag) =	ssettag $0x0;
	lr =	simm.s32 $0x1  }
0x2: {  	[smem:$0x3F97] =	sst lr;
	_ =	strace $0xD0000000  }
0x3: {  	_ = 	snop  }
0x4: {  	_ = 	snop  }
0x5: {  	_ = 	snop  }
0x6: {  	_ = 	snop  }
0x7: {  	_ = 	snop  }
__scs_overlays_trampoline_lowered:
0x8: {  	[smem:$0x3FA6] =	sst s0  }
0x9: {  	[smem:$0x3FA7] =	sst s1  }
0xa: {  	[smem:$0x3FA8] =	sst s2  }
0xb: {  	[smem:$0x3FA9] =	sst s3  }
0xc: {  	[smem:$0x3FAA] =	sst s4  }
0xd: {  	[smem:$0x3FAB] =	sst s5  }
0xe: {  	[smem:$0x3FAC] =	sst s6  }
0xf: {  	[smem:$0x3FAD] =	sst s7  }
0x10: {  	[smem:$0x3FAE] =	sst s8  }
0x11: {  	[smem:$0x3FAF] =	sst s9;
	s0 =	simm.s32 @!p0 $0x0  }
0x12: {  	s1 =	sld [smem:$0x3F95];
	s0 =	simm.s32 @p0 $0x1  }
0x13: {  	[smem:$0x3FB0] =	sst s0;
	s0 =	simm.s32 @!p1 $0x0  }
0x14: {  	s2 =	sld [smem:$0x3F94];
	s0 =	simm.s32 @p1 $0x1  }
0x15: {  	[smem:$0x3FB1] =	sst s0;
	s0 =	simm.s32 @!p2 $0x0  }
0x16: {  	s3 =	sld [smem:$0x3FDB];
	s0 =	simm.s32 @p2 $0x1  }
0x17: {  	s4 =	simm.s32 $0x1BF5;
	[smem:$0x3FB3] =	sst s0  }
0x18: {  	s0 =	sld [smem:$0x3F96];
	_ =	swait.ge [sflag:s4], $0x0  }
0x19: {  	s7 =	sld [smem:$0x3F97]  }
0x1a: {  	s8 =	sadd.s32 $0xFFFFE003, lr  }
0x1b: {  	s9 =	sadd.s32 $0xFFFFFEF7, lr;
	s5 =	simm.s32 $0xFFFFFFFF;
	p2 =	slt.u32 s8, $0xFFFFF086  }
0x1c: {  	p1 =	slt.u32 s9, $0xF7A;
	s5 =	simm.s32 @!p2 $0x0  }
0x1d: {  	s5 =	simm.s32 @p1 $0x1;
	p0 =	seq.s32 s7, s2  }
0x1e: {  	s7 =	smul.u32 @!p0 $0xF7A, s2;
	p2 =	seq.s32 @!p0 s5, $0x0  }
0x1f: {  	s9 =	smul.u32 $0xF7A, s1;
	s8 =	simm.s32 @!p0 $0x1BF5;
	p2 =	por !p2, p0  }
0x20: {  	[sflag:s8] =	ssyncset.s32 @!p0 $0xFFFFF086;
	s6 =	sadd.s32 @!p0 s3, s7;
	s7 =	simm.s32 @!p0 $0x108  }
0x21: {  	s3 =	sadd.s32 s3, s9;
	s6 =	sadd.s32 @!p0 $0x88, s6;
	s7 =	simm.s32 @p2 $0x1082  }
0x22: {  	[simem:s7], [sflag:s8] =	dma.local @!p0 [hbm:s6], $0xF7A  }
0x23: {  	s9 =	sor.u32 $0xD0000000, s2;
	s6 =	simm.s32 $0x108;
	_ =	swait.ge @!p0 [sflag:s8], $0x0  }
0x24: {  	s3 =	sadd.s32 $0x88, s3;
	s6 =	simm.s32 @!p1 $0x1082;
	[sflag:s4] =	ssyncset.s32 $0xFFFFF086  }
0x25: {  	[simem:s6], [sflag:s4] =	dma.local [hbm:s3], $0xF7A  }
0x26: {  	[smem:$0x3F97] =	sst s1;
	(tag) =	ssettag s2;
	_ =	strace s9  }
0x27: {  	s1 =	sld [smem:$0x3FA7]  }
0x28: {  	s2 =	sld [smem:$0x3FA8]  }
0x29: {  	s4 =	sld [smem:$0x3FAA]  }
0x2a: {  	p0 =	seq.s32 s5, $0x0;
	s5 =	sld [smem:$0x3FAB]  }
0x2b: {  	s6 =	sld [smem:$0x3FAC]  }
0x2c: {  	s7 =	sld [smem:$0x3FAD]  }
0x2d: {  	s3 =	simm.s32 $0x108;
	s8 =	sld [smem:$0x3FAE]  }
0x2e: {  	s3 =	simm.s32 @!p0 $0x1082;
	s9 =	sld [smem:$0x3FAF]  }
0x2f: {  	lr =	sadd.s32 s0, s3;
	s0 =	sld [smem:$0x3FA6]  }
0x30: {  	s3 =	sld [smem:$0x3FA9]  }
0x31: {  	[smem:$0x3FB2] =	sst s10  }
0x32: {  	s10 =	sld [smem:$0x3FB0];
	_ =	sdelay $0x3  }
0x33: {  	p0 =	seq.s32 s10, $0x1;
	s10 =	sld [smem:$0x3FB2];
	_ =	sdelay $0x3  }
0x34: {  	[smem:$0x3FB2] =	sst s10  }
0x35: {  	s10 =	sld [smem:$0x3FB1];
	_ =	sdelay $0x3  }
0x36: {  	p1 =	seq.s32 s10, $0x1;
	s10 =	sld [smem:$0x3FB2];
	_ =	sdelay $0x3  }
0x37: {  	[smem:$0x3FB2] =	sst s10  }
0x38: {  	s10 =	sld [smem:$0x3FB3]  }
0x39: {  	_ = 	snop;
	(pc) =	sbr.ind lr, $3  }
0x3a: {  	_ = 	snop  }
0x3b: {  	_ = 	snop  }
0x3c: {  	p2 =	seq.s32 s10, $0x1;
	s10 =	sld [smem:$0x3FB2]  }
0x3d: {  	_ =	shalt  }
0x3e: {  	_ =	shalt  }
0x3f: {  	_ =	shalt  }
0x40: {  	_ =	shalt  }
0x41: {  	_ =	shalt  }
0x42: {  	_ =	shalt  }
0x43: {  	_ =	shalt  }
0x44: {  	_ =	shalt  }
0x45: {  	_ =	shalt  }
0x46: {  	_ =	shalt  }
0x47: {  	_ =	shalt  }
0x48: {  	_ =	shalt  }
0x49: {  	_ =	shalt  }
0x4a: {  	_ =	shalt  }
0x4b: {  	_ =	shalt  }
0x4c: {  	_ =	shalt  }
0x4d: {  	_ =	shalt  }
0x4e: {  	_ =	shalt  }
0x4f: {  	_ =	shalt  }
0x50: {  	_ =	shalt  }
0x51: {  	_ =	shalt  }
0x52: {  	_ =	shalt  }
0x53: {  	_ =	shalt  }
0x54: {  	_ =	shalt  }
0x55: {  	_ =	shalt  }
0x56: {  	_ =	shalt  }
0x57: {  	_ =	shalt  }
0x58: {  	_ =	shalt  }
0x59: {  	_ =	shalt  }
0x5a: {  	_ =	shalt  }
0x5b: {  	_ =	shalt  }
0x5c: {  	_ =	shalt  }
0x5d: {  	_ =	shalt  }
0x5e: {  	_ =	shalt  }
0x5f: {  	_ =	shalt  }
0x60: {  	_ =	shalt  }
0x61: {  	_ =	shalt  }
0x62: {  	_ =	shalt  }
0x63: {  	_ =	shalt  }
0x64: {  	_ =	shalt  }
0x65: {  	_ =	shalt  }
0x66: {  	_ =	shalt  }
0x67: {  	_ =	shalt  }
0x68: {  	_ =	shalt  }
0x69: {  	_ =	shalt  }
0x6a: {  	_ =	shalt  }
0x6b: {  	_ =	shalt  }
0x6c: {  	_ =	shalt  }
0x6d: {  	_ =	shalt  }
0x6e: {  	_ =	shalt  }
0x6f: {  	_ =	shalt  }
0x70: {  	_ =	shalt  }
0x71: {  	_ =	shalt  }
0x72: {  	_ =	shalt  }
0x73: {  	_ =	shalt  }
0x74: {  	_ =	shalt  }
0x75: {  	_ =	shalt  }
0x76: {  	_ =	shalt  }
0x77: {  	_ =	shalt  }
0x78: {  	_ =	shalt  }
0x79: {  	_ =	shalt  }
0x7a: {  	_ =	shalt  }
0x7b: {  	_ =	shalt  }
0x7c: {  	_ =	shalt  }
0x7d: {  	_ =	shalt  }
0x7e: {  	_ =	shalt  }
0x7f: {  	_ =	shalt  }
0x80: {  	_ =	shalt  }
0x81: {  	_ =	shalt  }
0x82: {  	_ =	shalt  }
0x83: {  	_ =	shalt  }
0x84: {  	_ =	shalt  }
0x85: {  	_ =	shalt  }
0x86: {  	_ =	shalt  }
0x87: {  	_ =	shalt  }
.Lfunc_end0:
.L_simem_size_0:
called_computation.1_lowered:
.L_overlay_start_0:
0x88: {  	s2 =	sld [smem:$0x3FD9]  }
0x89: {  	s3 =	sld [smem:$0x3FFE];
	_ =	sdelay $0x1  }
0x8a: {  	s1 =	srdreg.scid  }
0x8b: {  	s0 =	sand.u32 $0x1, s1  }
0x8c: {  	s17 =	sshll.u32 s0, $0xA;
	s2 =	sadd.s32 s3, s2  }
0x8d: {  	s2 =	sadd.s32 s2, s17  }
0x8e: {  	[smem:$0x3FBE] =	sst s2  }
0x8f: {  	_ = 	snop  }
0x90: {  	s2 =	sld [smem:$0x3FD0];
	(tm) =	ssettm $0x1  }
0x91: {  	s18 =	sld [smem:$0x3FFB];
	_ =	sdelay $0x3  }
0x92: {  	_ =	strace s18  }
0x93: {  	s3 =	sld [smem:$0x3FFC];
	_ =	sdelay $0x3  }
0x94: {  	_ =	strace s3  }
0x95: {  	s3 =	sld [smem:$0x3FFD];
	_ =	sdelay $0x3  }
0x96: {  	_ =	strace s3  }
0x97: {  	_ =	strace $0x8FFFFFFF  }
0x98: {  	s19 =	sld [smem:$0x3FDB];
	_ =	sdelay $0x1  }
0x99: {  	s4 =	simm.s32 $_scs_section_size  }
0x9a: {  	s5 =	simm.s32 $_size__tile_overlayer_lowered;
	s6 =	simm.s32 $_tile_overlayer_lowered  }
0x9b: {  	s22 =	simm.s32 $0x1BFF;
	s21 =	sshll.u32 s6, $0x1;
	s3 =	sadd.s32 s4, s19  }
0x9c: {  	s7 =	simm.s32 $0x0;
	s20 =	sshll.u32 s5, $0x1;
	s5 =	sadd.s32 s21, s3  }
0x9d: {  	[timem:s7], [sflag:s22] =	dma.local [hbm:s5], s20  }
0x9e: {  	_ =	swait.ge [sflag:s22], s20  }
0x9f: {  	s4 =	ssub.s32 $0x0, s20;
	[sflag:s22] =	ssyncset.done $0x0  }
0xa0: {  	[sflag:s22] =	ssyncadd.s32 s4;
	_ =	sdelay $0x1  }
0xa1: {  	s23 =	simm.s32 $0x1B8B  }
0xa2: {  	_ =	swait.ge [sflag:s23], $0x1  }
0xa3: {  	[sflag:s23] =	ssyncset.done $0x0  }
0xa4: {  	s25 =	simm.s32 $0x1B8E;
	s24 =	sld [smem:$0x3FFE];
	[sflag:s23] =	ssyncadd.s32 $0xFFFFFFFF  }
0xa5: {  	s26 =	simm.s32 $execute0_lowered;
	[smem:$0x3FD2] =	sst s25  }
0xa6: {  	s5 =	sshll.u32 s26, $0x1;
	_ =	strace $0x80000049;
	[dreg:$0x1] =	wrdreg $0xFFFFFFFF  }
0xa7: {  	s28 =	simm.s32 $_size_execute0_lowered;
	s3 =	sadd.s32 s3, s5;
	[dreg:$0x0] =	wrdreg $0x0  }
0xa8: {  	s5 =	sshll.u32 s28, $0x1;
	[dreg:$0x2] =	wrdreg s3  }
0xa9: {  	[dreg:$0x3] =	wrdreg s5  }
0xaa: {  	[dreg:$0x4] =	wrdreg $0xC0  }
0xab: {  	_ =	task [dreg:s7], $0x5FFFF  }
0xac: {  	[dreg:$0x1] =	wrdreg $0xFFFFFFFF  }
0xad: {  	[dreg:$0x0] =	wrdreg $0x60  }
0xae: {  	[dreg:$0x2] =	wrdreg s2  }
0xaf: {  	[dreg:$0x3] =	wrdreg s24  }
0xb0: {  	[dreg:$0x4] =	wrdreg $0x0  }
0xb1: {  	[dreg:$0x5] =	wrdreg $0x9  }
0xb2: {  	_ =	task.clear_ibuf [dreg:s7], $0x6FFFF;
	_ =	strace $0x90000049  }
0xb3: {  	s29 =	simm.s32 $0x9;
	_ =	strace $0x8000004B  }
0xb4: {  	_ =	swait.ge [sflag:s29], $0x1  }
0xb5: {  	[sflag:s29] =	ssyncadd.s32 $0xFFFFFFFF  }
0xb6: {  	_ =	strace $0x9000004B  }
0xb7: {  	_ =	sfence  }
0xb8: {  	s30 =	sld [smem:$0x0];
	_ =	sdelay $0x2  }
0xb9: {  	s31 =	sshll.u32 s1, $0xD;
	s1 =	sshrl.u32 s1, $0x2  }
0xba: {  	s3 =	sand.u32 $0x4000, s31;
	s1 =	sadd.s32 s1, s30  }
0xbb: {  	s0 =	sor.u32 s3, s0;
	s1 =	sshll.u32 s1, $0x11  }
0xbc: {  	s0 =	sor.u32 s1, s0  }
0xbd: {  	s0 =	sadd.s32 $0x8F2B, s0  }
0xbe: {  	[sflag:s0] =	ssyncadd.remote.s32 $0x1  }
0xbf: {  	_ =	sfence.sel $0xFFFF  }
0xc0: {  	[dreg:$0x0] =	wrdreg $0xFFFFFFFF;
	(pc) =	sbr.abs _section_cstart, $3  }
0xc1: {  	[dreg:$0x1] =	wrdreg $0xFFFFFFFF  }
0xc2: {  	_ =	task.clear_ibuf [dreg:s7], $0x2FFFF;
	_ =	strace $0x9FFFFFFF  }
0xc3: {  	(tm) =	ssettm $0x7FFFFFFF  }
tec
execute0_lowered:
.L_overlay_start_1:
0x0: {  	(tag) =	ssettag $0x1  }
0x1: {  	s1 =	rddreg [dreg:$0x0]  }
0x2: {  	s0 =	rddreg [dreg:$0x1]  }
0x3: {  	s2 =	rddreg [dreg:$0x2];
	s4 =	simm.s32 $0x0  }
0x4: {  	s3 =	srdreg.scid;
	s13 =	stileid.u32;
	s28 =	simm.s32 $0x13A80  }
0x5: {  	s29 =	simm.s32 $0x13B00;
	s30 =	simm.s32 $0x18B80;
	s7 =	smul.u32 $0x2700, s13  }
0x6: {  	s31 =	simm.s32 $0x1;
	[smem:$0x7FF] =	sst s4;
	s9 =	smul.u32 $0x4E000, s13  }
0x7: {  	s3 =	sand.u32 $0x1, s3;
	s5 =	sadd.s32 $0xCA00, s0;
	s21 =	smul.u32 $0x2710, s13  }
0x8: {  	s23 =	sadd.s32 $0x3B100, s0;
	p0 =	seq.s32 s13, $0xF;
	_ =	strace $0x8000004A  }
0x9: {  	s6 =	sshll.u32 s3, $0x4;
	s10 =	ssub.s32 $0x2, s3;
	[dreg:$0x1c] =	wrdreg s5  }
0xa: {  	s19 =	smul.u32 $0x27100, s3;
	p4 =	seq.s32 s3, $0x1;
	[dreg:$0x10] =	wrdreg s23  }
0xb: {  	s8 =	sor.u32 s13, s6;
	s6 =	sadd.s32 $0x2C00, s0;
	s11 =	sadd.s32 s7, s0  }
0xc: {  	s25 =	sshrl.u32 s10, $0x1;
	s9 =	sshrl.u32 s9, $0x2;
	s0 =	sadd.s32 $0x62300, s0  }
0xd: {  	p2 =	seq.s32 @p4 s13, $0xF;
	p5 =	seq.s32 @!p4 s13, $0xF;
	s8 =	smul.u32 $0x2710, s8  }
0xe: {  	s10 =	ssub.s32 s10, s25;
	s22 =	sadd.s32 $0x16800, s11;
	[dreg:$0x12] =	wrdreg s0  }
0xf: {  	s7 =	sadd.s32 s9, s2;
	s24 =	sadd.s32 $0x3DA00, s11;
	[dreg:$0xf] =	wrdreg s22  }
0x10: {  	s25 =	sadd.s32 s21, s19;
	p1 =	por !p2, !p4;
	[dreg:$0x11] =	wrdreg s24  }
0x11: {  	p2 =	por p2, !p4;
	s19 =	sadd.s32 $0x12C000, s2;
	[dreg:$0x4] =	wrdreg s7  }
0x12: {  	p3 =	por !p5, p4;
	s21 =	sadd.s32 $0x131000, s2;
	[dreg:$0x1f] =	wrdreg s19  }
0x13: {  	p4 =	por p5, p4;
	s11 =	sadd.s32 $0x7800, s7;
	[smem:$0x7FB] =	sst s21  }
0x14: {  	s0 =	simm.s32 $0x4;
	s13 =	sadd.s32 $0xC800, s7;
	[dreg:$0x16] =	wrdreg s11  }
0x15: {  	s22 =	sadd.s32 $0x133800, s2;
	s8 =	sshrl.u32 s8, $0x3;
	[dreg:$0x18] =	wrdreg s13  }
0x16: {  	s3 =	sadd.s32 $0x190, s25;
	[smem:$0x7FC] =	sst s22;
	s26 =	sadd.s32 s5, s8  }
0x17: {  	s12 =	sadd.s32 s6, s8;
	s14 =	sadd.s32 $0xA, s8;
	[dreg:$0x5] =	wrdreg s26  }
0x18: {  	s19 =	simm.s32 $0x13900;
	[dreg:$0x6] =	wrdreg s12;
	s12 =	sadd.s32 s5, s14  }
0x19: {  	s15 =	sadd.s32 $0x14, s8;
	s9 =	sadd.s32 s6, s14;
	[dreg:$0x7] =	wrdreg s12  }
0x1a: {  	s17 =	sadd.s32 $0x1E, s8;
	s16 =	sadd.s32 s5, s15;
	[dreg:$0x8] =	wrdreg s9  }
0x1b: {  	s8 =	sadd.s32 $0x28, s8;
	s18 =	sadd.s32 s5, s17;
	[dreg:$0x9] =	wrdreg s16  }
0x1c: {  	s21 =	simm.s32 $0x13B80;
	s20 =	sadd.s32 s5, s8;
	[dreg:$0xb] =	wrdreg s18  }
0x1d: {  	s22 =	simm.s32 $0x13980;
	s8 =	sadd.s32 s6, s8;
	[dreg:$0xd] =	wrdreg s20  }
0x1e: {  	s11 =	simm.s32 $0x3;
	s26 =	smax.u32 s10, $0x1;
	[dreg:$0xe] =	wrdreg s8  }
0x1f: {  	s13 =	simm.s32 $0x0;
	s10 =	sadd.s32 $0x5000, s7;
	[dreg:$0x13] =	wrdreg s26  }
0x20: {  	s5 =	sadd.s32 $0x230, s25;
	s14 =	sadd.s32 $0xF000, s7;
	[dreg:$0x15] =	wrdreg s10  }
0x21: {  	s9 =	sadd.s32 s6, s15;
	s23 =	sshrl.u32 s5, $0x3;
	[dreg:$0x19] =	wrdreg s14  }
0x22: {  	s8 =	sadd.s32 $0x1E0, s25;
	s12 =	sadd.s32 $0xA000, s7;
	[dreg:$0xa] =	wrdreg s9  }
0x23: {  	s25 =	sshrl.u32 s3, $0x3;
	s15 =	sadd.s32 $0x11800, s7;
	[dreg:$0x17] =	wrdreg s12  }
0x24: {  	s16 =	sadd.s32 $0x124800, s2;
	s18 =	sadd.s32 $0x127000, s2;
	[dreg:$0x1a] =	wrdreg s15  }
0x25: {  	s20 =	sadd.s32 $0x12E800, s2;
	s26 =	sadd.s32 $0x136000, s2;
	[dreg:$0x1b] =	wrdreg s16  }
0x26: {  	s3 =	simm.s32 $0x13A00;
	s10 =	simm.s32 $0x5;
	[dreg:$0x1e] =	wrdreg s18  }
0x27: {  	s9 =	sadd.s32 s6, s17;
	s24 =	sshrl.u32 s8, $0x3;
	[smem:$0x7FA] =	sst s20  }
0x28: {  	s17 =	sadd.s32 $0x129800, s2;
	[smem:$0x7FD] =	sst s26;
	s18 =	simm.s32 $0x7  }
0x29: {  	s20 =	simm.s32 $0x50;
	s26 =	simm.s32 $0x16380;
	[dreg:$0xc] =	wrdreg s9  }
0x2a: {  	s8 =	simm.s32 $0x2;
	s9 =	sadd.s32 $0x2800, s7;
	[dreg:$0x1d] =	wrdreg s17  }
0x2b: {  	v0 =	vimm.f32 $0.0e+00;
	s12 =	simm.s32 $0x6;
	s17 =	simm.s32 $0x13880;
	[dreg:$0x14] =	wrdreg s9  }
.LBB2_1:
0x2c: {  	s14 =	sand.u32 $0xFE00, s4  }
0x2d: {  	s15 =	sand.u32 $0x70, s4;
	s16 =	sshrl.u32 s14, $0x2  }
0x2e: {  	s14 =	simm.s32 $0x40;
	s16 =	sor.u32 s15, s16;
	s15 =	simm.s32 $0x0  }
.LBB2_2:
0x2f: {  	p5 =	sne.s32 s14, $0x9FC0  }
0x30: {  	[tilespmem:s16+$0x13B80] =	vst v0;
	s15 =	sadd.s32 $0x10, s15;
	s16 =	smov.u32 s14;
	s14 =	sadd.s32 $0x40, s14  }
.Ltmp0:
0x31: {  	(pc) =	sbr.rel @p5 .LBB2_2-.Ltmp0, $4  }
0x32: {  	_ = 	snop  }
0x33: {  	s16 =	sand.u32 $0xFE00, s16  }
0x34: {  	s7 =	sand.u32 $0x70, s15;
	s16 =	sshrl.u32 s16, $0x2  }
0x35: {  	s16 =	sor.u32 s7, s16  }
0x36: {  	[tilespmem:s16+$0x13B80] =	vst v0;
	s7 =	simm.s32 @p0 $0x13B80;
	s9 =	rddreg [dreg:$0x1b];
	s14 =	simm.s32 @p0 $0x7  }
0x37: {  	[spmem:s9] =	stream.linear.scatter @p0 [tilespmem:s7], [sflag:$0x7], $0x2800, $0x38;
	[tilespmem:$0x1B380] =	vst v63  }
0x38: {  	_ =	swait.ge @p0 [sflag:s14], $0x2800  }
0x39: {  	[sflag:s14] =	ssyncset.done @p0 $0x0  }
0x3a: {  	s5 =	rddreg [dreg:$0x1e];
	[sflag:s14] =	ssyncadd.s32 @p0 $0xFFFFD800  }
0x3b: {  	[spmem:s5] =	stream.linear.scatter @p0 [tilespmem:s7], [sflag:$0x7], $0x2800, $0x38;
	[tilespmem:$0x1B380] =	vst v63  }
0x3c: {  	_ =	swait.ge @p0 [sflag:s14], $0x2800  }
0x3d: {  	[sflag:s14] =	ssyncset.done @p0 $0x0  }
0x3e: {  	s5 =	rddreg [dreg:$0x1d];
	[sflag:s14] =	ssyncadd.s32 @p0 $0xFFFFD800  }
0x3f: {  	[spmem:s5] =	stream.linear.scatter @p0 [tilespmem:s7], [sflag:$0x7], $0x2800, $0x38;
	[tilespmem:$0x1B380] =	vst v63  }
0x40: {  	_ =	swait.ge @p0 [sflag:s14], $0x2800  }
0x41: {  	[sflag:s14] =	ssyncset.done @p0 $0x0  }
0x42: {  	s5 =	rddreg [dreg:$0x1f];
	[sflag:s14] =	ssyncadd.s32 @p0 $0xFFFFD800  }
0x43: {  	[spmem:s5] =	stream.linear.scatter @p0 [tilespmem:s7], [sflag:$0x7], $0x2800, $0x38;
	[tilespmem:$0x1B380] =	vst v63  }
0x44: {  	_ =	swait.ge @p0 [sflag:s14], $0x2800  }
0x45: {  	s5 =	sld [smem:$0x7FA]  }
0x46: {  	[sflag:s14] =	ssyncset.done @p0 $0x0  }
0x47: {  	[sflag:s14] =	ssyncadd.s32 @p0 $0xFFFFD800  }
0x48: {  	[spmem:s5] =	stream.linear.scatter @p0 [tilespmem:s7], [sflag:$0x7], $0x2800, $0x38;
	[tilespmem:$0x1B380] =	vst v63  }
0x49: {  	_ =	swait.ge @p0 [sflag:s14], $0x2800  }
0x4a: {  	s5 =	sld [smem:$0x7FB]  }
0x4b: {  	[sflag:s14] =	ssyncset.done @p0 $0x0  }
0x4c: {  	[sflag:s14] =	ssyncadd.s32 @p0 $0xFFFFD800  }
0x4d: {  	[spmem:s5] =	stream.linear.scatter @p0 [tilespmem:s7], [sflag:$0x7], $0x2800, $0x38;
	[tilespmem:$0x1B380] =	vst v63  }
0x4e: {  	_ =	swait.ge @p0 [sflag:s14], $0x2800  }
0x4f: {  	s5 =	sld [smem:$0x7FC]  }
0x50: {  	[sflag:s14] =	ssyncset.done @p0 $0x0  }
0x51: {  	[sflag:s14] =	ssyncadd.s32 @p0 $0xFFFFD800  }
0x52: {  	[spmem:s5] =	stream.linear.scatter @p0 [tilespmem:s7], [sflag:$0x7], $0x2800, $0x38;
	[tilespmem:$0x1B380] =	vst v63  }
0x53: {  	_ =	swait.ge @p0 [sflag:s14], $0x2800  }
0x54: {  	s5 =	sld [smem:$0x7FD]  }
0x55: {  	[sflag:s14] =	ssyncset.done @p0 $0x0  }
0x56: {  	[sflag:s14] =	ssyncadd.s32 @p0 $0xFFFFD800  }
0x57: {  	[spmem:s5] =	stream.linear.scatter @p0 [tilespmem:s7], [sflag:$0x7], $0x2800, $0x38;
	[tilespmem:$0x1B380] =	vst v63  }
0x58: {  	_ =	swait.ge @p0 [sflag:s14], $0x2800  }
0x59: {  	[sflag:s14] =	ssyncset.done @p0 $0x0  }
0x5a: {  	s7 =	simm.s32 @!p0 $0x13B80;
	[sflag:s14] =	ssyncadd.s32 @p0 $0xFFFFD800;
	s14 =	rddreg [dreg:$0x4]  }
0x5b: {  	[spmem:s14] =	stream.linear.scatter @!p0 [tilespmem:s7], [sflag:$0x7], $0x2800, $0x38;
	[tilespmem:$0x1B380] =	vst v63  }
0x5c: {  	s14 =	simm.s32 @!p0 $0x7  }
0x5d: {  	_ =	swait.ge @!p0 [sflag:s14], $0x2800  }
0x5e: {  	[sflag:s14] =	ssyncset.done @!p0 $0x0  }
0x5f: {  	s9 =	rddreg [dreg:$0x14];
	[sflag:s14] =	ssyncadd.s32 @!p0 $0xFFFFD800  }
0x60: {  	[spmem:s9] =	stream.linear.scatter @!p0 [tilespmem:s7], [sflag:$0x7], $0x2800, $0x38;
	[tilespmem:$0x1B380] =	vst v63  }
0x61: {  	_ =	swait.ge @!p0 [sflag:s14], $0x2800  }
0x62: {  	[sflag:s14] =	ssyncset.done @!p0 $0x0  }
0x63: {  	s9 =	rddreg [dreg:$0x15];
	[sflag:s14] =	ssyncadd.s32 @!p0 $0xFFFFD800  }
0x64: {  	[spmem:s9] =	stream.linear.scatter @!p0 [tilespmem:s7], [sflag:$0x7], $0x2800, $0x38;
	[tilespmem:$0x1B380] =	vst v63  }
0x65: {  	_ =	swait.ge @!p0 [sflag:s14], $0x2800  }
0x66: {  	[sflag:s14] =	ssyncset.done @!p0 $0x0  }
0x67: {  	s9 =	rddreg [dreg:$0x16];
	[sflag:s14] =	ssyncadd.s32 @!p0 $0xFFFFD800  }
0x68: {  	[spmem:s9] =	stream.linear.scatter @!p0 [tilespmem:s7], [sflag:$0x7], $0x2800, $0x38;
	[tilespmem:$0x1B380] =	vst v63  }
0x69: {  	_ =	swait.ge @!p0 [sflag:s14], $0x2800  }
0x6a: {  	[sflag:s14] =	ssyncset.done @!p0 $0x0  }
0x6b: {  	s9 =	rddreg [dreg:$0x17];
	[sflag:s14] =	ssyncadd.s32 @!p0 $0xFFFFD800  }
0x6c: {  	[spmem:s9] =	stream.linear.scatter @!p0 [tilespmem:s7], [sflag:$0x7], $0x2800, $0x38;
	[tilespmem:$0x1B380] =	vst v63  }
0x6d: {  	_ =	swait.ge @!p0 [sflag:s14], $0x2800  }
0x6e: {  	[sflag:s14] =	ssyncset.done @!p0 $0x0  }
0x6f: {  	s9 =	rddreg [dreg:$0x18];
	[sflag:s14] =	ssyncadd.s32 @!p0 $0xFFFFD800  }
0x70: {  	[spmem:s9] =	stream.linear.scatter @!p0 [tilespmem:s7], [sflag:$0x7], $0x2800, $0x38;
	[tilespmem:$0x1B380] =	vst v63  }
0x71: {  	_ =	swait.ge @!p0 [sflag:s14], $0x2800  }
0x72: {  	[sflag:s14] =	ssyncset.done @!p0 $0x0  }
0x73: {  	s9 =	rddreg [dreg:$0x19];
	[sflag:s14] =	ssyncadd.s32 @!p0 $0xFFFFD800  }
0x74: {  	[spmem:s9] =	stream.linear.scatter @!p0 [tilespmem:s7], [sflag:$0x7], $0x2800, $0x38;
	[tilespmem:$0x1B380] =	vst v63  }
0x75: {  	_ =	swait.ge @!p0 [sflag:s14], $0x2800  }
0x76: {  	[sflag:s14] =	ssyncset.done @!p0 $0x0  }
0x77: {  	s9 =	rddreg [dreg:$0x1a];
	[sflag:s14] =	ssyncadd.s32 @!p0 $0xFFFFD800  }
0x78: {  	[spmem:s9] =	stream.linear.scatter @!p0 [tilespmem:s7], [sflag:$0x7], $0x2000, $0x38;
	[tilespmem:$0x1B380] =	vst v63  }
0x79: {  	_ =	swait.ge @!p0 [sflag:s14], $0x2000  }
0x7a: {  	[sflag:s14] =	ssyncset.done @!p0 $0x0  }
0x7b: {  	[sflag:s14] =	ssyncadd.s32 @!p0 $0xFFFFE000  }
0x7c: {  	[bflag:$0x0] =	sbarrier.arrive $0xFFFF  }
0x7d: {  	s15 =	rddreg [dreg:$0x5]  }
0x7e: {  	[tilespmem:s17], [sflag:$0x7] =	stream.linear.gather [hbm4b:s15+s4], $0x50, $0x38;
	[tilespmem:$0x1B380] =	vst v63  }
0x7f: {  	_ =	swait.ge [sflag:s18], $0x50  }
0x80: {  	[sflag:s18] =	ssyncset.done $0x0  }
0x81: {  	s16 =	rddreg [dreg:$0x6];
	[sflag:s18] =	ssyncadd.s32 $0xFFFFFFB0  }
0x82: {  	[tilespmem:s19], [sflag:$0x7] =	stream.linear.gather [hbm4b:s16+s4], $0x50, $0x38;
	[tilespmem:$0x1B380] =	vst v63  }
0x83: {  	_ =	swait.ge [sflag:s18], $0x50  }
0x84: {  	[sflag:s18] =	ssyncset.done $0x0  }
0x85: {  	[sflag:s18] =	ssyncadd.s32 $0xFFFFFFB0  }
0x86: {  	[tilespmem:s21], [sflag:$0x1] =	stream.indirect.gather [hbm4b:s1+s20], $0x80, s17, s20, $0xb8;
	[tilespmem:$0x1B380] =	vst v63  }
0x87: {  	s5 =	rddreg [dreg:$0x7]  }
0x88: {  	[tilespmem:s22], [sflag:$0x7] =	stream.linear.gather [hbm4b:s5+s4], $0x50, $0x38;
	[tilespmem:$0x1B380] =	vst v63  }
0x89: {  	_ =	swait.ge [sflag:s18], $0x50  }
0x8a: {  	[sflag:s18] =	ssyncset.done $0x0  }
0x8b: {  	s9 =	rddreg [dreg:$0x8];
	[sflag:s18] =	ssyncadd.s32 $0xFFFFFFB0  }
0x8c: {  	[tilespmem:s3], [sflag:$0x7] =	stream.linear.gather [hbm4b:s9+s4], $0x50, $0x38;
	[tilespmem:$0x1B380] =	vst v63  }
0x8d: {  	_ =	swait.ge [sflag:s18], $0x50  }
0x8e: {  	[sflag:s18] =	ssyncset.done $0x0  }
0x8f: {  	[sflag:s18] =	ssyncadd.s32 $0xFFFFFFB0  }
0x90: {  	[tilespmem:s26], [sflag:$0x2] =	stream.indirect.gather [hbm4b:s1+s20], $0x80, s22, s20, $0xb8;
	[tilespmem:$0x1B380] =	vst v63  }
0x91: {  	s14 =	rddreg [dreg:$0x9]  }
0x92: {  	[tilespmem:s28], [sflag:$0x7] =	stream.linear.gather [hbm4b:s14+s4], $0x50, $0x38;
	[tilespmem:$0x1B380] =	vst v63  }
0x93: {  	_ =	swait.ge [sflag:s18], $0x50  }
0x94: {  	[sflag:s18] =	ssyncset.done $0x0  }
0x95: {  	s15 =	rddreg [dreg:$0xa];
	[sflag:s18] =	ssyncadd.s32 $0xFFFFFFB0  }
0x96: {  	[tilespmem:s29], [sflag:$0x7] =	stream.linear.gather [hbm4b:s15+s4], $0x50, $0x38;
	[tilespmem:$0x1B380] =	vst v63  }
0x97: {  	_ =	swait.ge [sflag:s18], $0x50  }
0x98: {  	[sflag:s18] =	ssyncset.done $0x0  }
0x99: {  	[sflag:s18] =	ssyncadd.s32 $0xFFFFFFB0  }
0x9a: {  	[tilespmem:s30], [sflag:$0x3] =	stream.indirect.gather [hbm4b:s1+s20], $0x80, s28, s20, $0xb8;
	[tilespmem:$0x1B380] =	vst v63  }
0x9b: {  	_ =	swait.ge [sflag:s31], $0x2800  }
0x9c: {  	[sflag:s31] =	ssyncset.done $0x0  }
0x9d: {  	[sflag:s31] =	ssyncadd.s32 $0xFFFFD800  }
0x9e: {  	[spmem:s2] =	stream.indirect.scatter.add.f32 [tilespmem:s21], [sflag:$0x4], $0x80, s19, s20, $0xb8;
	[tilespmem:$0x1B380] =	vst v63  }
0x9f: {  	_ =	swait.ge [sflag:s0], $0x2800  }
0xa0: {  	[sflag:s0] =	ssyncset.done $0x0  }
0xa1: {  	s16 =	rddreg [dreg:$0xb];
	[sflag:s0] =	ssyncadd.s32 $0xFFFFD800  }
0xa2: {  	[tilespmem:s17], [sflag:$0x7] =	stream.linear.gather [hbm4b:s16+s4], $0x50, $0x38;
	[tilespmem:$0x1B380] =	vst v63  }
0xa3: {  	_ =	swait.ge [sflag:s18], $0x50  }
0xa4: {  	[sflag:s18] =	ssyncset.done $0x0  }
0xa5: {  	s5 =	rddreg [dreg:$0xc];
	[sflag:s18] =	ssyncadd.s32 $0xFFFFFFB0  }
0xa6: {  	[tilespmem:s19], [sflag:$0x7] =	stream.linear.gather [hbm4b:s5+s4], $0x50, $0x38;
	[tilespmem:$0x1B380] =	vst v63  }
0xa7: {  	_ =	swait.ge [sflag:s18], $0x50  }
0xa8: {  	[sflag:s18] =	ssyncset.done $0x0  }
0xa9: {  	[sflag:s18] =	ssyncadd.s32 $0xFFFFFFB0  }
0xaa: {  	[tilespmem:s21], [sflag:$0x1] =	stream.indirect.gather [hbm4b:s1+s20], $0x80, s17, s20, $0xb8;
	[tilespmem:$0x1B380] =	vst v63  }
0xab: {  	_ =	swait.ge [sflag:s8], $0x2800  }
0xac: {  	[sflag:s8] =	ssyncset.done $0x0  }
0xad: {  	[sflag:s8] =	ssyncadd.s32 $0xFFFFD800  }
0xae: {  	[spmem:s2] =	stream.indirect.scatter.add.f32 [tilespmem:s26], [sflag:$0x5], $0x80, s3, s20, $0xb8;
	[tilespmem:$0x1B380] =	vst v63  }
0xaf: {  	_ =	swait.ge [sflag:s10], $0x2800  }
0xb0: {  	[sflag:s10] =	ssyncset.done $0x0  }
0xb1: {  	s9 =	rddreg [dreg:$0xd];
	[sflag:s10] =	ssyncadd.s32 $0xFFFFD800  }
0xb2: {  	[tilespmem:s22], [sflag:$0x7] =	stream.linear.gather [hbm4b:s9+s4], $0x50, $0x38;
	[tilespmem:$0x1B380] =	vst v63  }
0xb3: {  	_ =	swait.ge [sflag:s18], $0x50  }
0xb4: {  	[sflag:s18] =	ssyncset.done $0x0  }
0xb5: {  	s14 =	rddreg [dreg:$0xe];
	[sflag:s18] =	ssyncadd.s32 $0xFFFFFFB0  }
0xb6: {  	[tilespmem:s3], [sflag:$0x7] =	stream.linear.gather [hbm4b:s14+s4], $0x50, $0x38;
	[tilespmem:$0x1B380] =	vst v63  }
0xb7: {  	_ =	swait.ge [sflag:s18], $0x50  }
0xb8: {  	[sflag:s18] =	ssyncset.done $0x0  }
0xb9: {  	[sflag:s18] =	ssyncadd.s32 $0xFFFFFFB0  }
0xba: {  	[tilespmem:s26], [sflag:$0x2] =	stream.indirect.gather [hbm4b:s1+s20], $0x80, s22, s20, $0xb8;
	[tilespmem:$0x1B380] =	vst v63  }
0xbb: {  	_ =	swait.ge [sflag:s11], $0x2800  }
0xbc: {  	[sflag:s11] =	ssyncset.done $0x0  }
0xbd: {  	[sflag:s11] =	ssyncadd.s32 $0xFFFFD800  }
0xbe: {  	[spmem:s2] =	stream.indirect.scatter.add.f32 [tilespmem:s30], [sflag:$0x6], $0x80, s29, s20, $0xb8;
	[tilespmem:$0x1B380] =	vst v63  }
0xbf: {  	_ =	swait.ge [sflag:s12], $0x2800  }
0xc0: {  	[sflag:s12] =	ssyncset.done $0x0;
	s5 =	rddreg [dreg:$0x1c]  }
0xc1: {  	[sflag:s12] =	ssyncadd.s32 $0xFFFFD800;
	s15 =	sadd.s32 s5, s25  }
0xc2: {  	[tilespmem:s28], [sflag:$0x7] =	stream.linear.gather [hbm4b:s15+s4], $0x50, $0x38;
	[tilespmem:$0x1B380] =	vst v63  }
0xc3: {  	_ =	swait.ge [sflag:s18], $0x50  }
0xc4: {  	[sflag:s18] =	ssyncset.done $0x0  }
0xc5: {  	s16 =	sadd.s32 s6, s25;
	[sflag:s18] =	ssyncadd.s32 $0xFFFFFFB0  }
0xc6: {  	[tilespmem:s29], [sflag:$0x7] =	stream.linear.gather [hbm4b:s16+s4], $0x50, $0x38;
	[tilespmem:$0x1B380] =	vst v63  }
0xc7: {  	_ =	swait.ge [sflag:s18], $0x50  }
0xc8: {  	[sflag:s18] =	ssyncset.done $0x0  }
0xc9: {  	[sflag:s18] =	ssyncadd.s32 $0xFFFFFFB0  }
0xca: {  	[tilespmem:s30], [sflag:$0x3] =	stream.indirect.gather [hbm4b:s1+s20], $0x80, s28, s20, $0xb8;
	[tilespmem:$0x1B380] =	vst v63  }
0xcb: {  	_ =	swait.ge [sflag:s31], $0x2800  }
0xcc: {  	[sflag:s31] =	ssyncset.done $0x0  }
0xcd: {  	[sflag:s31] =	ssyncadd.s32 $0xFFFFD800  }
0xce: {  	[spmem:s2] =	stream.indirect.scatter.add.f32 [tilespmem:s21], [sflag:$0x4], $0x80, s19, s20, $0xb8;
	[tilespmem:$0x1B380] =	vst v63  }
0xcf: {  	_ =	swait.ge [sflag:s0], $0x2800  }
0xd0: {  	[sflag:s0] =	ssyncset.done $0x0  }
0xd1: {  	s9 =	sadd.s32 s5, s24;
	[sflag:s0] =	ssyncadd.s32 $0xFFFFD800  }
0xd2: {  	[tilespmem:s17], [sflag:$0x7] =	stream.linear.gather [hbm4b:s9+s4], $0x50, $0x38;
	[tilespmem:$0x1B380] =	vst v63  }
0xd3: {  	_ =	swait.ge [sflag:s18], $0x50  }
0xd4: {  	[sflag:s18] =	ssyncset.done $0x0  }
0xd5: {  	s14 =	sadd.s32 s6, s24;
	[sflag:s18] =	ssyncadd.s32 $0xFFFFFFB0  }
0xd6: {  	[tilespmem:s19], [sflag:$0x7] =	stream.linear.gather [hbm4b:s14+s4], $0x50, $0x38;
	[tilespmem:$0x1B380] =	vst v63  }
0xd7: {  	_ =	swait.ge [sflag:s18], $0x50  }
0xd8: {  	[sflag:s18] =	ssyncset.done $0x0  }
0xd9: {  	[sflag:s18] =	ssyncadd.s32 $0xFFFFFFB0  }
0xda: {  	[tilespmem:s21], [sflag:$0x1] =	stream.indirect.gather [hbm4b:s1+s20], $0x80, s17, s20, $0xb8;
	[tilespmem:$0x1B380] =	vst v63  }
0xdb: {  	_ =	swait.ge [sflag:s8], $0x2800  }
0xdc: {  	[sflag:s8] =	ssyncset.done $0x0  }
0xdd: {  	[sflag:s8] =	ssyncadd.s32 $0xFFFFD800  }
0xde: {  	[spmem:s2] =	stream.indirect.scatter.add.f32 [tilespmem:s26], [sflag:$0x5], $0x80, s3, s20, $0xb8;
	[tilespmem:$0x1B380] =	vst v63  }
0xdf: {  	_ =	swait.ge [sflag:s10], $0x2800  }
0xe0: {  	[sflag:s10] =	ssyncset.done $0x0  }
0xe1: {  	s15 =	sadd.s32 s5, s23;
	[sflag:s10] =	ssyncadd.s32 $0xFFFFD800  }
0xe2: {  	[tilespmem:s22], [sflag:$0x7] =	stream.linear.gather [hbm4b:s15+s4], $0x50, $0x38;
	[tilespmem:$0x1B380] =	vst v63  }
0xe3: {  	_ =	swait.ge [sflag:s18], $0x50  }
0xe4: {  	[sflag:s18] =	ssyncset.done $0x0  }
0xe5: {  	s16 =	sadd.s32 s6, s23;
	[sflag:s18] =	ssyncadd.s32 $0xFFFFFFB0  }
0xe6: {  	[tilespmem:s3], [sflag:$0x7] =	stream.linear.gather [hbm4b:s16+s4], $0x50, $0x38;
	[tilespmem:$0x1B380] =	vst v63  }
0xe7: {  	_ =	swait.ge [sflag:s18], $0x50  }
0xe8: {  	[sflag:s18] =	ssyncset.done $0x0  }
0xe9: {  	[sflag:s18] =	ssyncadd.s32 $0xFFFFFFB0  }
0xea: {  	[tilespmem:s26], [sflag:$0x2] =	stream.indirect.gather [hbm4b:s1+s20], $0x80, s22, s20, $0xb8;
	[tilespmem:$0x1B380] =	vst v63  }
0xeb: {  	_ =	swait.ge [sflag:s11], $0x2800  }
0xec: {  	s14 =	simm.s32 $0x27;
	[sflag:s11] =	ssyncset.done $0x0  }
0xed: {  	s15 =	sadd.s32 $0x1E, s6;
	s16 =	sadd.s32 $0x1E, s5;
	[sflag:s11] =	ssyncadd.s32 $0xFFFFD800  }
.LBB2_4:
0xee: {  	[spmem:s2] =	stream.indirect.scatter.add.f32 [tilespmem:s30], [sflag:$0x6], $0x80, s29, s20, $0xb8;
	[tilespmem:$0x1B380] =	vst v63  }
0xef: {  	p5 =	sne.s32 s14, $0x1;
	s14 =	sadd.s32 $0xFFFFFFFF, s14;
	_ =	swait.ge [sflag:s12], $0x2800  }
0xf0: {  	[sflag:s12] =	ssyncset.done $0x0  }
0xf1: {  	s7 =	sadd.s32 s16, s25;
	[sflag:s12] =	ssyncadd.s32 $0xFFFFD800  }
0xf2: {  	[tilespmem:s28], [sflag:$0x7] =	stream.linear.gather [hbm4b:s7+s4], $0x50, $0x38;
	[tilespmem:$0x1B380] =	vst v63  }
0xf3: {  	_ =	swait.ge [sflag:s18], $0x50  }
0xf4: {  	[sflag:s18] =	ssyncset.done $0x0  }
0xf5: {  	s7 =	sadd.s32 s15, s25;
	[sflag:s18] =	ssyncadd.s32 $0xFFFFFFB0  }
0xf6: {  	[tilespmem:s29], [sflag:$0x7] =	stream.linear.gather [hbm4b:s7+s4], $0x50, $0x38;
	[tilespmem:$0x1B380] =	vst v63  }
0xf7: {  	_ =	swait.ge [sflag:s18], $0x50  }
0xf8: {  	[sflag:s18] =	ssyncset.done $0x0  }
0xf9: {  	[sflag:s18] =	ssyncadd.s32 $0xFFFFFFB0  }
0xfa: {  	[tilespmem:s30], [sflag:$0x3] =	stream.indirect.gather [hbm4b:s1+s20], $0x80, s28, s20, $0xb8;
	[tilespmem:$0x1B380] =	vst v63  }
0xfb: {  	_ =	swait.ge [sflag:s31], $0x2800  }
0xfc: {  	[sflag:s31] =	ssyncset.done $0x0  }
0xfd: {  	[sflag:s31] =	ssyncadd.s32 $0xFFFFD800  }
0xfe: {  	[spmem:s2] =	stream.indirect.scatter.add.f32 [tilespmem:s21], [sflag:$0x4], $0x80, s19, s20, $0xb8;
	[tilespmem:$0x1B380] =	vst v63  }
0xff: {  	_ =	swait.ge [sflag:s0], $0x2800  }
0x100: {  	[sflag:s0] =	ssyncset.done $0x0  }
0x101: {  	s7 =	sadd.s32 s16, s24;
	[sflag:s0] =	ssyncadd.s32 $0xFFFFD800  }
0x102: {  	[tilespmem:s17], [sflag:$0x7] =	stream.linear.gather [hbm4b:s7+s4], $0x50, $0x38;
	[tilespmem:$0x1B380] =	vst v63  }
0x103: {  	_ =	swait.ge [sflag:s18], $0x50  }
0x104: {  	[sflag:s18] =	ssyncset.done $0x0  }
0x105: {  	s7 =	sadd.s32 s15, s24;
	[sflag:s18] =	ssyncadd.s32 $0xFFFFFFB0  }
0x106: {  	[tilespmem:s19], [sflag:$0x7] =	stream.linear.gather [hbm4b:s7+s4], $0x50, $0x38;
	[tilespmem:$0x1B380] =	vst v63  }
0x107: {  	_ =	swait.ge [sflag:s18], $0x50  }
0x108: {  	[sflag:s18] =	ssyncset.done $0x0  }
0x109: {  	[sflag:s18] =	ssyncadd.s32 $0xFFFFFFB0  }
0x10a: {  	[tilespmem:s21], [sflag:$0x1] =	stream.indirect.gather [hbm4b:s1+s20], $0x80, s17, s20, $0xb8;
	[tilespmem:$0x1B380] =	vst v63  }
0x10b: {  	_ =	swait.ge [sflag:s8], $0x2800  }
0x10c: {  	[sflag:s8] =	ssyncset.done $0x0  }
0x10d: {  	[sflag:s8] =	ssyncadd.s32 $0xFFFFD800  }
0x10e: {  	[spmem:s2] =	stream.indirect.scatter.add.f32 [tilespmem:s26], [sflag:$0x5], $0x80, s3, s20, $0xb8;
	[tilespmem:$0x1B380] =	vst v63  }
0x10f: {  	_ =	swait.ge [sflag:s10], $0x2800  }
0x110: {  	[sflag:s10] =	ssyncset.done $0x0  }
0x111: {  	s7 =	sadd.s32 s16, s23;
	[sflag:s10] =	ssyncadd.s32 $0xFFFFD800  }
0x112: {  	[tilespmem:s22], [sflag:$0x7] =	stream.linear.gather [hbm4b:s7+s4], $0x50, $0x38;
	[tilespmem:$0x1B380] =	vst v63  }
0x113: {  	_ =	swait.ge [sflag:s18], $0x50  }
0x114: {  	[sflag:s18] =	ssyncset.done $0x0  }
0x115: {  	s7 =	sadd.s32 s15, s23;
	[sflag:s18] =	ssyncadd.s32 $0xFFFFFFB0  }
0x116: {  	[tilespmem:s3], [sflag:$0x7] =	stream.linear.gather [hbm4b:s7+s4], $0x50, $0x38;
	[tilespmem:$0x1B380] =	vst v63  }
0x117: {  	_ =	swait.ge [sflag:s18], $0x50  }
0x118: {  	[sflag:s18] =	ssyncset.done $0x0  }
.Ltmp1:
0x119: {  	[sflag:s18] =	ssyncadd.s32 $0xFFFFFFB0;
	(pc) =	sbr.rel @p5 .LBB2_4-.Ltmp1, $4  }
0x11a: {  	[tilespmem:s26], [sflag:$0x2] =	stream.indirect.gather [hbm4b:s1+s20], $0x80, s22, s20, $0xb8;
	[tilespmem:$0x1B380] =	vst v63  }
0x11b: {  	_ =	swait.ge [sflag:s11], $0x2800  }
0x11c: {  	[sflag:s11] =	ssyncset.done $0x0  }
0x11d: {  	s16 =	sadd.s32 $0x1E, s16;
	s15 =	sadd.s32 $0x1E, s15;
	[sflag:s11] =	ssyncadd.s32 $0xFFFFD800  }
0x11e: {  	[spmem:s2] =	stream.indirect.scatter.add.f32 [tilespmem:s30], [sflag:$0x6], $0x80, s29, s20, $0xb8;
	[tilespmem:$0x1B380] =	vst v63  }
0x11f: {  	_ =	swait.ge [sflag:s12], $0x2800  }
0x120: {  	[sflag:s12] =	ssyncset.done $0x0  }
0x121: {  	[sflag:s12] =	ssyncadd.s32 $0xFFFFD800  }
0x122: {  	_ =	swait.ge [sflag:s31], $0x2800  }
0x123: {  	[sflag:s31] =	ssyncset.done $0x0  }
0x124: {  	[sflag:s31] =	ssyncadd.s32 $0xFFFFD800  }
0x125: {  	[spmem:s2] =	stream.indirect.scatter.add.f32 [tilespmem:s21], [sflag:$0x4], $0x80, s19, s20, $0xb8;
	[tilespmem:$0x1B380] =	vst v63  }
0x126: {  	_ =	swait.ge [sflag:s0], $0x2800  }
0x127: {  	[sflag:s0] =	ssyncset.done $0x0  }
0x128: {  	[sflag:s0] =	ssyncadd.s32 $0xFFFFD800  }
0x129: {  	_ =	swait.ge [sflag:s8], $0x2800  }
0x12a: {  	[sflag:s8] =	ssyncset.done $0x0  }
0x12b: {  	[sflag:s8] =	ssyncadd.s32 $0xFFFFD800  }
0x12c: {  	[spmem:s2] =	stream.indirect.scatter.add.f32 [tilespmem:s26], [sflag:$0x5], $0x80, s3, s20, $0xb8;
	[tilespmem:$0x1B380] =	vst v63  }
0x12d: {  	_ =	swait.ge [sflag:s10], $0x2800  }
0x12e: {  	[sflag:s10] =	ssyncset.done $0x0  }
0x12f: {  	[sflag:s10] =	ssyncadd.s32 $0xFFFFD800  }
0x130: {  	[bflag:$0x0] =	sbarrier.arrive $0xFFFF  }
0x131: {  	s5 =	rddreg [dreg:$0x1b]  }
0x132: {  	s14 =	simm.s32 @!p1 $0x1FC7;
	s9 =	rddreg [dreg:$0x12];
	s7 =	sshrl.u32 @!p1 s5, $0x3  }
0x133: {  	[hbm:s9], [sflag:s14] =	dma.local @!p1 [spmem:s7], $0x2800  }
0x134: {  	s7 =	simm.s32 @!p1 $0x7  }
0x135: {  	_ =	swait.ge @!p1 [sflag:s7], $0x2800  }
0x136: {  	s16 =	stileid.u32;
	s9 =	rddreg [dreg:$0x4]  }
0x137: {  	s14 =	sshll.u32 @!p2 s16, $0x6;
	[sflag:s7] =	ssyncset.done @!p1 $0x0;
	s15 =	rddreg [dreg:$0x11]  }
0x138: {  	[sflag:s7] =	ssyncadd.s32 @!p1 $0xFFFFD800;
	s7 =	sor.u32 @!p2 $0x1C07, s14;
	s14 =	sshrl.u32 @!p2 s9, $0x3  }
0x139: {  	[hbm:s15], [sflag:s7] =	dma.local @!p2 [spmem:s14], $0x2700  }
0x13a: {  	s7 =	simm.s32 @!p2 $0x7  }
0x13b: {  	_ =	swait.ge @!p2 [sflag:s7], $0x2700  }
0x13c: {  	s14 =	simm.s32 @!p3 $0x1FC7;
	[sflag:s7] =	ssyncset.done @!p2 $0x0  }
0x13d: {  	s15 =	rddreg [dreg:$0x10];
	[sflag:s7] =	ssyncadd.s32 @!p2 $0xFFFFD900;
	s7 =	sshrl.u32 @!p3 s5, $0x3  }
0x13e: {  	[hbm:s15], [sflag:s14] =	dma.local @!p3 [spmem:s7], $0x2800  }
0x13f: {  	s7 =	simm.s32 @!p3 $0x7  }
0x140: {  	_ =	swait.ge @!p3 [sflag:s7], $0x2800  }
0x141: {  	[sflag:s7] =	ssyncset.done @!p3 $0x0  }
0x142: {  	s14 =	sshll.u32 @!p4 s16, $0x6;
	[sflag:s7] =	ssyncadd.s32 @!p3 $0xFFFFD800  }
0x143: {  	s7 =	sor.u32 @!p4 $0x1C07, s14;
	s14 =	sshrl.u32 @!p4 s9, $0x3;
	s9 =	rddreg [dreg:$0xf]  }
0x144: {  	[hbm:s9], [sflag:s7] =	dma.local @!p4 [spmem:s14], $0x2700  }
0x145: {  	s7 =	simm.s32 @!p4 $0x7  }
0x146: {  	_ =	swait.ge @!p4 [sflag:s7], $0x2700  }
0x147: {  	s13 =	sadd.s32 $0x1, s13;
	s16 =	rddreg [dreg:$0x13]  }
0x148: {  	p5 =	sne.s32 s13, s16  }
.Ltmp2:
0x149: {  	_ = 	snop;
	(pc) =	sbr.rel @p5 .LBB2_1-.Ltmp2, $3  }
0x14a: {  	_ =	sdelay $0x1  }
0x14b: {  	[sflag:s7] =	ssyncset.done @!p4 $0x0  }
0x14c: {  	s15 =	stileid.u32;
	[sflag:s7] =	ssyncadd.s32 @!p4 $0xFFFFD900  }
0x14d: {  	_ =	sfence.sel $0x180000  }
0x14e: {  	[bflag:$0x0] =	sbarrier.arrive $0xFFFF  }
0x14f: {  	_ =	strace $0x9000004A  }
0x150: {  	[bflag:$0x2] =	sbarrier.arrive $0xFFFF  }
0x151: {  	p0 =	sne.s32 s15, $0x0;
	s0 =	rddreg [dreg:$0x3]  }
0x152: {  	s0 =	sadd.s32 @!p0 $0x100000, s0  }
0x153: {  	[sflag:s0] =	ssyncadd.tile.s32 @!p0 $0x1;
	_ =	shalt  }
.Lfunc_end2:
_tile_overlayer_lowered:
.L_overlay_start_2:
0x154: {  	(tag) =	ssettag $0x2  }
0x155: {  	s0 =	rddreg [dreg:$0x0];
	s2 =	stileid.u32  }
0x156: {  	s1 =	rddreg [dreg:$0x1];
	p0 =	sne.s32 s2, $0x0  }
0x157: {  	s3 =	rddreg [dreg:$0x2];
	[bflag:$0x3] =	sbarrier.arrive $0xFFFF;
	s2 =	simm.s32 @!p0 $0x1C07  }
0x158: {  	[timem:s3], [sflag:s2] =	dma.local @!p0 [hbm:s0], s1  }
0x159: {  	s0 =	simm.s32 @!p0 $0x7  }
0x15a: {  	_ =	swait.ge @!p0 [sflag:s0], s1  }
0x15b: {  	s1 =	ssub.s32 @!p0 $0x0, s1;
	[sflag:s0] =	ssyncset.done @!p0 $0x0  }
0x15c: {  	[sflag:s0] =	ssyncadd.s32 @!p0 s1  }
0x15d: {  	[bflag:$0x3] =	sbarrier.arrive $0xFFFF  }
0x15e: {  	_ =	shalt  }

</sc_bundles>
